<compile_context>
chip_gen: v7x
topology: tpu7x:2x2x1
jax: 0.10.2.dev20260603
libtpu: 0.0.44.dev20260713+nightly
codegen_flags: <defaults>
</compile_context>

<pallas_src>
import functools

import jax
import jax.numpy as jnp
from jax import lax
from jax.experimental import pallas as pl
from jax.experimental.pallas import tpu as pltpu
from jax.experimental.pallas import tpu_sc as plsc

N_ITEMS = 8000
N_ATTRS = 2000
N_NODES = N_ITEMS + N_ATTRS
N_EDGES = 160000
IN_DIM = 512
EMBED_DIM = 256
HALF = EMBED_DIM // 2

NC = 2
NS = 16
CHUNK = 128

EROWS = 1280
E_PAD = EROWS * CHUNK - N_EDGES
TROWS = EROWS // NS
NCHUNK = TROWS
ACC_ROWS = N_NODES
ZROWS = 1000
GROWS = N_NODES + ZROWS

DEG_EDGES = EROWS * CHUNK
EPT_DEG = DEG_EDGES // (NC * NS)
DEG_N = EPT_DEG // CHUNK
DEG_ACC = N_NODES + 8

ROWS_PER_TILE = 624
ROWS_REM = N_NODES - NS * ROWS_PER_TILE
PAIRS = 4096
GPT = 2 * PAIRS // (NC * NS)

_sc_mesh = plsc.VectorSubcoreMesh(core_axis_name="c", subcore_axis_name="s")



def _dinv_of(deg_ref):
    return lax.rsqrt(deg_ref[:, 0] + deg_ref[:, 1] + 1.0)


def _encg_body(x_ref, w1_ref, b1_ref, w2_ref, b2_ref, wc_ref, deg_ref,
               o_ref, z_scr):
    i = pl.program_id(0)
    j = pl.program_id(1)

    @pl.when(j == 0)
    def _():
        h = jnp.dot(x_ref[...].astype(jnp.bfloat16),
                    w1_ref[...].astype(jnp.bfloat16),
                    preferred_element_type=jnp.float32)
        h = h + b1_ref[...]
        h = jnp.where(h > 0, h, jnp.exp(h) - 1.0)
        z_scr[...] = (
            jnp.dot(h.astype(jnp.bfloat16), w2_ref[...].astype(jnp.bfloat16),
                    preferred_element_type=jnp.float32)
            + b2_ref[...]
        )

    dinv = _dinv_of(deg_ref)
    h = jnp.dot(z_scr[...], wc_ref[...], preferred_element_type=jnp.float32)
    g = h * dinv[:, None]
    o_ref[0] = jnp.where(i < N_NODES // 1000, g, 0.0)


def _encg(x, w1, b1, w2, b2, wc, deg2):
    blk = 1000
    nreal = N_NODES // blk
    return pl.pallas_call(
        _encg_body,
        grid=(GROWS // blk, NC),
        in_specs=[
            pl.BlockSpec((blk, IN_DIM), lambda i, j: (jnp.minimum(i, nreal - 1), 0)),
            pl.BlockSpec((IN_DIM, IN_DIM), lambda i, j: (0, 0)),
            pl.BlockSpec((1, IN_DIM), lambda i, j: (0, 0)),
            pl.BlockSpec((IN_DIM, EMBED_DIM), lambda i, j: (0, 0)),
            pl.BlockSpec((1, EMBED_DIM), lambda i, j: (0, 0)),
            pl.BlockSpec((EMBED_DIM, HALF), lambda i, j: (0, j)),
            pl.BlockSpec((blk, NC), lambda i, j: (jnp.minimum(i, nreal - 1), 0)),
        ],
        out_specs=pl.BlockSpec((1, blk, HALF), lambda i, j: (j, i, 0)),
        out_shape=jax.ShapeDtypeStruct((NC, GROWS, HALF), jnp.float32),
        scratch_shapes=[pltpu.VMEM((blk, EMBED_DIM), jnp.float32)],
    )(x, w1, b1, w2, b2, wc, deg2)


def _mid_body(t0_ref, t1_ref, deg_ref, w_ref, b_ref, o_ref):
    i = pl.program_id(0)
    dinv = _dinv_of(deg_ref)
    t = jnp.concatenate([t0_ref[0], t1_ref[0]], axis=-1)
    a = t * dinv[:, None] + b_ref[...]
    r = jnp.maximum(a, 0.0)
    h = jnp.dot(r, w_ref[...], preferred_element_type=jnp.float32)
    g = h * dinv[:, None]
    o_ref[0] = jnp.where(i < N_NODES // 1000, g, 0.0)


def _mid(t, deg2, w, b):
    blk = 1000
    nreal = N_NODES // blk
    return pl.pallas_call(
        _mid_body,
        grid=(GROWS // blk, NC),
        in_specs=[
            pl.BlockSpec((1, blk, HALF), lambda i, j: (0, jnp.minimum(i, nreal - 1), 0)),
            pl.BlockSpec((1, blk, HALF), lambda i, j: (1, jnp.minimum(i, nreal - 1), 0)),
            pl.BlockSpec((blk, NC), lambda i, j: (jnp.minimum(i, nreal - 1), 0)),
            pl.BlockSpec((EMBED_DIM, HALF), lambda i, j: (0, j)),
            pl.BlockSpec((1, EMBED_DIM), lambda i, j: (0, 0)),
        ],
        out_specs=pl.BlockSpec((1, blk, HALF), lambda i, j: (j, i, 0)),
        out_shape=jax.ShapeDtypeStruct((NC, GROWS, HALF), jnp.float32),
    )(t, t, deg2, w, b)


def _final_body(t0_ref, t1_ref, deg_ref, b_ref, o_ref):
    dinv = _dinv_of(deg_ref)
    t = jnp.concatenate([t0_ref[0], t1_ref[0]], axis=-1)
    o_ref[...] = t * dinv[:, None] + b_ref[...]


def _final(t, deg2, b):
    blk = 1000
    return pl.pallas_call(
        _final_body,
        grid=(N_NODES // blk,),
        in_specs=[
            pl.BlockSpec((1, blk, HALF), lambda i: (0, i, 0)),
            pl.BlockSpec((1, blk, HALF), lambda i: (1, i, 0)),
            pl.BlockSpec((blk, NC), lambda i: (i, 0)),
            pl.BlockSpec((1, EMBED_DIM), lambda i: (0, 0)),
        ],
        out_specs=pl.BlockSpec((blk, EMBED_DIM), lambda i: (i, 0)),
        out_shape=jax.ShapeDtypeStruct((N_NODES, EMBED_DIM), jnp.float32),
    )(t, t, deg2, b)


def _loss_body(x_ref, y_ref, o_ref):
    i = pl.program_id(0)
    x = x_ref[...]
    y = y_ref[...]
    sx = jnp.sum(x * x, axis=1)
    sy = jnp.sum(y * y, axis=1)
    d = jnp.sum(x * y, axis=1)
    ix = 1.0 / jnp.maximum(jnp.sqrt(sx), 1e-12)
    iy = 1.0 / jnp.maximum(jnp.sqrt(sy), 1e-12)
    term = sx * ix * ix + sy * iy * iy - 2.0 * d * ix * iy
    p = (jnp.sum(term) * (1.0 / PAIRS)).reshape(1, 1)

    @pl.when(i == 0)
    def _():
        o_ref[...] = p

    @pl.when(i > 0)
    def _():
        o_ref[...] += p


def _loss(xy):
    blk = 512
    nblk = PAIRS // blk
    return pl.pallas_call(
        _loss_body,
        grid=(nblk,),
        in_specs=[
            pl.BlockSpec((blk, EMBED_DIM), lambda i: (i, 0)),
            pl.BlockSpec((blk, EMBED_DIM), lambda i: (i + nblk, 0)),
        ],
        out_specs=pl.BlockSpec((1, 1), lambda i: (0, 0)),
        out_shape=jax.ShapeDtypeStruct((1, 1), jnp.float32),
    )(xy, xy)



@functools.partial(
    pl.kernel,
    out_type=jax.ShapeDtypeStruct((NC * N_NODES,), jnp.float32),
    mesh=_sc_mesh,
    scratch_types=[
        pltpu.VMEM((CHUNK,), jnp.int32),
        pltpu.VMEM((CHUNK,), jnp.int32),
        pltpu.VMEM((CHUNK,), jnp.int32),
        pltpu.VMEM((CHUNK,), jnp.int32),
        pltpu.VMEM((CHUNK,), jnp.float32),
        pltpu.VMEM((DEG_ACC,), jnp.float32),
        pltpu.VMEM_SHARED((DEG_ACC,), jnp.float32),
        pltpu.SemaphoreType.DMA,
        pltpu.SemaphoreType.DMA,
        pltpu.SemaphoreType.DMA,
        pltpu.SemaphoreType.DMA,
        pltpu.SemaphoreType.DMA,
        pltpu.SemaphoreType.DMA,
    ],
)
def _deg_kernel(dst_hbm, zeros_hbm, ones_hbm, deg_out,
                i0, i1, i2, i3, ones_v, stage_v, acc_sh,
                s0, s1, s2, s3, c0, c1):
    c = lax.axis_index("c")
    s = lax.axis_index("s")
    base = (c * NS + s) * EPT_DEG
    ibufs = (i0, i1, i2, i3)
    isems = (s0, s1, s2, s3)
    csems = (c0, c1)

    @pl.when(s == 0)
    def _():
        pltpu.sync_copy(zeros_hbm, stage_v)
        pltpu.sync_copy(stage_v, acc_sh)

    pltpu.sync_copy(ones_hbm, ones_v)
    plsc.subcore_barrier()

    def _fire_idx(j, b):
        pltpu.async_copy(dst_hbm.at[pl.ds(base + j * CHUNK, CHUNK)], ibufs[b], isems[b])

    def _wait_idx(j, b):
        pltpu.make_async_copy(dst_hbm.at[pl.ds(base + j * CHUNK, CHUNK)], ibufs[b], isems[b]).wait()

    def _fire_scat(b):
        pltpu.async_copy(ones_v, acc_sh.at[ibufs[b]], csems[b % 2], add=True)

    def _wait_scat(b):
        pltpu.make_async_copy(ones_v, acc_sh.at[ibufs[b]], csems[b % 2]).wait()

    _fire_idx(0, 0)
    _fire_idx(1, 1)

    def body(m, carry):
        for b in range(4):
            j = 4 * m + b
            if b == 0:
                @pl.when(j > 0)
                def _():
                    _wait_scat(3)
            else:
                _wait_scat(b - 1)
            _wait_idx(j, b)
            _fire_scat(b)
            if b < 2:
                _fire_idx(j + 2, (b + 2) % 4)
            else:
                @pl.when(j + 2 < DEG_N)
                def _():
                    _fire_idx(j + 2, (b + 2) % 4)
        return carry

    lax.fori_loop(0, DEG_N // 4, body, 0)
    _wait_scat(3)
    plsc.subcore_barrier()

    @pl.when(s == 0)
    def _():
        pltpu.sync_copy(acc_sh, stage_v)
        pltpu.sync_copy(stage_v.at[pl.ds(0, N_NODES)],
                        deg_out.at[pl.ds(c * N_NODES, N_NODES)])


@functools.partial(
    pl.kernel,
    out_type=jax.ShapeDtypeStruct((NC, N_NODES, HALF), jnp.float32),
    mesh=_sc_mesh,
    scratch_types=[
        pltpu.VMEM((CHUNK,), jnp.int32),
        pltpu.VMEM((CHUNK,), jnp.int32),
        pltpu.VMEM((CHUNK,), jnp.int32),
        pltpu.VMEM((CHUNK,), jnp.int32),
        pltpu.VMEM((CHUNK,), jnp.int32),
        pltpu.VMEM((CHUNK,), jnp.int32),
        pltpu.VMEM((2, CHUNK, HALF), jnp.float32),
        pltpu.VMEM_SHARED((ACC_ROWS, HALF), jnp.float32),
        pltpu.SemaphoreType.DMA,
        pltpu.SemaphoreType.DMA,
        pltpu.SemaphoreType.DMA,
        pltpu.SemaphoreType.DMA,
        pltpu.SemaphoreType.DMA,
        pltpu.SemaphoreType.DMA,
        pltpu.SemaphoreType.DMA,
        pltpu.SemaphoreType.DMA,
        pltpu.SemaphoreType.DMA,
        pltpu.SemaphoreType.DMA,
    ],
)
def _agg_kernel(gflat_hbm, srcf_hbm, dst_hbm, t_out,
                sidx0, sidx1, didx0, didx1, didx2, didx3, rows_v, acc_sh,
                ss0, ss1, ds0, ds1, ds2, ds3, rs0, rs1, cs0, cs1):
    c = lax.axis_index("c")
    s = lax.axis_index("s")
    rbase = s * ROWS_PER_TILE
    pltpu.sync_copy(
        gflat_hbm.at[pl.ds(c * GROWS + rbase, ROWS_PER_TILE)],
        acc_sh.at[pl.ds(rbase, ROWS_PER_TILE)],
    )

    @pl.when(s == 0)
    def _():
        pltpu.sync_copy(
            gflat_hbm.at[pl.ds(c * GROWS + NS * ROWS_PER_TILE, ROWS_REM)],
            acc_sh.at[pl.ds(NS * ROWS_PER_TILE, ROWS_REM)],
        )

    plsc.subcore_barrier()

    sbufs = (sidx0, sidx1)
    ssems = (ss0, ss1)
    dbufs = (didx0, didx1, didx2, didx3)
    dsems = (ds0, ds1, ds2, ds3)
    rsems = (rs0, rs1)
    csems = (cs0, cs1)
    sbase = c * EROWS * CHUNK + s * NCHUNK * CHUNK
    dbase = s * NCHUNK * CHUNK

    def _fire_is(j, b):
        pltpu.async_copy(srcf_hbm.at[pl.ds(sbase + j * CHUNK, CHUNK)], sbufs[b], ssems[b])

    def _wait_is(j, b):
        pltpu.make_async_copy(srcf_hbm.at[pl.ds(sbase + j * CHUNK, CHUNK)], sbufs[b], ssems[b]).wait()

    def _fire_id(j, b):
        pltpu.async_copy(dst_hbm.at[pl.ds(dbase + j * CHUNK, CHUNK)], dbufs[b], dsems[b])

    def _wait_id(j, b):
        pltpu.make_async_copy(dst_hbm.at[pl.ds(dbase + j * CHUNK, CHUNK)], dbufs[b], dsems[b]).wait()

    def _fire_row(rb):
        pltpu.async_copy(gflat_hbm.at[sbufs[rb]], rows_v.at[rb], rsems[rb])

    def _wait_row(rb):
        pltpu.make_async_copy(gflat_hbm.at[sbufs[rb]], rows_v.at[rb], rsems[rb]).wait()

    def _fire_scat(rb, db):
        pltpu.async_copy(rows_v.at[rb], acc_sh.at[dbufs[db]], csems[rb], add=True)

    def _wait_scat(rb, db):
        pltpu.make_async_copy(rows_v.at[rb], acc_sh.at[dbufs[db]], csems[rb]).wait()

    _fire_is(0, 0)
    _fire_id(0, 0)
    _fire_is(1, 1)
    _fire_id(1, 1)
    _wait_is(0, 0)
    _fire_row(0)

    def body(m, carry):
        for b in range(4):
            j = 4 * m + b
            rb = b % 2
            _wait_row(rb)
            if b == 0:
                @pl.when(j > 0)
                def _():
                    _wait_scat(1 - rb, 3)
            else:
                _wait_scat(1 - rb, b - 1)
            if b == 3:
                @pl.when(j + 1 < NCHUNK)
                def _():
                    _wait_is(j + 1, 1 - rb)
                    _fire_row(1 - rb)
            else:
                _wait_is(j + 1, 1 - rb)
                _fire_row(1 - rb)
            _wait_id(j, b)
            _fire_scat(rb, b)
            if b < 2:
                _fire_is(j + 2, rb)
                _fire_id(j + 2, (b + 2) % 4)
            else:
                @pl.when(j + 2 < NCHUNK)
                def _():
                    _fire_is(j + 2, rb)
                    _fire_id(j + 2, (b + 2) % 4)
        return carry

    lax.fori_loop(0, NCHUNK // 4, body, 0)
    _wait_scat(1, 3)
    plsc.subcore_barrier()
    pltpu.sync_copy(
        acc_sh.at[pl.ds(rbase, ROWS_PER_TILE)],
        t_out.at[c, pl.ds(rbase, ROWS_PER_TILE)],
    )

    @pl.when(s == 0)
    def _():
        pltpu.sync_copy(
            acc_sh.at[pl.ds(NS * ROWS_PER_TILE, ROWS_REM)],
            t_out.at[c, pl.ds(NS * ROWS_PER_TILE, ROWS_REM)],
        )


@functools.partial(
    pl.kernel,
    out_type=jax.ShapeDtypeStruct((2 * PAIRS, EMBED_DIM), jnp.float32),
    mesh=_sc_mesh,
    scratch_types=[
        pltpu.VMEM((CHUNK,), jnp.int32),
        pltpu.VMEM((CHUNK, EMBED_DIM), jnp.float32),
    ],
)
def _pair_gather(emb_hbm, idx_hbm, out_hbm, idx_v, rows_v):
    c = lax.axis_index("c")
    s = lax.axis_index("s")
    w = c * NS + s

    def body(k, carry):
        b = w * GPT + k * CHUNK
        pltpu.sync_copy(idx_hbm.at[pl.ds(b, CHUNK)], idx_v)
        pltpu.sync_copy(emb_hbm.at[idx_v], rows_v)
        pltpu.sync_copy(rows_v, out_hbm.at[pl.ds(b, CHUNK)])
        return carry

    lax.fori_loop(0, GPT // CHUNK, body, 0)



def kernel(inputs, edge_index, item_emb, attr_emb,
           enc_W1, enc_b1, enc_W2, enc_b2,
           conv1_W, conv1_b, conv2_W, conv2_b):
    x = jnp.concatenate([item_emb, attr_emb], axis=0)
    pad_ids = jnp.arange(E_PAD, dtype=jnp.int32)
    src = jnp.concatenate(
        [edge_index[0].astype(jnp.int32), N_NODES + pad_ids % ZROWS])
    dst = jnp.concatenate(
        [edge_index[1].astype(jnp.int32), (pad_ids * 13) % N_NODES])
    dstdeg = jnp.concatenate(
        [edge_index[1].astype(jnp.int32), N_NODES + pad_ids % 8])
    src2 = jnp.concatenate([src, src + GROWS])
    idx_pairs = jnp.transpose(inputs).reshape(-1).astype(jnp.int32)
    zeros = jnp.zeros((DEG_ACC,), jnp.float32)
    ones = jnp.ones((CHUNK,), jnp.float32)

    deg2 = _deg_kernel(dstdeg, zeros, ones).reshape(NC, N_NODES).T
    g1 = _encg(x, enc_W1, enc_b1.reshape(1, -1), enc_W2, enc_b2.reshape(1, -1),
               conv1_W, deg2)
    t1 = _agg_kernel(g1.reshape(NC * GROWS, HALF), src2, dst)
    g2 = _mid(t1, deg2, conv2_W, conv1_b.reshape(1, -1))
    t2 = _agg_kernel(g2.reshape(NC * GROWS, HALF), src2, dst)
    emb = _final(t2, deg2, conv2_b.reshape(1, -1))
    xy = _pair_gather(emb, idx_pairs)
    loss = _loss(xy)[0, 0]
    return (loss, emb)

# --- scband reference (transcript-rebuilt; emitter-appended) ---
"""Pipeline reference for scband-task1-51857435132122 (READ-ONLY COPY).

The authoritative reference and input builder live on the scoring server;
editing this copy changes nothing except your own understanding.
"""

import jax, jax.numpy as jnp
import numpy as np

N_ITEMS = 8000
N_ATTRS = 2000
N_NODES = N_ITEMS + N_ATTRS
N_EDGES = 160000
IN_DIM = 512
EMBED_DIM = 256


def setup_inputs(seed: int = 0) -> dict:
    key = jax.random.key(seed)
    ks = jax.random.split(key, 12)
    inp = {}
    inp["inputs"] = jax.random.randint(ks[0], (4096, 2), 0, N_NODES, dtype=jnp.int64 if jax.config.jax_enable_x64 else jnp.int32)
    inp["edge_index"] = jax.random.randint(ks[1], (2, N_EDGES), 0, N_NODES, dtype=jnp.int64 if jax.config.jax_enable_x64 else jnp.int32)
    # learned parameters
    inp["item_emb"] = jax.random.normal(ks[2], (N_ITEMS, IN_DIM), dtype=jnp.float32)
    inp["attr_emb"] = jax.random.normal(ks[3], (N_ATTRS, IN_DIM), dtype=jnp.float32)
    # encoder: Linear(512,512) -> ELU -> Linear(512,256), xavier-uniform init, bias=0.01
    lim1 = np.sqrt(6.0 / (IN_DIM + IN_DIM))
    inp["enc_W1"] = jax.random.uniform(ks[4], (IN_DIM, IN_DIM), minval=-lim1, maxval=lim1, dtype=jnp.float32)
    inp["enc_b1"] = jnp.full((IN_DIM,), 0.01, dtype=jnp.float32)
    lim2 = np.sqrt(6.0 / (IN_DIM + EMBED_DIM))
    inp["enc_W2"] = jax.random.uniform(ks[5], (IN_DIM, EMBED_DIM), minval=-lim2, maxval=lim2, dtype=jnp.float32)
    inp["enc_b2"] = jnp.full((EMBED_DIM,), 0.01, dtype=jnp.float32)
    # two GCNConv layers (embed_dim -> embed_dim)
    lim3 = np.sqrt(6.0 / (EMBED_DIM + EMBED_DIM))
    inp["conv1_W"] = jax.random.uniform(ks[6], (EMBED_DIM, EMBED_DIM), minval=-lim3, maxval=lim3, dtype=jnp.float32)
    inp["conv1_b"] = jnp.zeros((EMBED_DIM,), dtype=jnp.float32)
    inp["conv2_W"] = jax.random.uniform(ks[7], (EMBED_DIM, EMBED_DIM), minval=-lim3, maxval=lim3, dtype=jnp.float32)
    inp["conv2_b"] = jnp.zeros((EMBED_DIM,), dtype=jnp.float32)
    return inp


def _gcn_conv(x, edge_index, W, b, num_nodes):
    # PyG GCNConv: x' = D^-1/2 (A+I) D^-1/2 (x @ W) + b
    src = edge_index[0]
    dst = edge_index[1]
    loop = jnp.arange(num_nodes, dtype=src.dtype)
    src = jnp.concatenate([src, loop])
    dst = jnp.concatenate([dst, loop])
    h = x @ W
    ones = jnp.ones(dst.shape[0], dtype=h.dtype)
    deg = jax.ops.segment_sum(ones, dst, num_segments=num_nodes)
    deg_inv_sqrt = jnp.where(deg > 0, deg ** -0.5, 0.0)
    norm = deg_inv_sqrt[src] * deg_inv_sqrt[dst]
    msg = h[src] * norm[:, None]
    out = jax.ops.segment_sum(msg, dst, num_segments=num_nodes)
    return out + b


def _normalize(v, axis=-1, eps=1e-12):
    n = jnp.linalg.norm(v, axis=axis, keepdims=True)
    return v / jnp.maximum(n, eps)


def reference(inputs, edge_index, item_emb, attr_emb, enc_W1, enc_b1, enc_W2, enc_b2, conv1_W, conv1_b, conv2_W, conv2_b):
    # encoder (shared MLP) on items and attrs
    def enc(z):
        h = z @ enc_W1 + enc_b1
        h = jax.nn.elu(h)
        return h @ enc_W2 + enc_b2
    node_embedding = jnp.concatenate([enc(item_emb), enc(attr_emb)], axis=0)
    # conv_layers == 2 path (eval mode: dropout is identity, perturb=False)
    h = _gcn_conv(node_embedding, edge_index, conv1_W, conv1_b, N_NODES)
    h = jax.nn.relu(h)
    embeddings = _gcn_conv(h, edge_index, conv2_W, conv2_b, N_NODES)
    x = embeddings[inputs[:, 0]]
    y = embeddings[inputs[:, 1]]
    x = _normalize(x, axis=-1)
    y = _normalize(y, axis=-1)
    loss = jnp.mean(jnp.sum((x - y) ** 2, axis=1))
    return (loss, embeddings)

if __name__ == "__main__":
    import jax
    _d = setup_inputs()
    print(jax.jit(kernel)(*tuple(_d.values())))

</pallas_src>

<mosaic_0001>
#map = affine_map<(d0, d1) -> (0, 0)>
#map1 = affine_map<(d0, d1) -> (0)>
module attributes {stable_mosaic.version = 14 : i64} {
  func.func @_pair_gather(%arg0: i32, %arg1: i32, %arg2: memref<10000x256xf32, #tpu.memory_space<hbm>>, %arg3: memref<8192xi32, #tpu.memory_space<hbm>>, %arg4: memref<8192x256xf32, #tpu.memory_space<hbm>>, %arg5: memref<128xi32, #tpu.memory_space<vmem>>, %arg6: memref<128x256xf32, #tpu.memory_space<vmem>>) attributes {dimension_semantics = [#tpu.dimension_semantics<core_parallel>, #tpu.dimension_semantics<subcore_parallel>], iteration_bounds = array<i64: 2, 16>, scalar_prefetch = 0 : i64, scratch_operands = 2 : i64, tpu.core_type = #tpu.core_type<sc_vector_subcore>, window_params = [{transform_indices = #map}, {transform_indices = #map1}, {transform_indices = #map}]} {
    %mul3A = arith.constant 16 : i32
    %mul3A_0 = arith.muli %arg0, %mul3A : i32
    %add3A = arith.addi %mul3A_0, %arg1 : i32
    %scan3A = arith.constant 0 : i32
    %scan3A_1 = arith.constant 0 : i32
    %scan3A_2 = arith.constant 2 : i32
    %scan3A_3 = arith.addi %scan3A_1, %scan3A_2 : i32
    %scan3A_4 = arith.constant 1 : i32
    scf.for %scan3A_6 = %scan3A_1 to %scan3A_3 step %scan3A_4  : i32 {
      %mul3A_7 = arith.constant 256 : i32
      %mul3A_8 = arith.muli %add3A, %mul3A_7 : i32
      %mul3A_9 = arith.constant 128 : i32
      %mul3A_10 = arith.muli %scan3A_6, %mul3A_9 : i32
      %add3A_11 = arith.addi %mul3A_8, %mul3A_10 : i32
      "tpu.region"() ({
        %run_scoped3A = tpu.sem_alloc : memref<!tpu.dma_semaphore, #tpu.memory_space<semaphore_mem>>
        %dma_start3A = tpu.memref_slice %arg3[%add3A_11] : memref<8192xi32, #tpu.memory_space<hbm>> -> memref<128xi32, #tpu.memory_space<hbm>>
        %dma_start3A_12 = tpu.memref_slice %arg3[%add3A_11] : memref<8192xi32, #tpu.memory_space<hbm>> -> memref<128xi32, #tpu.memory_space<hbm>>
        tpu.enqueue_dma source(%dma_start3A_12 : memref<128xi32, #tpu.memory_space<hbm>>) target(%arg5 : memref<128xi32, #tpu.memory_space<vmem>>) target_semaphore(%run_scoped3A : memref<!tpu.dma_semaphore, #tpu.memory_space<semaphore_mem>>)
        %dma_wait3A = tpu.memref_slice %arg3[%add3A_11] : memref<8192xi32, #tpu.memory_space<hbm>> -> memref<128xi32, #tpu.memory_space<hbm>>
        %dma_wait3A_13 = tpu.memref_slice %arg3[%add3A_11] : memref<8192xi32, #tpu.memory_space<hbm>> -> memref<128xi32, #tpu.memory_space<hbm>>
        tpu.wait_dma2 semaphore(%run_scoped3A : memref<!tpu.dma_semaphore, #tpu.memory_space<semaphore_mem>>) src(%dma_wait3A_13 : memref<128xi32, #tpu.memory_space<hbm>>) dst(%arg5 : memref<128xi32, #tpu.memory_space<vmem>>)
        tpu.yield
      }) : () -> ()
      "tpu.region"() ({
        %run_scoped3A = tpu.sem_alloc : memref<!tpu.dma_semaphore, #tpu.memory_space<semaphore_mem>>
        %dma_start3A = arith.constant 0 : i32
        %dma_start3A_12 = arith.constant 0 : i32
        %dma_start3A_13 = tpu.memref_slice %arg2[%dma_start3A, %dma_start3A_12] : memref<10000x256xf32, #tpu.memory_space<hbm>> -> memref<10000x256xf32, #tpu.memory_space<hbm>>
        tpu.enqueue_indirect_dma source(%dma_start3A_13 : memref<10000x256xf32, #tpu.memory_space<hbm>>) target(%arg6 : memref<128x256xf32, #tpu.memory_space<vmem>>) offsets(%arg5 : memref<128xi32, #tpu.memory_space<vmem>>) semaphore(%run_scoped3A : memref<!tpu.dma_semaphore, #tpu.memory_space<semaphore_mem>>)
        %dma_wait3A = arith.constant 0 : i32
        %dma_wait3A_14 = arith.constant 0 : i32
        %dma_wait3A_15 = tpu.memref_slice %arg2[%dma_wait3A, %dma_wait3A_14] : memref<10000x256xf32, #tpu.memory_space<hbm>> -> memref<10000x256xf32, #tpu.memory_space<hbm>>
        tpu.wait_indirect_dma semaphore(%run_scoped3A : memref<!tpu.dma_semaphore, #tpu.memory_space<semaphore_mem>>) src(%dma_wait3A_15 : memref<10000x256xf32, #tpu.memory_space<hbm>>) dst(%arg6 : memref<128x256xf32, #tpu.memory_space<vmem>>)
        tpu.yield
      }) : () -> ()
      "tpu.region"() ({
        %run_scoped3A = tpu.sem_alloc : memref<!tpu.dma_semaphore, #tpu.memory_space<semaphore_mem>>
        %dma_start3A = arith.constant 0 : i32
        %dma_start3A_12 = tpu.memref_slice %arg4[%add3A_11, %dma_start3A] : memref<8192x256xf32, #tpu.memory_space<hbm>> -> memref<128x256xf32, #tpu.memory_space<hbm>>
        %dma_start3A_13 = arith.constant 0 : i32
        %dma_start3A_14 = tpu.memref_slice %arg4[%add3A_11, %dma_start3A_13] : memref<8192x256xf32, #tpu.memory_space<hbm>> -> memref<128x256xf32, #tpu.memory_space<hbm>>
        tpu.enqueue_dma source(%arg6 : memref<128x256xf32, #tpu.memory_space<vmem>>) target(%dma_start3A_14 : memref<128x256xf32, #tpu.memory_space<hbm>>) target_semaphore(%run_scoped3A : memref<!tpu.dma_semaphore, #tpu.memory_space<semaphore_mem>>)
        %dma_wait3A = arith.constant 0 : i32
        %dma_wait3A_15 = tpu.memref_slice %arg4[%add3A_11, %dma_wait3A] : memref<8192x256xf32, #tpu.memory_space<hbm>> -> memref<128x256xf32, #tpu.memory_space<hbm>>
        %dma_wait3A_16 = arith.constant 0 : i32
        %dma_wait3A_17 = tpu.memref_slice %arg4[%add3A_11, %dma_wait3A_16] : memref<8192x256xf32, #tpu.memory_space<hbm>> -> memref<128x256xf32, #tpu.memory_space<hbm>>
        tpu.wait_dma2 semaphore(%run_scoped3A : memref<!tpu.dma_semaphore, #tpu.memory_space<semaphore_mem>>) src(%arg6 : memref<128x256xf32, #tpu.memory_space<vmem>>) dst(%dma_wait3A_17 : memref<128x256xf32, #tpu.memory_space<hbm>>)
        tpu.yield
      }) : () -> ()
    }
    %scan3A_5 = arith.constant 2 : i32
    return
  }
}

#map = affine_map<(d0, d1) -> (0)>
module attributes {stable_mosaic.version = 14 : i64} {
  func.func @_deg_kernel(%arg0: i32, %arg1: i32, %arg2: memref<163840xi32, #tpu.memory_space<hbm>>, %arg3: memref<10008xf32, #tpu.memory_space<hbm>>, %arg4: memref<128xf32, #tpu.memory_space<hbm>>, %arg5: memref<20000xf32, #tpu.memory_space<hbm>>, %arg6: memref<128xi32, #tpu.memory_space<vmem>>, %arg7: memref<128xi32, #tpu.memory_space<vmem>>, %arg8: memref<128xi32, #tpu.memory_space<vmem>>, %arg9: memref<128xi32, #tpu.memory_space<vmem>>, %arg10: memref<128xf32, #tpu.memory_space<vmem>>, %arg11: memref<10008xf32, #tpu.memory_space<vmem>>, %arg12: memref<10008xf32, #tpu.memory_space<vmem_shared>>, %arg13: memref<!tpu.dma_semaphore, #tpu.memory_space<semaphore_mem>>, %arg14: memref<!tpu.dma_semaphore, #tpu.memory_space<semaphore_mem>>, %arg15: memref<!tpu.dma_semaphore, #tpu.memory_space<semaphore_mem>>, %arg16: memref<!tpu.dma_semaphore, #tpu.memory_space<semaphore_mem>>, %arg17: memref<!tpu.dma_semaphore, #tpu.memory_space<semaphore_mem>>, %arg18: memref<!tpu.dma_semaphore, #tpu.memory_space<semaphore_mem>>) attributes {dimension_semantics = [#tpu.dimension_semantics<core_parallel>, #tpu.dimension_semantics<subcore_parallel>], iteration_bounds = array<i64: 2, 16>, scalar_prefetch = 0 : i64, scratch_operands = 13 : i64, tpu.core_type = #tpu.core_type<sc_vector_subcore>, window_params = [{transform_indices = #map}, {transform_indices = #map}, {transform_indices = #map}, {transform_indices = #map}]} {
    %mul3A = arith.constant 16 : i32
    %mul3A_0 = arith.muli %arg0, %mul3A : i32
    %add3A = arith.addi %mul3A_0, %arg1 : i32
    %mul3A_1 = arith.constant 5120 : i32
    %mul3A_2 = arith.muli %add3A, %mul3A_1 : i32
    %eq3A = arith.constant 0 : i32
    %eq3A_3 = arith.cmpi eq, %arg1, %eq3A : i32
    %convert_element_type3A = arith.extui %eq3A_3 : i1 to i32
    %cond3A = arith.constant 0 : i32
    %cond3A_4 = arith.cmpi ne, %convert_element_type3A, %cond3A : i32
    scf.if %cond3A_4 {
      "tpu.region"() ({
        %run_scoped3A = tpu.sem_alloc : memref<!tpu.dma_semaphore, #tpu.memory_space<semaphore_mem>>
        tpu.enqueue_dma source(%arg3 : memref<10008xf32, #tpu.memory_space<hbm>>) target(%arg11 : memref<10008xf32, #tpu.memory_space<vmem>>) target_semaphore(%run_scoped3A : memref<!tpu.dma_semaphore, #tpu.memory_space<semaphore_mem>>)
        tpu.wait_dma2 semaphore(%run_scoped3A : memref<!tpu.dma_semaphore, #tpu.memory_space<semaphore_mem>>) src(%arg3 : memref<10008xf32, #tpu.memory_space<hbm>>) dst(%arg11 : memref<10008xf32, #tpu.memory_space<vmem>>)
        tpu.yield
      }) : () -> ()
      "tpu.region"() ({
        %run_scoped3A = tpu.sem_alloc : memref<!tpu.dma_semaphore, #tpu.memory_space<semaphore_mem>>
        tpu.enqueue_dma source(%arg11 : memref<10008xf32, #tpu.memory_space<vmem>>) target(%arg12 : memref<10008xf32, #tpu.memory_space<vmem_shared>>) target_semaphore(%run_scoped3A : memref<!tpu.dma_semaphore, #tpu.memory_space<semaphore_mem>>)
        tpu.wait_dma2 semaphore(%run_scoped3A : memref<!tpu.dma_semaphore, #tpu.memory_space<semaphore_mem>>) src(%arg11 : memref<10008xf32, #tpu.memory_space<vmem>>) dst(%arg12 : memref<10008xf32, #tpu.memory_space<vmem_shared>>)
        tpu.yield
      }) : () -> ()
    } else {
    }
    "tpu.region"() ({
      %run_scoped3A = tpu.sem_alloc : memref<!tpu.dma_semaphore, #tpu.memory_space<semaphore_mem>>
      tpu.enqueue_dma source(%arg4 : memref<128xf32, #tpu.memory_space<hbm>>) target(%arg10 : memref<128xf32, #tpu.memory_space<vmem>>) target_semaphore(%run_scoped3A : memref<!tpu.dma_semaphore, #tpu.memory_space<semaphore_mem>>)
      tpu.wait_dma2 semaphore(%run_scoped3A : memref<!tpu.dma_semaphore, #tpu.memory_space<semaphore_mem>>) src(%arg4 : memref<128xf32, #tpu.memory_space<hbm>>) dst(%arg10 : memref<128xf32, #tpu.memory_space<vmem>>)
      tpu.yield
    }) : () -> ()
    %barrier3A = arith.constant 0 : index
    tpu.barrier barrier_id(%barrier3A)
    %add3A_5 = arith.constant 0 : i32
    %add3A_6 = arith.addi %mul3A_2, %add3A_5 : i32
    %dma_start3A = tpu.memref_slice %arg2[%add3A_6] : memref<163840xi32, #tpu.memory_space<hbm>> -> memref<128xi32, #tpu.memory_space<hbm>>
    %dma_start3A_7 = tpu.memref_slice %arg2[%add3A_6] : memref<163840xi32, #tpu.memory_space<hbm>> -> memref<128xi32, #tpu.memory_space<hbm>>
    tpu.enqueue_dma source(%dma_start3A_7 : memref<128xi32, #tpu.memory_space<hbm>>) target(%arg6 : memref<128xi32, #tpu.memory_space<vmem>>) target_semaphore(%arg13 : memref<!tpu.dma_semaphore, #tpu.memory_space<semaphore_mem>>)
    %add3A_8 = arith.constant 128 : i32
    %add3A_9 = arith.addi %mul3A_2, %add3A_8 : i32
    %dma_start3A_10 = tpu.memref_slice %arg2[%add3A_9] : memref<163840xi32, #tpu.memory_space<hbm>> -> memref<128xi32, #tpu.memory_space<hbm>>
    %dma_start3A_11 = tpu.memref_slice %arg2[%add3A_9] : memref<163840xi32, #tpu.memory_space<hbm>> -> memref<128xi32, #tpu.memory_space<hbm>>
    tpu.enqueue_dma source(%dma_start3A_11 : memref<128xi32, #tpu.memory_space<hbm>>) target(%arg7 : memref<128xi32, #tpu.memory_space<vmem>>) target_semaphore(%arg14 : memref<!tpu.dma_semaphore, #tpu.memory_space<semaphore_mem>>)
    %scan3A = arith.constant 0 : i32
    %scan3A_12 = arith.constant 0 : i32
    %scan3A_13 = arith.constant 10 : i32
    %scan3A_14 = arith.addi %scan3A_12, %scan3A_13 : i32
    %scan3A_15 = arith.constant 1 : i32
    scf.for %scan3A_24 = %scan3A_12 to %scan3A_14 step %scan3A_15  : i32 {
      %mul3A_25 = arith.constant 4 : i32
      %mul3A_26 = arith.muli %mul3A_25, %scan3A_24 : i32
      %add3A_27 = arith.constant 0 : i32
      %add3A_28 = arith.addi %mul3A_26, %add3A_27 : i32
      %gt3A = arith.constant 0 : i32
      %gt3A_29 = arith.cmpi sgt, %add3A_28, %gt3A : i32
      %convert_element_type3A_30 = arith.extui %gt3A_29 : i1 to i32
      %cond3A_31 = arith.constant 0 : i32
      %cond3A_32 = arith.cmpi ne, %convert_element_type3A_30, %cond3A_31 : i32
      scf.if %cond3A_32 {
        %dma_wait3A_106 = arith.constant 0 : i32
        %dma_wait3A_107 = tpu.memref_slice %arg12[%dma_wait3A_106] : memref<10008xf32, #tpu.memory_space<vmem_shared>> -> memref<10008xf32, #tpu.memory_space<vmem_shared>>
        tpu.wait_indirect_dma semaphore(%arg18 : memref<!tpu.dma_semaphore, #tpu.memory_space<semaphore_mem>>) src(%arg10 : memref<128xf32, #tpu.memory_space<vmem>>) dst(%dma_wait3A_107 : memref<10008xf32, #tpu.memory_space<vmem_shared>>)
      } else {
      }
      %mul3A_33 = arith.constant 128 : i32
      %mul3A_34 = arith.muli %add3A_28, %mul3A_33 : i32
      %add3A_35 = arith.addi %mul3A_2, %mul3A_34 : i32
      %dma_wait3A_36 = tpu.memref_slice %arg2[%add3A_35] : memref<163840xi32, #tpu.memory_space<hbm>> -> memref<128xi32, #tpu.memory_space<hbm>>
      %dma_wait3A_37 = tpu.memref_slice %arg2[%add3A_35] : memref<163840xi32, #tpu.memory_space<hbm>> -> memref<128xi32, #tpu.memory_space<hbm>>
      tpu.wait_dma2 semaphore(%arg13 : memref<!tpu.dma_semaphore, #tpu.memory_space<semaphore_mem>>) src(%dma_wait3A_37 : memref<128xi32, #tpu.memory_space<hbm>>) dst(%arg6 : memref<128xi32, #tpu.memory_space<vmem>>)
      %dma_start3A_38 = arith.constant 0 : i32
      %dma_start3A_39 = tpu.memref_slice %arg12[%dma_start3A_38] : memref<10008xf32, #tpu.memory_space<vmem_shared>> -> memref<10008xf32, #tpu.memory_space<vmem_shared>>
      tpu.enqueue_indirect_dma source(%arg10 : memref<128xf32, #tpu.memory_space<vmem>>) target(%dma_start3A_39 : memref<10008xf32, #tpu.memory_space<vmem_shared>>) offsets(%arg6 : memref<128xi32, #tpu.memory_space<vmem>>) semaphore(%arg17 : memref<!tpu.dma_semaphore, #tpu.memory_space<semaphore_mem>>) {add = true}
      %add3A_40 = arith.constant 2 : i32
      %add3A_41 = arith.addi %add3A_28, %add3A_40 : i32
      %mul3A_42 = arith.constant 128 : i32
      %mul3A_43 = arith.muli %add3A_41, %mul3A_42 : i32
      %add3A_44 = arith.addi %mul3A_2, %mul3A_43 : i32
      %dma_start3A_45 = tpu.memref_slice %arg2[%add3A_44] : memref<163840xi32, #tpu.memory_space<hbm>> -> memref<128xi32, #tpu.memory_space<hbm>>
      %dma_start3A_46 = tpu.memref_slice %arg2[%add3A_44] : memref<163840xi32, #tpu.memory_space<hbm>> -> memref<128xi32, #tpu.memory_space<hbm>>
      tpu.enqueue_dma source(%dma_start3A_46 : memref<128xi32, #tpu.memory_space<hbm>>) target(%arg8 : memref<128xi32, #tpu.memory_space<vmem>>) target_semaphore(%arg15 : memref<!tpu.dma_semaphore, #tpu.memory_space<semaphore_mem>>)
      %mul3A_47 = arith.constant 4 : i32
      %mul3A_48 = arith.muli %mul3A_47, %scan3A_24 : i32
      %add3A_49 = arith.constant 1 : i32
      %add3A_50 = arith.addi %mul3A_48, %add3A_49 : i32
      %dma_wait3A_51 = arith.constant 0 : i32
      %dma_wait3A_52 = tpu.memref_slice %arg12[%dma_wait3A_51] : memref<10008xf32, #tpu.memory_space<vmem_shared>> -> memref<10008xf32, #tpu.memory_space<vmem_shared>>
      tpu.wait_indirect_dma semaphore(%arg17 : memref<!tpu.dma_semaphore, #tpu.memory_space<semaphore_mem>>) src(%arg10 : memref<128xf32, #tpu.memory_space<vmem>>) dst(%dma_wait3A_52 : memref<10008xf32, #tpu.memory_space<vmem_shared>>)
      %mul3A_53 = arith.constant 128 : i32
      %mul3A_54 = arith.muli %add3A_50, %mul3A_53 : i32
      %add3A_55 = arith.addi %mul3A_2, %mul3A_54 : i32
      %dma_wait3A_56 = tpu.memref_slice %arg2[%add3A_55] : memref<163840xi32, #tpu.memory_space<hbm>> -> memref<128xi32, #tpu.memory_space<hbm>>
      %dma_wait3A_57 = tpu.memref_slice %arg2[%add3A_55] : memref<163840xi32, #tpu.memory_space<hbm>> -> memref<128xi32, #tpu.memory_space<hbm>>
      tpu.wait_dma2 semaphore(%arg14 : memref<!tpu.dma_semaphore, #tpu.memory_space<semaphore_mem>>) src(%dma_wait3A_57 : memref<128xi32, #tpu.memory_space<hbm>>) dst(%arg7 : memref<128xi32, #tpu.memory_space<vmem>>)
      %dma_start3A_58 = arith.constant 0 : i32
      %dma_start3A_59 = tpu.memref_slice %arg12[%dma_start3A_58] : memref<10008xf32, #tpu.memory_space<vmem_shared>> -> memref<10008xf32, #tpu.memory_space<vmem_shared>>
      tpu.enqueue_indirect_dma source(%arg10 : memref<128xf32, #tpu.memory_space<vmem>>) target(%dma_start3A_59 : memref<10008xf32, #tpu.memory_space<vmem_shared>>) offsets(%arg7 : memref<128xi32, #tpu.memory_space<vmem>>) semaphore(%arg18 : memref<!tpu.dma_semaphore, #tpu.memory_space<semaphore_mem>>) {add = true}
      %add3A_60 = arith.constant 2 : i32
      %add3A_61 = arith.addi %add3A_50, %add3A_60 : i32
      %mul3A_62 = arith.constant 128 : i32
      %mul3A_63 = arith.muli %add3A_61, %mul3A_62 : i32
      %add3A_64 = arith.addi %mul3A_2, %mul3A_63 : i32
      %dma_start3A_65 = tpu.memref_slice %arg2[%add3A_64] : memref<163840xi32, #tpu.memory_space<hbm>> -> memref<128xi32, #tpu.memory_space<hbm>>
      %dma_start3A_66 = tpu.memref_slice %arg2[%add3A_64] : memref<163840xi32, #tpu.memory_space<hbm>> -> memref<128xi32, #tpu.memory_space<hbm>>
      tpu.enqueue_dma source(%dma_start3A_66 : memref<128xi32, #tpu.memory_space<hbm>>) target(%arg9 : memref<128xi32, #tpu.memory_space<vmem>>) target_semaphore(%arg16 : memref<!tpu.dma_semaphore, #tpu.memory_space<semaphore_mem>>)
      %mul3A_67 = arith.constant 4 : i32
      %mul3A_68 = arith.muli %mul3A_67, %scan3A_24 : i32
      %add3A_69 = arith.constant 2 : i32
      %add3A_70 = arith.addi %mul3A_68, %add3A_69 : i32
      %dma_wait3A_71 = arith.constant 0 : i32
      %dma_wait3A_72 = tpu.memref_slice %arg12[%dma_wait3A_71] : memref<10008xf32, #tpu.memory_space<vmem_shared>> -> memref<10008xf32, #tpu.memory_space<vmem_shared>>
      tpu.wait_indirect_dma semaphore(%arg18 : memref<!tpu.dma_semaphore, #tpu.memory_space<semaphore_mem>>) src(%arg10 : memref<128xf32, #tpu.memory_space<vmem>>) dst(%dma_wait3A_72 : memref<10008xf32, #tpu.memory_space<vmem_shared>>)
      %mul3A_73 = arith.constant 128 : i32
      %mul3A_74 = arith.muli %add3A_70, %mul3A_73 : i32
      %add3A_75 = arith.addi %mul3A_2, %mul3A_74 : i32
      %dma_wait3A_76 = tpu.memref_slice %arg2[%add3A_75] : memref<163840xi32, #tpu.memory_space<hbm>> -> memref<128xi32, #tpu.memory_space<hbm>>
      %dma_wait3A_77 = tpu.memref_slice %arg2[%add3A_75] : memref<163840xi32, #tpu.memory_space<hbm>> -> memref<128xi32, #tpu.memory_space<hbm>>
      tpu.wait_dma2 semaphore(%arg15 : memref<!tpu.dma_semaphore, #tpu.memory_space<semaphore_mem>>) src(%dma_wait3A_77 : memref<128xi32, #tpu.memory_space<hbm>>) dst(%arg8 : memref<128xi32, #tpu.memory_space<vmem>>)
      %dma_start3A_78 = arith.constant 0 : i32
      %dma_start3A_79 = tpu.memref_slice %arg12[%dma_start3A_78] : memref<10008xf32, #tpu.memory_space<vmem_shared>> -> memref<10008xf32, #tpu.memory_space<vmem_shared>>
      tpu.enqueue_indirect_dma source(%arg10 : memref<128xf32, #tpu.memory_space<vmem>>) target(%dma_start3A_79 : memref<10008xf32, #tpu.memory_space<vmem_shared>>) offsets(%arg8 : memref<128xi32, #tpu.memory_space<vmem>>) semaphore(%arg17 : memref<!tpu.dma_semaphore, #tpu.memory_space<semaphore_mem>>) {add = true}
      %add3A_80 = arith.constant 2 : i32
      %add3A_81 = arith.addi %add3A_70, %add3A_80 : i32
      %lt3A = arith.constant 40 : i32
      %lt3A_82 = arith.cmpi slt, %add3A_81, %lt3A : i32
      %convert_element_type3A_83 = arith.extui %lt3A_82 : i1 to i32
      %cond3A_84 = arith.constant 0 : i32
      %cond3A_85 = arith.cmpi ne, %convert_element_type3A_83, %cond3A_84 : i32
      scf.if %cond3A_85 {
        %add3A_106 = arith.constant 2 : i32
        %add3A_107 = arith.addi %add3A_70, %add3A_106 : i32
        %mul3A_108 = arith.constant 128 : i32
        %mul3A_109 = arith.muli %add3A_107, %mul3A_108 : i32
        %add3A_110 = arith.addi %mul3A_2, %mul3A_109 : i32
        %dma_start3A_111 = tpu.memref_slice %arg2[%add3A_110] : memref<163840xi32, #tpu.memory_space<hbm>> -> memref<128xi32, #tpu.memory_space<hbm>>
        %dma_start3A_112 = tpu.memref_slice %arg2[%add3A_110] : memref<163840xi32, #tpu.memory_space<hbm>> -> memref<128xi32, #tpu.memory_space<hbm>>
        tpu.enqueue_dma source(%dma_start3A_112 : memref<128xi32, #tpu.memory_space<hbm>>) target(%arg6 : memref<128xi32, #tpu.memory_space<vmem>>) target_semaphore(%arg13 : memref<!tpu.dma_semaphore, #tpu.memory_space<semaphore_mem>>)
      } else {
      }
      %mul3A_86 = arith.constant 4 : i32
      %mul3A_87 = arith.muli %mul3A_86, %scan3A_24 : i32
      %add3A_88 = arith.constant 3 : i32
      %add3A_89 = arith.addi %mul3A_87, %add3A_88 : i32
      %dma_wait3A_90 = arith.constant 0 : i32
      %dma_wait3A_91 = tpu.memref_slice %arg12[%dma_wait3A_90] : memref<10008xf32, #tpu.memory_space<vmem_shared>> -> memref<10008xf32, #tpu.memory_space<vmem_shared>>
      tpu.wait_indirect_dma semaphore(%arg17 : memref<!tpu.dma_semaphore, #tpu.memory_space<semaphore_mem>>) src(%arg10 : memref<128xf32, #tpu.memory_space<vmem>>) dst(%dma_wait3A_91 : memref<10008xf32, #tpu.memory_space<vmem_shared>>)
      %mul3A_92 = arith.constant 128 : i32
      %mul3A_93 = arith.muli %add3A_89, %mul3A_92 : i32
      %add3A_94 = arith.addi %mul3A_2, %mul3A_93 : i32
      %dma_wait3A_95 = tpu.memref_slice %arg2[%add3A_94] : memref<163840xi32, #tpu.memory_space<hbm>> -> memref<128xi32, #tpu.memory_space<hbm>>
      %dma_wait3A_96 = tpu.memref_slice %arg2[%add3A_94] : memref<163840xi32, #tpu.memory_space<hbm>> -> memref<128xi32, #tpu.memory_space<hbm>>
      tpu.wait_dma2 semaphore(%arg16 : memref<!tpu.dma_semaphore, #tpu.memory_space<semaphore_mem>>) src(%dma_wait3A_96 : memref<128xi32, #tpu.memory_space<hbm>>) dst(%arg9 : memref<128xi32, #tpu.memory_space<vmem>>)
      %dma_start3A_97 = arith.constant 0 : i32
      %dma_start3A_98 = tpu.memref_slice %arg12[%dma_start3A_97] : memref<10008xf32, #tpu.memory_space<vmem_shared>> -> memref<10008xf32, #tpu.memory_space<vmem_shared>>
      tpu.enqueue_indirect_dma source(%arg10 : memref<128xf32, #tpu.memory_space<vmem>>) target(%dma_start3A_98 : memref<10008xf32, #tpu.memory_space<vmem_shared>>) offsets(%arg9 : memref<128xi32, #tpu.memory_space<vmem>>) semaphore(%arg18 : memref<!tpu.dma_semaphore, #tpu.memory_space<semaphore_mem>>) {add = true}
      %add3A_99 = arith.constant 2 : i32
      %add3A_100 = arith.addi %add3A_89, %add3A_99 : i32
      %lt3A_101 = arith.constant 40 : i32
      %lt3A_102 = arith.cmpi slt, %add3A_100, %lt3A_101 : i32
      %convert_element_type3A_103 = arith.extui %lt3A_102 : i1 to i32
      %cond3A_104 = arith.constant 0 : i32
      %cond3A_105 = arith.cmpi ne, %convert_element_type3A_103, %cond3A_104 : i32
      scf.if %cond3A_105 {
        %add3A_106 = arith.constant 2 : i32
        %add3A_107 = arith.addi %add3A_89, %add3A_106 : i32
        %mul3A_108 = arith.constant 128 : i32
        %mul3A_109 = arith.muli %add3A_107, %mul3A_108 : i32
        %add3A_110 = arith.addi %mul3A_2, %mul3A_109 : i32
        %dma_start3A_111 = tpu.memref_slice %arg2[%add3A_110] : memref<163840xi32, #tpu.memory_space<hbm>> -> memref<128xi32, #tpu.memory_space<hbm>>
        %dma_start3A_112 = tpu.memref_slice %arg2[%add3A_110] : memref<163840xi32, #tpu.memory_space<hbm>> -> memref<128xi32, #tpu.memory_space<hbm>>
        tpu.enqueue_dma source(%dma_start3A_112 : memref<128xi32, #tpu.memory_space<hbm>>) target(%arg7 : memref<128xi32, #tpu.memory_space<vmem>>) target_semaphore(%arg14 : memref<!tpu.dma_semaphore, #tpu.memory_space<semaphore_mem>>)
      } else {
      }
    }
    %scan3A_16 = arith.constant 10 : i32
    %dma_wait3A = arith.constant 0 : i32
    %dma_wait3A_17 = tpu.memref_slice %arg12[%dma_wait3A] : memref<10008xf32, #tpu.memory_space<vmem_shared>> -> memref<10008xf32, #tpu.memory_space<vmem_shared>>
    tpu.wait_indirect_dma semaphore(%arg18 : memref<!tpu.dma_semaphore, #tpu.memory_space<semaphore_mem>>) src(%arg10 : memref<128xf32, #tpu.memory_space<vmem>>) dst(%dma_wait3A_17 : memref<10008xf32, #tpu.memory_space<vmem_shared>>)
    %barrier3A_18 = arith.constant 0 : index
    tpu.barrier barrier_id(%barrier3A_18)
    %eq3A_19 = arith.constant 0 : i32
    %eq3A_20 = arith.cmpi eq, %arg1, %eq3A_19 : i32
    %convert_element_type3A_21 = arith.extui %eq3A_20 : i1 to i32
    %cond3A_22 = arith.constant 0 : i32
    %cond3A_23 = arith.cmpi ne, %convert_element_type3A_21, %cond3A_22 : i32
    scf.if %cond3A_23 {
      "tpu.region"() ({
        %run_scoped3A = tpu.sem_alloc : memref<!tpu.dma_semaphore, #tpu.memory_space<semaphore_mem>>
        tpu.enqueue_dma source(%arg12 : memref<10008xf32, #tpu.memory_space<vmem_shared>>) target(%arg11 : memref<10008xf32, #tpu.memory_space<vmem>>) target_semaphore(%run_scoped3A : memref<!tpu.dma_semaphore, #tpu.memory_space<semaphore_mem>>)
        tpu.wait_dma2 semaphore(%run_scoped3A : memref<!tpu.dma_semaphore, #tpu.memory_space<semaphore_mem>>) src(%arg12 : memref<10008xf32, #tpu.memory_space<vmem_shared>>) dst(%arg11 : memref<10008xf32, #tpu.memory_space<vmem>>)
        tpu.yield
      }) : () -> ()
      %mul3A_24 = arith.constant 10000 : i32
      %mul3A_25 = arith.muli %arg0, %mul3A_24 : i32
      "tpu.region"() ({
        %run_scoped3A = tpu.sem_alloc : memref<!tpu.dma_semaphore, #tpu.memory_space<semaphore_mem>>
        %dma_start3A_26 = arith.constant 0 : i32
        %dma_start3A_27 = tpu.memref_slice %arg11[%dma_start3A_26] : memref<10008xf32, #tpu.memory_space<vmem>> -> memref<10000xf32, #tpu.memory_space<vmem>>
        %dma_start3A_28 = tpu.memref_slice %arg5[%mul3A_25] : memref<20000xf32, #tpu.memory_space<hbm>> -> memref<10000xf32, #tpu.memory_space<hbm>>
        %dma_start3A_29 = tpu.memref_slice %arg5[%mul3A_25] : memref<20000xf32, #tpu.memory_space<hbm>> -> memref<10000xf32, #tpu.memory_space<hbm>>
        %dma_start3A_30 = arith.constant 0 : i32
        %dma_start3A_31 = tpu.memref_slice %arg11[%dma_start3A_30] : memref<10008xf32, #tpu.memory_space<vmem>> -> memref<10000xf32, #tpu.memory_space<vmem>>
        tpu.enqueue_dma source(%dma_start3A_31 : memref<10000xf32, #tpu.memory_space<vmem>>) target(%dma_start3A_29 : memref<10000xf32, #tpu.memory_space<hbm>>) target_semaphore(%run_scoped3A : memref<!tpu.dma_semaphore, #tpu.memory_space<semaphore_mem>>)
        %dma_wait3A_32 = arith.constant 0 : i32
        %dma_wait3A_33 = tpu.memref_slice %arg11[%dma_wait3A_32] : memref<10008xf32, #tpu.memory_space<vmem>> -> memref<10000xf32, #tpu.memory_space<vmem>>
        %dma_wait3A_34 = tpu.memref_slice %arg5[%mul3A_25] : memref<20000xf32, #tpu.memory_space<hbm>> -> memref<10000xf32, #tpu.memory_space<hbm>>
        %dma_wait3A_35 = tpu.memref_slice %arg5[%mul3A_25] : memref<20000xf32, #tpu.memory_space<hbm>> -> memref<10000xf32, #tpu.memory_space<hbm>>
        %dma_wait3A_36 = arith.constant 0 : i32
        %dma_wait3A_37 = tpu.memref_slice %arg11[%dma_wait3A_36] : memref<10008xf32, #tpu.memory_space<vmem>> -> memref<10000xf32, #tpu.memory_space<vmem>>
        tpu.wait_dma2 semaphore(%run_scoped3A : memref<!tpu.dma_semaphore, #tpu.memory_space<semaphore_mem>>) src(%dma_wait3A_37 : memref<10000xf32, #tpu.memory_space<vmem>>) dst(%dma_wait3A_35 : memref<10000xf32, #tpu.memory_space<hbm>>)
        tpu.yield
      }) : () -> ()
    } else {
    }
    return
  }
}

#map = affine_map<(d0, d1) -> (0, 0)>
#map1 = affine_map<(d0, d1) -> (0)>
#map2 = affine_map<(d0, d1) -> (0, 0, 0)>
module attributes {stable_mosaic.version = 14 : i64} {
  func.func @_agg_kernel(%arg0: i32, %arg1: i32, %arg2: memref<22000x128xf32, #tpu.memory_space<hbm>>, %arg3: memref<327680xi32, #tpu.memory_space<hbm>>, %arg4: memref<163840xi32, #tpu.memory_space<hbm>>, %arg5: memref<2x10000x128xf32, #tpu.memory_space<hbm>>, %arg6: memref<128xi32, #tpu.memory_space<vmem>>, %arg7: memref<128xi32, #tpu.memory_space<vmem>>, %arg8: memref<128xi32, #tpu.memory_space<vmem>>, %arg9: memref<128xi32, #tpu.memory_space<vmem>>, %arg10: memref<128xi32, #tpu.memory_space<vmem>>, %arg11: memref<128xi32, #tpu.memory_space<vmem>>, %arg12: memref<2x128x128xf32, #tpu.memory_space<vmem>>, %arg13: memref<10000x128xf32, #tpu.memory_space<vmem_shared>>, %arg14: memref<!tpu.dma_semaphore, #tpu.memory_space<semaphore_mem>>, %arg15: memref<!tpu.dma_semaphore, #tpu.memory_space<semaphore_mem>>, %arg16: memref<!tpu.dma_semaphore, #tpu.memory_space<semaphore_mem>>, %arg17: memref<!tpu.dma_semaphore, #tpu.memory_space<semaphore_mem>>, %arg18: memref<!tpu.dma_semaphore, #tpu.memory_space<semaphore_mem>>, %arg19: memref<!tpu.dma_semaphore, #tpu.memory_space<semaphore_mem>>, %arg20: memref<!tpu.dma_semaphore, #tpu.memory_space<semaphore_mem>>, %arg21: memref<!tpu.dma_semaphore, #tpu.memory_space<semaphore_mem>>, %arg22: memref<!tpu.dma_semaphore, #tpu.memory_space<semaphore_mem>>, %arg23: memref<!tpu.dma_semaphore, #tpu.memory_space<semaphore_mem>>) attributes {dimension_semantics = [#tpu.dimension_semantics<core_parallel>, #tpu.dimension_semantics<subcore_parallel>], iteration_bounds = array<i64: 2, 16>, scalar_prefetch = 0 : i64, scratch_operands = 18 : i64, tpu.core_type = #tpu.core_type<sc_vector_subcore>, window_params = [{transform_indices = #map}, {transform_indices = #map1}, {transform_indices = #map1}, {transform_indices = #map2}]} {
    %mul3A = arith.constant 624 : i32
    %mul3A_0 = arith.muli %arg1, %mul3A : i32
    %mul3A_1 = arith.constant 11000 : i32
    %mul3A_2 = arith.muli %arg0, %mul3A_1 : i32
    %add3A = arith.addi %mul3A_2, %mul3A_0 : i32
    "tpu.region"() ({
      %run_scoped3A = tpu.sem_alloc : memref<!tpu.dma_semaphore, #tpu.memory_space<semaphore_mem>>
      %dma_start3A_63 = arith.constant 0 : i32
      %dma_start3A_64 = tpu.memref_slice %arg13[%mul3A_0, %dma_start3A_63] : memref<10000x128xf32, #tpu.memory_space<vmem_shared>> -> memref<624x128xf32, #tpu.memory_space<vmem_shared>>
      %dma_start3A_65 = arith.constant 0 : i32
      %dma_start3A_66 = tpu.memref_slice %arg2[%add3A, %dma_start3A_65] : memref<22000x128xf32, #tpu.memory_space<hbm>> -> memref<624x128xf32, #tpu.memory_space<hbm>>
      tpu.enqueue_dma source(%dma_start3A_66 : memref<624x128xf32, #tpu.memory_space<hbm>>) target(%dma_start3A_64 : memref<624x128xf32, #tpu.memory_space<vmem_shared>>) target_semaphore(%run_scoped3A : memref<!tpu.dma_semaphore, #tpu.memory_space<semaphore_mem>>)
      %dma_wait3A_67 = arith.constant 0 : i32
      %dma_wait3A_68 = tpu.memref_slice %arg13[%mul3A_0, %dma_wait3A_67] : memref<10000x128xf32, #tpu.memory_space<vmem_shared>> -> memref<624x128xf32, #tpu.memory_space<vmem_shared>>
      %dma_wait3A_69 = arith.constant 0 : i32
      %dma_wait3A_70 = tpu.memref_slice %arg2[%add3A, %dma_wait3A_69] : memref<22000x128xf32, #tpu.memory_space<hbm>> -> memref<624x128xf32, #tpu.memory_space<hbm>>
      tpu.wait_dma2 semaphore(%run_scoped3A : memref<!tpu.dma_semaphore, #tpu.memory_space<semaphore_mem>>) src(%dma_wait3A_70 : memref<624x128xf32, #tpu.memory_space<hbm>>) dst(%dma_wait3A_68 : memref<624x128xf32, #tpu.memory_space<vmem_shared>>)
      tpu.yield
    }) : () -> ()
    %eq3A = arith.constant 0 : i32
    %eq3A_3 = arith.cmpi eq, %arg1, %eq3A : i32
    %convert_element_type3A = arith.extui %eq3A_3 : i1 to i32
    %cond3A = arith.constant 0 : i32
    %cond3A_4 = arith.cmpi ne, %convert_element_type3A, %cond3A : i32
    scf.if %cond3A_4 {
      %mul3A_63 = arith.constant 11000 : i32
      %mul3A_64 = arith.muli %arg0, %mul3A_63 : i32
      %add3A_65 = arith.constant 9984 : i32
      %add3A_66 = arith.addi %mul3A_64, %add3A_65 : i32
      "tpu.region"() ({
        %run_scoped3A = tpu.sem_alloc : memref<!tpu.dma_semaphore, #tpu.memory_space<semaphore_mem>>
        %dma_start3A_67 = arith.constant 9984 : i32
        %dma_start3A_68 = arith.constant 0 : i32
        %dma_start3A_69 = tpu.memref_slice %arg13[%dma_start3A_67, %dma_start3A_68] : memref<10000x128xf32, #tpu.memory_space<vmem_shared>> -> memref<16x128xf32, #tpu.memory_space<vmem_shared>>
        %dma_start3A_70 = arith.constant 0 : i32
        %dma_start3A_71 = tpu.memref_slice %arg2[%add3A_66, %dma_start3A_70] : memref<22000x128xf32, #tpu.memory_space<hbm>> -> memref<16x128xf32, #tpu.memory_space<hbm>>
        tpu.enqueue_dma source(%dma_start3A_71 : memref<16x128xf32, #tpu.memory_space<hbm>>) target(%dma_start3A_69 : memref<16x128xf32, #tpu.memory_space<vmem_shared>>) target_semaphore(%run_scoped3A : memref<!tpu.dma_semaphore, #tpu.memory_space<semaphore_mem>>)
        %dma_wait3A_72 = arith.constant 9984 : i32
        %dma_wait3A_73 = arith.constant 0 : i32
        %dma_wait3A_74 = tpu.memref_slice %arg13[%dma_wait3A_72, %dma_wait3A_73] : memref<10000x128xf32, #tpu.memory_space<vmem_shared>> -> memref<16x128xf32, #tpu.memory_space<vmem_shared>>
        %dma_wait3A_75 = arith.constant 0 : i32
        %dma_wait3A_76 = tpu.memref_slice %arg2[%add3A_66, %dma_wait3A_75] : memref<22000x128xf32, #tpu.memory_space<hbm>> -> memref<16x128xf32, #tpu.memory_space<hbm>>
        tpu.wait_dma2 semaphore(%run_scoped3A : memref<!tpu.dma_semaphore, #tpu.memory_space<semaphore_mem>>) src(%dma_wait3A_76 : memref<16x128xf32, #tpu.memory_space<hbm>>) dst(%dma_wait3A_74 : memref<16x128xf32, #tpu.memory_space<vmem_shared>>)
        tpu.yield
      }) : () -> ()
    } else {
    }
    %barrier3A = arith.constant 0 : index
    tpu.barrier barrier_id(%barrier3A)
    %mul3A_5 = arith.constant 1280 : i32
    %mul3A_6 = arith.muli %arg0, %mul3A_5 : i32
    %mul3A_7 = arith.constant 128 : i32
    %mul3A_8 = arith.muli %mul3A_6, %mul3A_7 : i32
    %mul3A_9 = arith.constant 80 : i32
    %mul3A_10 = arith.muli %arg1, %mul3A_9 : i32
    %mul3A_11 = arith.constant 128 : i32
    %mul3A_12 = arith.muli %mul3A_10, %mul3A_11 : i32
    %add3A_13 = arith.addi %mul3A_8, %mul3A_12 : i32
    %mul3A_14 = arith.constant 80 : i32
    %mul3A_15 = arith.muli %arg1, %mul3A_14 : i32
    %mul3A_16 = arith.constant 128 : i32
    %mul3A_17 = arith.muli %mul3A_15, %mul3A_16 : i32
    %add3A_18 = arith.constant 0 : i32
    %add3A_19 = arith.addi %add3A_13, %add3A_18 : i32
    %dma_start3A = tpu.memref_slice %arg3[%add3A_19] : memref<327680xi32, #tpu.memory_space<hbm>> -> memref<128xi32, #tpu.memory_space<hbm>>
    %dma_start3A_20 = tpu.memref_slice %arg3[%add3A_19] : memref<327680xi32, #tpu.memory_space<hbm>> -> memref<128xi32, #tpu.memory_space<hbm>>
    tpu.enqueue_dma source(%dma_start3A_20 : memref<128xi32, #tpu.memory_space<hbm>>) target(%arg6 : memref<128xi32, #tpu.memory_space<vmem>>) target_semaphore(%arg14 : memref<!tpu.dma_semaphore, #tpu.memory_space<semaphore_mem>>)
    %add3A_21 = arith.constant 0 : i32
    %add3A_22 = arith.addi %mul3A_17, %add3A_21 : i32
    %dma_start3A_23 = tpu.memref_slice %arg4[%add3A_22] : memref<163840xi32, #tpu.memory_space<hbm>> -> memref<128xi32, #tpu.memory_space<hbm>>
    %dma_start3A_24 = tpu.memref_slice %arg4[%add3A_22] : memref<163840xi32, #tpu.memory_space<hbm>> -> memref<128xi32, #tpu.memory_space<hbm>>
    tpu.enqueue_dma source(%dma_start3A_24 : memref<128xi32, #tpu.memory_space<hbm>>) target(%arg8 : memref<128xi32, #tpu.memory_space<vmem>>) target_semaphore(%arg16 : memref<!tpu.dma_semaphore, #tpu.memory_space<semaphore_mem>>)
    %add3A_25 = arith.constant 128 : i32
    %add3A_26 = arith.addi %add3A_13, %add3A_25 : i32
    %dma_start3A_27 = tpu.memref_slice %arg3[%add3A_26] : memref<327680xi32, #tpu.memory_space<hbm>> -> memref<128xi32, #tpu.memory_space<hbm>>
    %dma_start3A_28 = tpu.memref_slice %arg3[%add3A_26] : memref<327680xi32, #tpu.memory_space<hbm>> -> memref<128xi32, #tpu.memory_space<hbm>>
    tpu.enqueue_dma source(%dma_start3A_28 : memref<128xi32, #tpu.memory_space<hbm>>) target(%arg7 : memref<128xi32, #tpu.memory_space<vmem>>) target_semaphore(%arg15 : memref<!tpu.dma_semaphore, #tpu.memory_space<semaphore_mem>>)
    %add3A_29 = arith.constant 128 : i32
    %add3A_30 = arith.addi %mul3A_17, %add3A_29 : i32
    %dma_start3A_31 = tpu.memref_slice %arg4[%add3A_30] : memref<163840xi32, #tpu.memory_space<hbm>> -> memref<128xi32, #tpu.memory_space<hbm>>
    %dma_start3A_32 = tpu.memref_slice %arg4[%add3A_30] : memref<163840xi32, #tpu.memory_space<hbm>> -> memref<128xi32, #tpu.memory_space<hbm>>
    tpu.enqueue_dma source(%dma_start3A_32 : memref<128xi32, #tpu.memory_space<hbm>>) target(%arg9 : memref<128xi32, #tpu.memory_space<vmem>>) target_semaphore(%arg17 : memref<!tpu.dma_semaphore, #tpu.memory_space<semaphore_mem>>)
    %add3A_33 = arith.constant 0 : i32
    %add3A_34 = arith.addi %add3A_13, %add3A_33 : i32
    %dma_wait3A = tpu.memref_slice %arg3[%add3A_34] : memref<327680xi32, #tpu.memory_space<hbm>> -> memref<128xi32, #tpu.memory_space<hbm>>
    %dma_wait3A_35 = tpu.memref_slice %arg3[%add3A_34] : memref<327680xi32, #tpu.memory_space<hbm>> -> memref<128xi32, #tpu.memory_space<hbm>>
    tpu.wait_dma2 semaphore(%arg14 : memref<!tpu.dma_semaphore, #tpu.memory_space<semaphore_mem>>) src(%dma_wait3A_35 : memref<128xi32, #tpu.memory_space<hbm>>) dst(%arg6 : memref<128xi32, #tpu.memory_space<vmem>>)
    %dma_start3A_36 = arith.constant 0 : i32
    %dma_start3A_37 = arith.constant 0 : i32
    %dma_start3A_38 = arith.constant 0 : i32
    %dma_start3A_39 = tpu.memref_slice %arg12[%dma_start3A_36, %dma_start3A_37, %dma_start3A_38] : memref<2x128x128xf32, #tpu.memory_space<vmem>> -> memref<1x128x128xf32, #tpu.memory_space<vmem>>
    %dma_start3A_40 = tpu.memref_squeeze %dma_start3A_39 : memref<1x128x128xf32, #tpu.memory_space<vmem>> -> memref<128x128xf32, #tpu.memory_space<vmem>>
    %dma_start3A_41 = arith.constant 0 : i32
    %dma_start3A_42 = arith.constant 0 : i32
    %dma_start3A_43 = tpu.memref_slice %arg2[%dma_start3A_41, %dma_start3A_42] : memref<22000x128xf32, #tpu.memory_space<hbm>> -> memref<22000x128xf32, #tpu.memory_space<hbm>>
    tpu.enqueue_indirect_dma source(%dma_start3A_43 : memref<22000x128xf32, #tpu.memory_space<hbm>>) target(%dma_start3A_40 : memref<128x128xf32, #tpu.memory_space<vmem>>) offsets(%arg6 : memref<128xi32, #tpu.memory_space<vmem>>) semaphore(%arg20 : memref<!tpu.dma_semaphore, #tpu.memory_space<semaphore_mem>>)
    %scan3A = arith.constant 0 : i32
    %scan3A_44 = arith.constant 0 : i32
    %scan3A_45 = arith.constant 20 : i32
    %scan3A_46 = arith.addi %scan3A_44, %scan3A_45 : i32
    %scan3A_47 = arith.constant 1 : i32
    scf.for %scan3A_63 = %scan3A_44 to %scan3A_46 step %scan3A_47  : i32 {
      %mul3A_64 = arith.constant 4 : i32
      %mul3A_65 = arith.muli %mul3A_64, %scan3A_63 : i32
      %add3A_66 = arith.constant 0 : i32
      %add3A_67 = arith.addi %mul3A_65, %add3A_66 : i32
      %dma_wait3A_68 = arith.constant 0 : i32
      %dma_wait3A_69 = arith.constant 0 : i32
      %dma_wait3A_70 = arith.constant 0 : i32
      %dma_wait3A_71 = tpu.memref_slice %arg12[%dma_wait3A_68, %dma_wait3A_69, %dma_wait3A_70] : memref<2x128x128xf32, #tpu.memory_space<vmem>> -> memref<1x128x128xf32, #tpu.memory_space<vmem>>
      %dma_wait3A_72 = tpu.memref_squeeze %dma_wait3A_71 : memref<1x128x128xf32, #tpu.memory_space<vmem>> -> memref<128x128xf32, #tpu.memory_space<vmem>>
      %dma_wait3A_73 = arith.constant 0 : i32
      %dma_wait3A_74 = arith.constant 0 : i32
      %dma_wait3A_75 = tpu.memref_slice %arg2[%dma_wait3A_73, %dma_wait3A_74] : memref<22000x128xf32, #tpu.memory_space<hbm>> -> memref<22000x128xf32, #tpu.memory_space<hbm>>
      tpu.wait_indirect_dma semaphore(%arg20 : memref<!tpu.dma_semaphore, #tpu.memory_space<semaphore_mem>>) src(%dma_wait3A_75 : memref<22000x128xf32, #tpu.memory_space<hbm>>) dst(%dma_wait3A_72 : memref<128x128xf32, #tpu.memory_space<vmem>>)
      %gt3A = arith.constant 0 : i32
      %gt3A_76 = arith.cmpi sgt, %add3A_67, %gt3A : i32
      %convert_element_type3A_77 = arith.extui %gt3A_76 : i1 to i32
      %cond3A_78 = arith.constant 0 : i32
      %cond3A_79 = arith.cmpi ne, %convert_element_type3A_77, %cond3A_78 : i32
      scf.if %cond3A_79 {
        %dma_wait3A_285 = arith.constant 1 : i32
        %dma_wait3A_286 = arith.constant 0 : i32
        %dma_wait3A_287 = arith.constant 0 : i32
        %dma_wait3A_288 = tpu.memref_slice %arg12[%dma_wait3A_285, %dma_wait3A_286, %dma_wait3A_287] : memref<2x128x128xf32, #tpu.memory_space<vmem>> -> memref<1x128x128xf32, #tpu.memory_space<vmem>>
        %dma_wait3A_289 = tpu.memref_squeeze %dma_wait3A_288 : memref<1x128x128xf32, #tpu.memory_space<vmem>> -> memref<128x128xf32, #tpu.memory_space<vmem>>
        %dma_wait3A_290 = arith.constant 0 : i32
        %dma_wait3A_291 = arith.constant 0 : i32
        %dma_wait3A_292 = tpu.memref_slice %arg13[%dma_wait3A_290, %dma_wait3A_291] : memref<10000x128xf32, #tpu.memory_space<vmem_shared>> -> memref<10000x128xf32, #tpu.memory_space<vmem_shared>>
        tpu.wait_indirect_dma semaphore(%arg23 : memref<!tpu.dma_semaphore, #tpu.memory_space<semaphore_mem>>) src(%dma_wait3A_289 : memref<128x128xf32, #tpu.memory_space<vmem>>) dst(%dma_wait3A_292 : memref<10000x128xf32, #tpu.memory_space<vmem_shared>>)
      } else {
      }
      %add3A_80 = arith.constant 1 : i32
      %add3A_81 = arith.addi %add3A_67, %add3A_80 : i32
      %mul3A_82 = arith.constant 128 : i32
      %mul3A_83 = arith.muli %add3A_81, %mul3A_82 : i32
      %add3A_84 = arith.addi %add3A_13, %mul3A_83 : i32
      %dma_wait3A_85 = tpu.memref_slice %arg3[%add3A_84] : memref<327680xi32, #tpu.memory_space<hbm>> -> memref<128xi32, #tpu.memory_space<hbm>>
      %dma_wait3A_86 = tpu.memref_slice %arg3[%add3A_84] : memref<327680xi32, #tpu.memory_space<hbm>> -> memref<128xi32, #tpu.memory_space<hbm>>
      tpu.wait_dma2 semaphore(%arg15 : memref<!tpu.dma_semaphore, #tpu.memory_space<semaphore_mem>>) src(%dma_wait3A_86 : memref<128xi32, #tpu.memory_space<hbm>>) dst(%arg7 : memref<128xi32, #tpu.memory_space<vmem>>)
      %dma_start3A_87 = arith.constant 1 : i32
      %dma_start3A_88 = arith.constant 0 : i32
      %dma_start3A_89 = arith.constant 0 : i32
      %dma_start3A_90 = tpu.memref_slice %arg12[%dma_start3A_87, %dma_start3A_88, %dma_start3A_89] : memref<2x128x128xf32, #tpu.memory_space<vmem>> -> memref<1x128x128xf32, #tpu.memory_space<vmem>>
      %dma_start3A_91 = tpu.memref_squeeze %dma_start3A_90 : memref<1x128x128xf32, #tpu.memory_space<vmem>> -> memref<128x128xf32, #tpu.memory_space<vmem>>
      %dma_start3A_92 = arith.constant 0 : i32
      %dma_start3A_93 = arith.constant 0 : i32
      %dma_start3A_94 = tpu.memref_slice %arg2[%dma_start3A_92, %dma_start3A_93] : memref<22000x128xf32, #tpu.memory_space<hbm>> -> memref<22000x128xf32, #tpu.memory_space<hbm>>
      tpu.enqueue_indirect_dma source(%dma_start3A_94 : memref<22000x128xf32, #tpu.memory_space<hbm>>) target(%dma_start3A_91 : memref<128x128xf32, #tpu.memory_space<vmem>>) offsets(%arg7 : memref<128xi32, #tpu.memory_space<vmem>>) semaphore(%arg21 : memref<!tpu.dma_semaphore, #tpu.memory_space<semaphore_mem>>)
      %mul3A_95 = arith.constant 128 : i32
      %mul3A_96 = arith.muli %add3A_67, %mul3A_95 : i32
      %add3A_97 = arith.addi %mul3A_17, %mul3A_96 : i32
      %dma_wait3A_98 = tpu.memref_slice %arg4[%add3A_97] : memref<163840xi32, #tpu.memory_space<hbm>> -> memref<128xi32, #tpu.memory_space<hbm>>
      %dma_wait3A_99 = tpu.memref_slice %arg4[%add3A_97] : memref<163840xi32, #tpu.memory_space<hbm>> -> memref<128xi32, #tpu.memory_space<hbm>>
      tpu.wait_dma2 semaphore(%arg16 : memref<!tpu.dma_semaphore, #tpu.memory_space<semaphore_mem>>) src(%dma_wait3A_99 : memref<128xi32, #tpu.memory_space<hbm>>) dst(%arg8 : memref<128xi32, #tpu.memory_space<vmem>>)
      %dma_start3A_100 = arith.constant 0 : i32
      %dma_start3A_101 = arith.constant 0 : i32
      %dma_start3A_102 = arith.constant 0 : i32
      %dma_start3A_103 = tpu.memref_slice %arg12[%dma_start3A_100, %dma_start3A_101, %dma_start3A_102] : memref<2x128x128xf32, #tpu.memory_space<vmem>> -> memref<1x128x128xf32, #tpu.memory_space<vmem>>
      %dma_start3A_104 = tpu.memref_squeeze %dma_start3A_103 : memref<1x128x128xf32, #tpu.memory_space<vmem>> -> memref<128x128xf32, #tpu.memory_space<vmem>>
      %dma_start3A_105 = arith.constant 0 : i32
      %dma_start3A_106 = arith.constant 0 : i32
      %dma_start3A_107 = tpu.memref_slice %arg13[%dma_start3A_105, %dma_start3A_106] : memref<10000x128xf32, #tpu.memory_space<vmem_shared>> -> memref<10000x128xf32, #tpu.memory_space<vmem_shared>>
      tpu.enqueue_indirect_dma source(%dma_start3A_104 : memref<128x128xf32, #tpu.memory_space<vmem>>) target(%dma_start3A_107 : memref<10000x128xf32, #tpu.memory_space<vmem_shared>>) offsets(%arg8 : memref<128xi32, #tpu.memory_space<vmem>>) semaphore(%arg22 : memref<!tpu.dma_semaphore, #tpu.memory_space<semaphore_mem>>) {add = true}
      %add3A_108 = arith.constant 2 : i32
      %add3A_109 = arith.addi %add3A_67, %add3A_108 : i32
      %mul3A_110 = arith.constant 128 : i32
      %mul3A_111 = arith.muli %add3A_109, %mul3A_110 : i32
      %add3A_112 = arith.addi %add3A_13, %mul3A_111 : i32
      %dma_start3A_113 = tpu.memref_slice %arg3[%add3A_112] : memref<327680xi32, #tpu.memory_space<hbm>> -> memref<128xi32, #tpu.memory_space<hbm>>
      %dma_start3A_114 = tpu.memref_slice %arg3[%add3A_112] : memref<327680xi32, #tpu.memory_space<hbm>> -> memref<128xi32, #tpu.memory_space<hbm>>
      tpu.enqueue_dma source(%dma_start3A_114 : memref<128xi32, #tpu.memory_space<hbm>>) target(%arg6 : memref<128xi32, #tpu.memory_space<vmem>>) target_semaphore(%arg14 : memref<!tpu.dma_semaphore, #tpu.memory_space<semaphore_mem>>)
      %add3A_115 = arith.constant 2 : i32
      %add3A_116 = arith.addi %add3A_67, %add3A_115 : i32
      %mul3A_117 = arith.constant 128 : i32
      %mul3A_118 = arith.muli %add3A_116, %mul3A_117 : i32
      %add3A_119 = arith.addi %mul3A_17, %mul3A_118 : i32
      %dma_start3A_120 = tpu.memref_slice %arg4[%add3A_119] : memref<163840xi32, #tpu.memory_space<hbm>> -> memref<128xi32, #tpu.memory_space<hbm>>
      %dma_start3A_121 = tpu.memref_slice %arg4[%add3A_119] : memref<163840xi32, #tpu.memory_space<hbm>> -> memref<128xi32, #tpu.memory_space<hbm>>
      tpu.enqueue_dma source(%dma_start3A_121 : memref<128xi32, #tpu.memory_space<hbm>>) target(%arg10 : memref<128xi32, #tpu.memory_space<vmem>>) target_semaphore(%arg18 : memref<!tpu.dma_semaphore, #tpu.memory_space<semaphore_mem>>)
      %mul3A_122 = arith.constant 4 : i32
      %mul3A_123 = arith.muli %mul3A_122, %scan3A_63 : i32
      %add3A_124 = arith.constant 1 : i32
      %add3A_125 = arith.addi %mul3A_123, %add3A_124 : i32
      %dma_wait3A_126 = arith.constant 1 : i32
      %dma_wait3A_127 = arith.constant 0 : i32
      %dma_wait3A_128 = arith.constant 0 : i32
      %dma_wait3A_129 = tpu.memref_slice %arg12[%dma_wait3A_126, %dma_wait3A_127, %dma_wait3A_128] : memref<2x128x128xf32, #tpu.memory_space<vmem>> -> memref<1x128x128xf32, #tpu.memory_space<vmem>>
      %dma_wait3A_130 = tpu.memref_squeeze %dma_wait3A_129 : memref<1x128x128xf32, #tpu.memory_space<vmem>> -> memref<128x128xf32, #tpu.memory_space<vmem>>
      %dma_wait3A_131 = arith.constant 0 : i32
      %dma_wait3A_132 = arith.constant 0 : i32
      %dma_wait3A_133 = tpu.memref_slice %arg2[%dma_wait3A_131, %dma_wait3A_132] : memref<22000x128xf32, #tpu.memory_space<hbm>> -> memref<22000x128xf32, #tpu.memory_space<hbm>>
      tpu.wait_indirect_dma semaphore(%arg21 : memref<!tpu.dma_semaphore, #tpu.memory_space<semaphore_mem>>) src(%dma_wait3A_133 : memref<22000x128xf32, #tpu.memory_space<hbm>>) dst(%dma_wait3A_130 : memref<128x128xf32, #tpu.memory_space<vmem>>)
      %dma_wait3A_134 = arith.constant 0 : i32
      %dma_wait3A_135 = arith.constant 0 : i32
      %dma_wait3A_136 = arith.constant 0 : i32
      %dma_wait3A_137 = tpu.memref_slice %arg12[%dma_wait3A_134, %dma_wait3A_135, %dma_wait3A_136] : memref<2x128x128xf32, #tpu.memory_space<vmem>> -> memref<1x128x128xf32, #tpu.memory_space<vmem>>
      %dma_wait3A_138 = tpu.memref_squeeze %dma_wait3A_137 : memref<1x128x128xf32, #tpu.memory_space<vmem>> -> memref<128x128xf32, #tpu.memory_space<vmem>>
      %dma_wait3A_139 = arith.constant 0 : i32
      %dma_wait3A_140 = arith.constant 0 : i32
      %dma_wait3A_141 = tpu.memref_slice %arg13[%dma_wait3A_139, %dma_wait3A_140] : memref<10000x128xf32, #tpu.memory_space<vmem_shared>> -> memref<10000x128xf32, #tpu.memory_space<vmem_shared>>
      tpu.wait_indirect_dma semaphore(%arg22 : memref<!tpu.dma_semaphore, #tpu.memory_space<semaphore_mem>>) src(%dma_wait3A_138 : memref<128x128xf32, #tpu.memory_space<vmem>>) dst(%dma_wait3A_141 : memref<10000x128xf32, #tpu.memory_space<vmem_shared>>)
      %add3A_142 = arith.constant 1 : i32
      %add3A_143 = arith.addi %add3A_125, %add3A_142 : i32
      %mul3A_144 = arith.constant 128 : i32
      %mul3A_145 = arith.muli %add3A_143, %mul3A_144 : i32
      %add3A_146 = arith.addi %add3A_13, %mul3A_145 : i32
      %dma_wait3A_147 = tpu.memref_slice %arg3[%add3A_146] : memref<327680xi32, #tpu.memory_space<hbm>> -> memref<128xi32, #tpu.memory_space<hbm>>
      %dma_wait3A_148 = tpu.memref_slice %arg3[%add3A_146] : memref<327680xi32, #tpu.memory_space<hbm>> -> memref<128xi32, #tpu.memory_space<hbm>>
      tpu.wait_dma2 semaphore(%arg14 : memref<!tpu.dma_semaphore, #tpu.memory_space<semaphore_mem>>) src(%dma_wait3A_148 : memref<128xi32, #tpu.memory_space<hbm>>) dst(%arg6 : memref<128xi32, #tpu.memory_space<vmem>>)
      %dma_start3A_149 = arith.constant 0 : i32
      %dma_start3A_150 = arith.constant 0 : i32
      %dma_start3A_151 = arith.constant 0 : i32
      %dma_start3A_152 = tpu.memref_slice %arg12[%dma_start3A_149, %dma_start3A_150, %dma_start3A_151] : memref<2x128x128xf32, #tpu.memory_space<vmem>> -> memref<1x128x128xf32, #tpu.memory_space<vmem>>
      %dma_start3A_153 = tpu.memref_squeeze %dma_start3A_152 : memref<1x128x128xf32, #tpu.memory_space<vmem>> -> memref<128x128xf32, #tpu.memory_space<vmem>>
      %dma_start3A_154 = arith.constant 0 : i32
      %dma_start3A_155 = arith.constant 0 : i32
      %dma_start3A_156 = tpu.memref_slice %arg2[%dma_start3A_154, %dma_start3A_155] : memref<22000x128xf32, #tpu.memory_space<hbm>> -> memref<22000x128xf32, #tpu.memory_space<hbm>>
      tpu.enqueue_indirect_dma source(%dma_start3A_156 : memref<22000x128xf32, #tpu.memory_space<hbm>>) target(%dma_start3A_153 : memref<128x128xf32, #tpu.memory_space<vmem>>) offsets(%arg6 : memref<128xi32, #tpu.memory_space<vmem>>) semaphore(%arg20 : memref<!tpu.dma_semaphore, #tpu.memory_space<semaphore_mem>>)
      %mul3A_157 = arith.constant 128 : i32
      %mul3A_158 = arith.muli %add3A_125, %mul3A_157 : i32
      %add3A_159 = arith.addi %mul3A_17, %mul3A_158 : i32
      %dma_wait3A_160 = tpu.memref_slice %arg4[%add3A_159] : memref<163840xi32, #tpu.memory_space<hbm>> -> memref<128xi32, #tpu.memory_space<hbm>>
      %dma_wait3A_161 = tpu.memref_slice %arg4[%add3A_159] : memref<163840xi32, #tpu.memory_space<hbm>> -> memref<128xi32, #tpu.memory_space<hbm>>
      tpu.wait_dma2 semaphore(%arg17 : memref<!tpu.dma_semaphore, #tpu.memory_space<semaphore_mem>>) src(%dma_wait3A_161 : memref<128xi32, #tpu.memory_space<hbm>>) dst(%arg9 : memref<128xi32, #tpu.memory_space<vmem>>)
      %dma_start3A_162 = arith.constant 1 : i32
      %dma_start3A_163 = arith.constant 0 : i32
      %dma_start3A_164 = arith.constant 0 : i32
      %dma_start3A_165 = tpu.memref_slice %arg12[%dma_start3A_162, %dma_start3A_163, %dma_start3A_164] : memref<2x128x128xf32, #tpu.memory_space<vmem>> -> memref<1x128x128xf32, #tpu.memory_space<vmem>>
      %dma_start3A_166 = tpu.memref_squeeze %dma_start3A_165 : memref<1x128x128xf32, #tpu.memory_space<vmem>> -> memref<128x128xf32, #tpu.memory_space<vmem>>
      %dma_start3A_167 = arith.constant 0 : i32
      %dma_start3A_168 = arith.constant 0 : i32
      %dma_start3A_169 = tpu.memref_slice %arg13[%dma_start3A_167, %dma_start3A_168] : memref<10000x128xf32, #tpu.memory_space<vmem_shared>> -> memref<10000x128xf32, #tpu.memory_space<vmem_shared>>
      tpu.enqueue_indirect_dma source(%dma_start3A_166 : memref<128x128xf32, #tpu.memory_space<vmem>>) target(%dma_start3A_169 : memref<10000x128xf32, #tpu.memory_space<vmem_shared>>) offsets(%arg9 : memref<128xi32, #tpu.memory_space<vmem>>) semaphore(%arg23 : memref<!tpu.dma_semaphore, #tpu.memory_space<semaphore_mem>>) {add = true}
      %add3A_170 = arith.constant 2 : i32
      %add3A_171 = arith.addi %add3A_125, %add3A_170 : i32
      %mul3A_172 = arith.constant 128 : i32
      %mul3A_173 = arith.muli %add3A_171, %mul3A_172 : i32
      %add3A_174 = arith.addi %add3A_13, %mul3A_173 : i32
      %dma_start3A_175 = tpu.memref_slice %arg3[%add3A_174] : memref<327680xi32, #tpu.memory_space<hbm>> -> memref<128xi32, #tpu.memory_space<hbm>>
      %dma_start3A_176 = tpu.memref_slice %arg3[%add3A_174] : memref<327680xi32, #tpu.memory_space<hbm>> -> memref<128xi32, #tpu.memory_space<hbm>>
      tpu.enqueue_dma source(%dma_start3A_176 : memref<128xi32, #tpu.memory_space<hbm>>) target(%arg7 : memref<128xi32, #tpu.memory_space<vmem>>) target_semaphore(%arg15 : memref<!tpu.dma_semaphore, #tpu.memory_space<semaphore_mem>>)
      %add3A_177 = arith.constant 2 : i32
      %add3A_178 = arith.addi %add3A_125, %add3A_177 : i32
      %mul3A_179 = arith.constant 128 : i32
      %mul3A_180 = arith.muli %add3A_178, %mul3A_179 : i32
      %add3A_181 = arith.addi %mul3A_17, %mul3A_180 : i32
      %dma_start3A_182 = tpu.memref_slice %arg4[%add3A_181] : memref<163840xi32, #tpu.memory_space<hbm>> -> memref<128xi32, #tpu.memory_space<hbm>>
      %dma_start3A_183 = tpu.memref_slice %arg4[%add3A_181] : memref<163840xi32, #tpu.memory_space<hbm>> -> memref<128xi32, #tpu.memory_space<hbm>>
      tpu.enqueue_dma source(%dma_start3A_183 : memref<128xi32, #tpu.memory_space<hbm>>) target(%arg11 : memref<128xi32, #tpu.memory_space<vmem>>) target_semaphore(%arg19 : memref<!tpu.dma_semaphore, #tpu.memory_space<semaphore_mem>>)
      %mul3A_184 = arith.constant 4 : i32
      %mul3A_185 = arith.muli %mul3A_184, %scan3A_63 : i32
      %add3A_186 = arith.constant 2 : i32
      %add3A_187 = arith.addi %mul3A_185, %add3A_186 : i32
      %dma_wait3A_188 = arith.constant 0 : i32
      %dma_wait3A_189 = arith.constant 0 : i32
      %dma_wait3A_190 = arith.constant 0 : i32
      %dma_wait3A_191 = tpu.memref_slice %arg12[%dma_wait3A_188, %dma_wait3A_189, %dma_wait3A_190] : memref<2x128x128xf32, #tpu.memory_space<vmem>> -> memref<1x128x128xf32, #tpu.memory_space<vmem>>
      %dma_wait3A_192 = tpu.memref_squeeze %dma_wait3A_191 : memref<1x128x128xf32, #tpu.memory_space<vmem>> -> memref<128x128xf32, #tpu.memory_space<vmem>>
      %dma_wait3A_193 = arith.constant 0 : i32
      %dma_wait3A_194 = arith.constant 0 : i32
      %dma_wait3A_195 = tpu.memref_slice %arg2[%dma_wait3A_193, %dma_wait3A_194] : memref<22000x128xf32, #tpu.memory_space<hbm>> -> memref<22000x128xf32, #tpu.memory_space<hbm>>
      tpu.wait_indirect_dma semaphore(%arg20 : memref<!tpu.dma_semaphore, #tpu.memory_space<semaphore_mem>>) src(%dma_wait3A_195 : memref<22000x128xf32, #tpu.memory_space<hbm>>) dst(%dma_wait3A_192 : memref<128x128xf32, #tpu.memory_space<vmem>>)
      %dma_wait3A_196 = arith.constant 1 : i32
      %dma_wait3A_197 = arith.constant 0 : i32
      %dma_wait3A_198 = arith.constant 0 : i32
      %dma_wait3A_199 = tpu.memref_slice %arg12[%dma_wait3A_196, %dma_wait3A_197, %dma_wait3A_198] : memref<2x128x128xf32, #tpu.memory_space<vmem>> -> memref<1x128x128xf32, #tpu.memory_space<vmem>>
      %dma_wait3A_200 = tpu.memref_squeeze %dma_wait3A_199 : memref<1x128x128xf32, #tpu.memory_space<vmem>> -> memref<128x128xf32, #tpu.memory_space<vmem>>
      %dma_wait3A_201 = arith.constant 0 : i32
      %dma_wait3A_202 = arith.constant 0 : i32
      %dma_wait3A_203 = tpu.memref_slice %arg13[%dma_wait3A_201, %dma_wait3A_202] : memref<10000x128xf32, #tpu.memory_space<vmem_shared>> -> memref<10000x128xf32, #tpu.memory_space<vmem_shared>>
      tpu.wait_indirect_dma semaphore(%arg23 : memref<!tpu.dma_semaphore, #tpu.memory_space<semaphore_mem>>) src(%dma_wait3A_200 : memref<128x128xf32, #tpu.memory_space<vmem>>) dst(%dma_wait3A_203 : memref<10000x128xf32, #tpu.memory_space<vmem_shared>>)
      %add3A_204 = arith.constant 1 : i32
      %add3A_205 = arith.addi %add3A_187, %add3A_204 : i32
      %mul3A_206 = arith.constant 128 : i32
      %mul3A_207 = arith.muli %add3A_205, %mul3A_206 : i32
      %add3A_208 = arith.addi %add3A_13, %mul3A_207 : i32
      %dma_wait3A_209 = tpu.memref_slice %arg3[%add3A_208] : memref<327680xi32, #tpu.memory_space<hbm>> -> memref<128xi32, #tpu.memory_space<hbm>>
      %dma_wait3A_210 = tpu.memref_slice %arg3[%add3A_208] : memref<327680xi32, #tpu.memory_space<hbm>> -> memref<128xi32, #tpu.memory_space<hbm>>
      tpu.wait_dma2 semaphore(%arg15 : memref<!tpu.dma_semaphore, #tpu.memory_space<semaphore_mem>>) src(%dma_wait3A_210 : memref<128xi32, #tpu.memory_space<hbm>>) dst(%arg7 : memref<128xi32, #tpu.memory_space<vmem>>)
      %dma_start3A_211 = arith.constant 1 : i32
      %dma_start3A_212 = arith.constant 0 : i32
      %dma_start3A_213 = arith.constant 0 : i32
      %dma_start3A_214 = tpu.memref_slice %arg12[%dma_start3A_211, %dma_start3A_212, %dma_start3A_213] : memref<2x128x128xf32, #tpu.memory_space<vmem>> -> memref<1x128x128xf32, #tpu.memory_space<vmem>>
      %dma_start3A_215 = tpu.memref_squeeze %dma_start3A_214 : memref<1x128x128xf32, #tpu.memory_space<vmem>> -> memref<128x128xf32, #tpu.memory_space<vmem>>
      %dma_start3A_216 = arith.constant 0 : i32
      %dma_start3A_217 = arith.constant 0 : i32
      %dma_start3A_218 = tpu.memref_slice %arg2[%dma_start3A_216, %dma_start3A_217] : memref<22000x128xf32, #tpu.memory_space<hbm>> -> memref<22000x128xf32, #tpu.memory_space<hbm>>
      tpu.enqueue_indirect_dma source(%dma_start3A_218 : memref<22000x128xf32, #tpu.memory_space<hbm>>) target(%dma_start3A_215 : memref<128x128xf32, #tpu.memory_space<vmem>>) offsets(%arg7 : memref<128xi32, #tpu.memory_space<vmem>>) semaphore(%arg21 : memref<!tpu.dma_semaphore, #tpu.memory_space<semaphore_mem>>)
      %mul3A_219 = arith.constant 128 : i32
      %mul3A_220 = arith.muli %add3A_187, %mul3A_219 : i32
      %add3A_221 = arith.addi %mul3A_17, %mul3A_220 : i32
      %dma_wait3A_222 = tpu.memref_slice %arg4[%add3A_221] : memref<163840xi32, #tpu.memory_space<hbm>> -> memref<128xi32, #tpu.memory_space<hbm>>
      %dma_wait3A_223 = tpu.memref_slice %arg4[%add3A_221] : memref<163840xi32, #tpu.memory_space<hbm>> -> memref<128xi32, #tpu.memory_space<hbm>>
      tpu.wait_dma2 semaphore(%arg18 : memref<!tpu.dma_semaphore, #tpu.memory_space<semaphore_mem>>) src(%dma_wait3A_223 : memref<128xi32, #tpu.memory_space<hbm>>) dst(%arg10 : memref<128xi32, #tpu.memory_space<vmem>>)
      %dma_start3A_224 = arith.constant 0 : i32
      %dma_start3A_225 = arith.constant 0 : i32
      %dma_start3A_226 = arith.constant 0 : i32
      %dma_start3A_227 = tpu.memref_slice %arg12[%dma_start3A_224, %dma_start3A_225, %dma_start3A_226] : memref<2x128x128xf32, #tpu.memory_space<vmem>> -> memref<1x128x128xf32, #tpu.memory_space<vmem>>
      %dma_start3A_228 = tpu.memref_squeeze %dma_start3A_227 : memref<1x128x128xf32, #tpu.memory_space<vmem>> -> memref<128x128xf32, #tpu.memory_space<vmem>>
      %dma_start3A_229 = arith.constant 0 : i32
      %dma_start3A_230 = arith.constant 0 : i32
      %dma_start3A_231 = tpu.memref_slice %arg13[%dma_start3A_229, %dma_start3A_230] : memref<10000x128xf32, #tpu.memory_space<vmem_shared>> -> memref<10000x128xf32, #tpu.memory_space<vmem_shared>>
      tpu.enqueue_indirect_dma source(%dma_start3A_228 : memref<128x128xf32, #tpu.memory_space<vmem>>) target(%dma_start3A_231 : memref<10000x128xf32, #tpu.memory_space<vmem_shared>>) offsets(%arg10 : memref<128xi32, #tpu.memory_space<vmem>>) semaphore(%arg22 : memref<!tpu.dma_semaphore, #tpu.memory_space<semaphore_mem>>) {add = true}
      %add3A_232 = arith.constant 2 : i32
      %add3A_233 = arith.addi %add3A_187, %add3A_232 : i32
      %lt3A = arith.constant 80 : i32
      %lt3A_234 = arith.cmpi slt, %add3A_233, %lt3A : i32
      %convert_element_type3A_235 = arith.extui %lt3A_234 : i1 to i32
      %cond3A_236 = arith.constant 0 : i32
      %cond3A_237 = arith.cmpi ne, %convert_element_type3A_235, %cond3A_236 : i32
      scf.if %cond3A_237 {
        %add3A_285 = arith.constant 2 : i32
        %add3A_286 = arith.addi %add3A_187, %add3A_285 : i32
        %mul3A_287 = arith.constant 128 : i32
        %mul3A_288 = arith.muli %add3A_286, %mul3A_287 : i32
        %add3A_289 = arith.addi %add3A_13, %mul3A_288 : i32
        %dma_start3A_290 = tpu.memref_slice %arg3[%add3A_289] : memref<327680xi32, #tpu.memory_space<hbm>> -> memref<128xi32, #tpu.memory_space<hbm>>
        %dma_start3A_291 = tpu.memref_slice %arg3[%add3A_289] : memref<327680xi32, #tpu.memory_space<hbm>> -> memref<128xi32, #tpu.memory_space<hbm>>
        tpu.enqueue_dma source(%dma_start3A_291 : memref<128xi32, #tpu.memory_space<hbm>>) target(%arg6 : memref<128xi32, #tpu.memory_space<vmem>>) target_semaphore(%arg14 : memref<!tpu.dma_semaphore, #tpu.memory_space<semaphore_mem>>)
        %add3A_292 = arith.constant 2 : i32
        %add3A_293 = arith.addi %add3A_187, %add3A_292 : i32
        %mul3A_294 = arith.constant 128 : i32
        %mul3A_295 = arith.muli %add3A_293, %mul3A_294 : i32
        %add3A_296 = arith.addi %mul3A_17, %mul3A_295 : i32
        %dma_start3A_297 = tpu.memref_slice %arg4[%add3A_296] : memref<163840xi32, #tpu.memory_space<hbm>> -> memref<128xi32, #tpu.memory_space<hbm>>
        %dma_start3A_298 = tpu.memref_slice %arg4[%add3A_296] : memref<163840xi32, #tpu.memory_space<hbm>> -> memref<128xi32, #tpu.memory_space<hbm>>
        tpu.enqueue_dma source(%dma_start3A_298 : memref<128xi32, #tpu.memory_space<hbm>>) target(%arg8 : memref<128xi32, #tpu.memory_space<vmem>>) target_semaphore(%arg16 : memref<!tpu.dma_semaphore, #tpu.memory_space<semaphore_mem>>)
      } else {
      }
      %mul3A_238 = arith.constant 4 : i32
      %mul3A_239 = arith.muli %mul3A_238, %scan3A_63 : i32
      %add3A_240 = arith.constant 3 : i32
      %add3A_241 = arith.addi %mul3A_239, %add3A_240 : i32
      %dma_wait3A_242 = arith.constant 1 : i32
      %dma_wait3A_243 = arith.constant 0 : i32
      %dma_wait3A_244 = arith.constant 0 : i32
      %dma_wait3A_245 = tpu.memref_slice %arg12[%dma_wait3A_242, %dma_wait3A_243, %dma_wait3A_244] : memref<2x128x128xf32, #tpu.memory_space<vmem>> -> memref<1x128x128xf32, #tpu.memory_space<vmem>>
      %dma_wait3A_246 = tpu.memref_squeeze %dma_wait3A_245 : memref<1x128x128xf32, #tpu.memory_space<vmem>> -> memref<128x128xf32, #tpu.memory_space<vmem>>
      %dma_wait3A_247 = arith.constant 0 : i32
      %dma_wait3A_248 = arith.constant 0 : i32
      %dma_wait3A_249 = tpu.memref_slice %arg2[%dma_wait3A_247, %dma_wait3A_248] : memref<22000x128xf32, #tpu.memory_space<hbm>> -> memref<22000x128xf32, #tpu.memory_space<hbm>>
      tpu.wait_indirect_dma semaphore(%arg21 : memref<!tpu.dma_semaphore, #tpu.memory_space<semaphore_mem>>) src(%dma_wait3A_249 : memref<22000x128xf32, #tpu.memory_space<hbm>>) dst(%dma_wait3A_246 : memref<128x128xf32, #tpu.memory_space<vmem>>)
      %dma_wait3A_250 = arith.constant 0 : i32
      %dma_wait3A_251 = arith.constant 0 : i32
      %dma_wait3A_252 = arith.constant 0 : i32
      %dma_wait3A_253 = tpu.memref_slice %arg12[%dma_wait3A_250, %dma_wait3A_251, %dma_wait3A_252] : memref<2x128x128xf32, #tpu.memory_space<vmem>> -> memref<1x128x128xf32, #tpu.memory_space<vmem>>
      %dma_wait3A_254 = tpu.memref_squeeze %dma_wait3A_253 : memref<1x128x128xf32, #tpu.memory_space<vmem>> -> memref<128x128xf32, #tpu.memory_space<vmem>>
      %dma_wait3A_255 = arith.constant 0 : i32
      %dma_wait3A_256 = arith.constant 0 : i32
      %dma_wait3A_257 = tpu.memref_slice %arg13[%dma_wait3A_255, %dma_wait3A_256] : memref<10000x128xf32, #tpu.memory_space<vmem_shared>> -> memref<10000x128xf32, #tpu.memory_space<vmem_shared>>
      tpu.wait_indirect_dma semaphore(%arg22 : memref<!tpu.dma_semaphore, #tpu.memory_space<semaphore_mem>>) src(%dma_wait3A_254 : memref<128x128xf32, #tpu.memory_space<vmem>>) dst(%dma_wait3A_257 : memref<10000x128xf32, #tpu.memory_space<vmem_shared>>)
      %add3A_258 = arith.constant 1 : i32
      %add3A_259 = arith.addi %add3A_241, %add3A_258 : i32
      %lt3A_260 = arith.constant 80 : i32
      %lt3A_261 = arith.cmpi slt, %add3A_259, %lt3A_260 : i32
      %convert_element_type3A_262 = arith.extui %lt3A_261 : i1 to i32
      %cond3A_263 = arith.constant 0 : i32
      %cond3A_264 = arith.cmpi ne, %convert_element_type3A_262, %cond3A_263 : i32
      scf.if %cond3A_264 {
        %add3A_285 = arith.constant 1 : i32
        %add3A_286 = arith.addi %add3A_241, %add3A_285 : i32
        %mul3A_287 = arith.constant 128 : i32
        %mul3A_288 = arith.muli %add3A_286, %mul3A_287 : i32
        %add3A_289 = arith.addi %add3A_13, %mul3A_288 : i32
        %dma_wait3A_290 = tpu.memref_slice %arg3[%add3A_289] : memref<327680xi32, #tpu.memory_space<hbm>> -> memref<128xi32, #tpu.memory_space<hbm>>
        %dma_wait3A_291 = tpu.memref_slice %arg3[%add3A_289] : memref<327680xi32, #tpu.memory_space<hbm>> -> memref<128xi32, #tpu.memory_space<hbm>>
        tpu.wait_dma2 semaphore(%arg14 : memref<!tpu.dma_semaphore, #tpu.memory_space<semaphore_mem>>) src(%dma_wait3A_291 : memref<128xi32, #tpu.memory_space<hbm>>) dst(%arg6 : memref<128xi32, #tpu.memory_space<vmem>>)
        %dma_start3A_292 = arith.constant 0 : i32
        %dma_start3A_293 = arith.constant 0 : i32
        %dma_start3A_294 = arith.constant 0 : i32
        %dma_start3A_295 = tpu.memref_slice %arg12[%dma_start3A_292, %dma_start3A_293, %dma_start3A_294] : memref<2x128x128xf32, #tpu.memory_space<vmem>> -> memref<1x128x128xf32, #tpu.memory_space<vmem>>
        %dma_start3A_296 = tpu.memref_squeeze %dma_start3A_295 : memref<1x128x128xf32, #tpu.memory_space<vmem>> -> memref<128x128xf32, #tpu.memory_space<vmem>>
        %dma_start3A_297 = arith.constant 0 : i32
        %dma_start3A_298 = arith.constant 0 : i32
        %dma_start3A_299 = tpu.memref_slice %arg2[%dma_start3A_297, %dma_start3A_298] : memref<22000x128xf32, #tpu.memory_space<hbm>> -> memref<22000x128xf32, #tpu.memory_space<hbm>>
        tpu.enqueue_indirect_dma source(%dma_start3A_299 : memref<22000x128xf32, #tpu.memory_space<hbm>>) target(%dma_start3A_296 : memref<128x128xf32, #tpu.memory_space<vmem>>) offsets(%arg6 : memref<128xi32, #tpu.memory_space<vmem>>) semaphore(%arg20 : memref<!tpu.dma_semaphore, #tpu.memory_space<semaphore_mem>>)
      } else {
      }
      %mul3A_265 = arith.constant 128 : i32
      %mul3A_266 = arith.muli %add3A_241, %mul3A_265 : i32
      %add3A_267 = arith.addi %mul3A_17, %mul3A_266 : i32
      %dma_wait3A_268 = tpu.memref_slice %arg4[%add3A_267] : memref<163840xi32, #tpu.memory_space<hbm>> -> memref<128xi32, #tpu.memory_space<hbm>>
      %dma_wait3A_269 = tpu.memref_slice %arg4[%add3A_267] : memref<163840xi32, #tpu.memory_space<hbm>> -> memref<128xi32, #tpu.memory_space<hbm>>
      tpu.wait_dma2 semaphore(%arg19 : memref<!tpu.dma_semaphore, #tpu.memory_space<semaphore_mem>>) src(%dma_wait3A_269 : memref<128xi32, #tpu.memory_space<hbm>>) dst(%arg11 : memref<128xi32, #tpu.memory_space<vmem>>)
      %dma_start3A_270 = arith.constant 1 : i32
      %dma_start3A_271 = arith.constant 0 : i32
      %dma_start3A_272 = arith.constant 0 : i32
      %dma_start3A_273 = tpu.memref_slice %arg12[%dma_start3A_270, %dma_start3A_271, %dma_start3A_272] : memref<2x128x128xf32, #tpu.memory_space<vmem>> -> memref<1x128x128xf32, #tpu.memory_space<vmem>>
      %dma_start3A_274 = tpu.memref_squeeze %dma_start3A_273 : memref<1x128x128xf32, #tpu.memory_space<vmem>> -> memref<128x128xf32, #tpu.memory_space<vmem>>
      %dma_start3A_275 = arith.constant 0 : i32
      %dma_start3A_276 = arith.constant 0 : i32
      %dma_start3A_277 = tpu.memref_slice %arg13[%dma_start3A_275, %dma_start3A_276] : memref<10000x128xf32, #tpu.memory_space<vmem_shared>> -> memref<10000x128xf32, #tpu.memory_space<vmem_shared>>
      tpu.enqueue_indirect_dma source(%dma_start3A_274 : memref<128x128xf32, #tpu.memory_space<vmem>>) target(%dma_start3A_277 : memref<10000x128xf32, #tpu.memory_space<vmem_shared>>) offsets(%arg11 : memref<128xi32, #tpu.memory_space<vmem>>) semaphore(%arg23 : memref<!tpu.dma_semaphore, #tpu.memory_space<semaphore_mem>>) {add = true}
      %add3A_278 = arith.constant 2 : i32
      %add3A_279 = arith.addi %add3A_241, %add3A_278 : i32
      %lt3A_280 = arith.constant 80 : i32
      %lt3A_281 = arith.cmpi slt, %add3A_279, %lt3A_280 : i32
      %convert_element_type3A_282 = arith.extui %lt3A_281 : i1 to i32
      %cond3A_283 = arith.constant 0 : i32
      %cond3A_284 = arith.cmpi ne, %convert_element_type3A_282, %cond3A_283 : i32
      scf.if %cond3A_284 {
        %add3A_285 = arith.constant 2 : i32
        %add3A_286 = arith.addi %add3A_241, %add3A_285 : i32
        %mul3A_287 = arith.constant 128 : i32
        %mul3A_288 = arith.muli %add3A_286, %mul3A_287 : i32
        %add3A_289 = arith.addi %add3A_13, %mul3A_288 : i32
        %dma_start3A_290 = tpu.memref_slice %arg3[%add3A_289] : memref<327680xi32, #tpu.memory_space<hbm>> -> memref<128xi32, #tpu.memory_space<hbm>>
        %dma_start3A_291 = tpu.memref_slice %arg3[%add3A_289] : memref<327680xi32, #tpu.memory_space<hbm>> -> memref<128xi32, #tpu.memory_space<hbm>>
        tpu.enqueue_dma source(%dma_start3A_291 : memref<128xi32, #tpu.memory_space<hbm>>) target(%arg7 : memref<128xi32, #tpu.memory_space<vmem>>) target_semaphore(%arg15 : memref<!tpu.dma_semaphore, #tpu.memory_space<semaphore_mem>>)
        %add3A_292 = arith.constant 2 : i32
        %add3A_293 = arith.addi %add3A_241, %add3A_292 : i32
        %mul3A_294 = arith.constant 128 : i32
        %mul3A_295 = arith.muli %add3A_293, %mul3A_294 : i32
        %add3A_296 = arith.addi %mul3A_17, %mul3A_295 : i32
        %dma_start3A_297 = tpu.memref_slice %arg4[%add3A_296] : memref<163840xi32, #tpu.memory_space<hbm>> -> memref<128xi32, #tpu.memory_space<hbm>>
        %dma_start3A_298 = tpu.memref_slice %arg4[%add3A_296] : memref<163840xi32, #tpu.memory_space<hbm>> -> memref<128xi32, #tpu.memory_space<hbm>>
        tpu.enqueue_dma source(%dma_start3A_298 : memref<128xi32, #tpu.memory_space<hbm>>) target(%arg9 : memref<128xi32, #tpu.memory_space<vmem>>) target_semaphore(%arg17 : memref<!tpu.dma_semaphore, #tpu.memory_space<semaphore_mem>>)
      } else {
      }
    }
    %scan3A_48 = arith.constant 20 : i32
    %dma_wait3A_49 = arith.constant 1 : i32
    %dma_wait3A_50 = arith.constant 0 : i32
    %dma_wait3A_51 = arith.constant 0 : i32
    %dma_wait3A_52 = tpu.memref_slice %arg12[%dma_wait3A_49, %dma_wait3A_50, %dma_wait3A_51] : memref<2x128x128xf32, #tpu.memory_space<vmem>> -> memref<1x128x128xf32, #tpu.memory_space<vmem>>
    %dma_wait3A_53 = tpu.memref_squeeze %dma_wait3A_52 : memref<1x128x128xf32, #tpu.memory_space<vmem>> -> memref<128x128xf32, #tpu.memory_space<vmem>>
    %dma_wait3A_54 = arith.constant 0 : i32
    %dma_wait3A_55 = arith.constant 0 : i32
    %dma_wait3A_56 = tpu.memref_slice %arg13[%dma_wait3A_54, %dma_wait3A_55] : memref<10000x128xf32, #tpu.memory_space<vmem_shared>> -> memref<10000x128xf32, #tpu.memory_space<vmem_shared>>
    tpu.wait_indirect_dma semaphore(%arg23 : memref<!tpu.dma_semaphore, #tpu.memory_space<semaphore_mem>>) src(%dma_wait3A_53 : memref<128x128xf32, #tpu.memory_space<vmem>>) dst(%dma_wait3A_56 : memref<10000x128xf32, #tpu.memory_space<vmem_shared>>)
    %barrier3A_57 = arith.constant 0 : index
    tpu.barrier barrier_id(%barrier3A_57)
    "tpu.region"() ({
      %run_scoped3A = tpu.sem_alloc : memref<!tpu.dma_semaphore, #tpu.memory_space<semaphore_mem>>
      %dma_start3A_63 = arith.constant 0 : i32
      %dma_start3A_64 = tpu.memref_slice %arg5[%arg0, %mul3A_0, %dma_start3A_63] : memref<2x10000x128xf32, #tpu.memory_space<hbm>> -> memref<1x624x128xf32, #tpu.memory_space<hbm>>
      %dma_start3A_65 = tpu.memref_squeeze %dma_start3A_64 : memref<1x624x128xf32, #tpu.memory_space<hbm>> -> memref<624x128xf32, #tpu.memory_space<hbm>>
      %dma_start3A_66 = arith.constant 0 : i32
      %dma_start3A_67 = tpu.memref_slice %arg13[%mul3A_0, %dma_start3A_66] : memref<10000x128xf32, #tpu.memory_space<vmem_shared>> -> memref<624x128xf32, #tpu.memory_space<vmem_shared>>
      tpu.enqueue_dma source(%dma_start3A_67 : memref<624x128xf32, #tpu.memory_space<vmem_shared>>) target(%dma_start3A_65 : memref<624x128xf32, #tpu.memory_space<hbm>>) target_semaphore(%run_scoped3A : memref<!tpu.dma_semaphore, #tpu.memory_space<semaphore_mem>>)
      %dma_wait3A_68 = arith.constant 0 : i32
      %dma_wait3A_69 = tpu.memref_slice %arg5[%arg0, %mul3A_0, %dma_wait3A_68] : memref<2x10000x128xf32, #tpu.memory_space<hbm>> -> memref<1x624x128xf32, #tpu.memory_space<hbm>>
      %dma_wait3A_70 = tpu.memref_squeeze %dma_wait3A_69 : memref<1x624x128xf32, #tpu.memory_space<hbm>> -> memref<624x128xf32, #tpu.memory_space<hbm>>
      %dma_wait3A_71 = arith.constant 0 : i32
      %dma_wait3A_72 = tpu.memref_slice %arg13[%mul3A_0, %dma_wait3A_71] : memref<10000x128xf32, #tpu.memory_space<vmem_shared>> -> memref<624x128xf32, #tpu.memory_space<vmem_shared>>
      tpu.wait_dma2 semaphore(%run_scoped3A : memref<!tpu.dma_semaphore, #tpu.memory_space<semaphore_mem>>) src(%dma_wait3A_72 : memref<624x128xf32, #tpu.memory_space<vmem_shared>>) dst(%dma_wait3A_70 : memref<624x128xf32, #tpu.memory_space<hbm>>)
      tpu.yield
    }) : () -> ()
    %eq3A_58 = arith.constant 0 : i32
    %eq3A_59 = arith.cmpi eq, %arg1, %eq3A_58 : i32
    %convert_element_type3A_60 = arith.extui %eq3A_59 : i1 to i32
    %cond3A_61 = arith.constant 0 : i32
    %cond3A_62 = arith.cmpi ne, %convert_element_type3A_60, %cond3A_61 : i32
    scf.if %cond3A_62 {
      "tpu.region"() ({
        %run_scoped3A = tpu.sem_alloc : memref<!tpu.dma_semaphore, #tpu.memory_space<semaphore_mem>>
        %dma_start3A_63 = arith.constant 9984 : i32
        %dma_start3A_64 = arith.constant 0 : i32
        %dma_start3A_65 = tpu.memref_slice %arg5[%arg0, %dma_start3A_63, %dma_start3A_64] : memref<2x10000x128xf32, #tpu.memory_space<hbm>> -> memref<1x16x128xf32, #tpu.memory_space<hbm>>
        %dma_start3A_66 = tpu.memref_squeeze %dma_start3A_65 : memref<1x16x128xf32, #tpu.memory_space<hbm>> -> memref<16x128xf32, #tpu.memory_space<hbm>>
        %dma_start3A_67 = arith.constant 9984 : i32
        %dma_start3A_68 = arith.constant 0 : i32
        %dma_start3A_69 = tpu.memref_slice %arg13[%dma_start3A_67, %dma_start3A_68] : memref<10000x128xf32, #tpu.memory_space<vmem_shared>> -> memref<16x128xf32, #tpu.memory_space<vmem_shared>>
        tpu.enqueue_dma source(%dma_start3A_69 : memref<16x128xf32, #tpu.memory_space<vmem_shared>>) target(%dma_start3A_66 : memref<16x128xf32, #tpu.memory_space<hbm>>) target_semaphore(%run_scoped3A : memref<!tpu.dma_semaphore, #tpu.memory_space<semaphore_mem>>)
        %dma_wait3A_70 = arith.constant 9984 : i32
        %dma_wait3A_71 = arith.constant 0 : i32
        %dma_wait3A_72 = tpu.memref_slice %arg5[%arg0, %dma_wait3A_70, %dma_wait3A_71] : memref<2x10000x128xf32, #tpu.memory_space<hbm>> -> memref<1x16x128xf32, #tpu.memory_space<hbm>>
        %dma_wait3A_73 = tpu.memref_squeeze %dma_wait3A_72 : memref<1x16x128xf32, #tpu.memory_space<hbm>> -> memref<16x128xf32, #tpu.memory_space<hbm>>
        %dma_wait3A_74 = arith.constant 9984 : i32
        %dma_wait3A_75 = arith.constant 0 : i32
        %dma_wait3A_76 = tpu.memref_slice %arg13[%dma_wait3A_74, %dma_wait3A_75] : memref<10000x128xf32, #tpu.memory_space<vmem_shared>> -> memref<16x128xf32, #tpu.memory_space<vmem_shared>>
        tpu.wait_dma2 semaphore(%run_scoped3A : memref<!tpu.dma_semaphore, #tpu.memory_space<semaphore_mem>>) src(%dma_wait3A_76 : memref<16x128xf32, #tpu.memory_space<vmem_shared>>) dst(%dma_wait3A_73 : memref<16x128xf32, #tpu.memory_space<hbm>>)
        tpu.yield
      }) : () -> ()
    } else {
    }
    return
  }
}

#map = affine_map<(d0, d1) -> (0, 0)>
#map1 = affine_map<(d0, d1) -> (0)>
#map2 = affine_map<(d0, d1) -> (0, 0, 0)>
module attributes {stable_mosaic.version = 14 : i64} {
  func.func @_agg_kernel(%arg0: i32, %arg1: i32, %arg2: memref<22000x128xf32, #tpu.memory_space<hbm>>, %arg3: memref<327680xi32, #tpu.memory_space<hbm>>, %arg4: memref<163840xi32, #tpu.memory_space<hbm>>, %arg5: memref<2x10000x128xf32, #tpu.memory_space<hbm>>, %arg6: memref<128xi32, #tpu.memory_space<vmem>>, %arg7: memref<128xi32, #tpu.memory_space<vmem>>, %arg8: memref<128xi32, #tpu.memory_space<vmem>>, %arg9: memref<128xi32, #tpu.memory_space<vmem>>, %arg10: memref<128xi32, #tpu.memory_space<vmem>>, %arg11: memref<128xi32, #tpu.memory_space<vmem>>, %arg12: memref<2x128x128xf32, #tpu.memory_space<vmem>>, %arg13: memref<10000x128xf32, #tpu.memory_space<vmem_shared>>, %arg14: memref<!tpu.dma_semaphore, #tpu.memory_space<semaphore_mem>>, %arg15: memref<!tpu.dma_semaphore, #tpu.memory_space<semaphore_mem>>, %arg16: memref<!tpu.dma_semaphore, #tpu.memory_space<semaphore_mem>>, %arg17: memref<!tpu.dma_semaphore, #tpu.memory_space<semaphore_mem>>, %arg18: memref<!tpu.dma_semaphore, #tpu.memory_space<semaphore_mem>>, %arg19: memref<!tpu.dma_semaphore, #tpu.memory_space<semaphore_mem>>, %arg20: memref<!tpu.dma_semaphore, #tpu.memory_space<semaphore_mem>>, %arg21: memref<!tpu.dma_semaphore, #tpu.memory_space<semaphore_mem>>, %arg22: memref<!tpu.dma_semaphore, #tpu.memory_space<semaphore_mem>>, %arg23: memref<!tpu.dma_semaphore, #tpu.memory_space<semaphore_mem>>) attributes {dimension_semantics = [#tpu.dimension_semantics<core_parallel>, #tpu.dimension_semantics<subcore_parallel>], iteration_bounds = array<i64: 2, 16>, scalar_prefetch = 0 : i64, scratch_operands = 18 : i64, tpu.core_type = #tpu.core_type<sc_vector_subcore>, window_params = [{transform_indices = #map}, {transform_indices = #map1}, {transform_indices = #map1}, {transform_indices = #map2}]} {
    %mul3A = arith.constant 624 : i32
    %mul3A_0 = arith.muli %arg1, %mul3A : i32
    %mul3A_1 = arith.constant 11000 : i32
    %mul3A_2 = arith.muli %arg0, %mul3A_1 : i32
    %add3A = arith.addi %mul3A_2, %mul3A_0 : i32
    "tpu.region"() ({
      %run_scoped3A = tpu.sem_alloc : memref<!tpu.dma_semaphore, #tpu.memory_space<semaphore_mem>>
      %dma_start3A_63 = arith.constant 0 : i32
      %dma_start3A_64 = tpu.memref_slice %arg13[%mul3A_0, %dma_start3A_63] : memref<10000x128xf32, #tpu.memory_space<vmem_shared>> -> memref<624x128xf32, #tpu.memory_space<vmem_shared>>
      %dma_start3A_65 = arith.constant 0 : i32
      %dma_start3A_66 = tpu.memref_slice %arg2[%add3A, %dma_start3A_65] : memref<22000x128xf32, #tpu.memory_space<hbm>> -> memref<624x128xf32, #tpu.memory_space<hbm>>
      tpu.enqueue_dma source(%dma_start3A_66 : memref<624x128xf32, #tpu.memory_space<hbm>>) target(%dma_start3A_64 : memref<624x128xf32, #tpu.memory_space<vmem_shared>>) target_semaphore(%run_scoped3A : memref<!tpu.dma_semaphore, #tpu.memory_space<semaphore_mem>>)
      %dma_wait3A_67 = arith.constant 0 : i32
      %dma_wait3A_68 = tpu.memref_slice %arg13[%mul3A_0, %dma_wait3A_67] : memref<10000x128xf32, #tpu.memory_space<vmem_shared>> -> memref<624x128xf32, #tpu.memory_space<vmem_shared>>
      %dma_wait3A_69 = arith.constant 0 : i32
      %dma_wait3A_70 = tpu.memref_slice %arg2[%add3A, %dma_wait3A_69] : memref<22000x128xf32, #tpu.memory_space<hbm>> -> memref<624x128xf32, #tpu.memory_space<hbm>>
      tpu.wait_dma2 semaphore(%run_scoped3A : memref<!tpu.dma_semaphore, #tpu.memory_space<semaphore_mem>>) src(%dma_wait3A_70 : memref<624x128xf32, #tpu.memory_space<hbm>>) dst(%dma_wait3A_68 : memref<624x128xf32, #tpu.memory_space<vmem_shared>>)
      tpu.yield
    }) : () -> ()
    %eq3A = arith.constant 0 : i32
    %eq3A_3 = arith.cmpi eq, %arg1, %eq3A : i32
    %convert_element_type3A = arith.extui %eq3A_3 : i1 to i32
    %cond3A = arith.constant 0 : i32
    %cond3A_4 = arith.cmpi ne, %convert_element_type3A, %cond3A : i32
    scf.if %cond3A_4 {
      %mul3A_63 = arith.constant 11000 : i32
      %mul3A_64 = arith.muli %arg0, %mul3A_63 : i32
      %add3A_65 = arith.constant 9984 : i32
      %add3A_66 = arith.addi %mul3A_64, %add3A_65 : i32
      "tpu.region"() ({
        %run_scoped3A = tpu.sem_alloc : memref<!tpu.dma_semaphore, #tpu.memory_space<semaphore_mem>>
        %dma_start3A_67 = arith.constant 9984 : i32
        %dma_start3A_68 = arith.constant 0 : i32
        %dma_start3A_69 = tpu.memref_slice %arg13[%dma_start3A_67, %dma_start3A_68] : memref<10000x128xf32, #tpu.memory_space<vmem_shared>> -> memref<16x128xf32, #tpu.memory_space<vmem_shared>>
        %dma_start3A_70 = arith.constant 0 : i32
        %dma_start3A_71 = tpu.memref_slice %arg2[%add3A_66, %dma_start3A_70] : memref<22000x128xf32, #tpu.memory_space<hbm>> -> memref<16x128xf32, #tpu.memory_space<hbm>>
        tpu.enqueue_dma source(%dma_start3A_71 : memref<16x128xf32, #tpu.memory_space<hbm>>) target(%dma_start3A_69 : memref<16x128xf32, #tpu.memory_space<vmem_shared>>) target_semaphore(%run_scoped3A : memref<!tpu.dma_semaphore, #tpu.memory_space<semaphore_mem>>)
        %dma_wait3A_72 = arith.constant 9984 : i32
        %dma_wait3A_73 = arith.constant 0 : i32
        %dma_wait3A_74 = tpu.memref_slice %arg13[%dma_wait3A_72, %dma_wait3A_73] : memref<10000x128xf32, #tpu.memory_space<vmem_shared>> -> memref<16x128xf32, #tpu.memory_space<vmem_shared>>
        %dma_wait3A_75 = arith.constant 0 : i32
        %dma_wait3A_76 = tpu.memref_slice %arg2[%add3A_66, %dma_wait3A_75] : memref<22000x128xf32, #tpu.memory_space<hbm>> -> memref<16x128xf32, #tpu.memory_space<hbm>>
        tpu.wait_dma2 semaphore(%run_scoped3A : memref<!tpu.dma_semaphore, #tpu.memory_space<semaphore_mem>>) src(%dma_wait3A_76 : memref<16x128xf32, #tpu.memory_space<hbm>>) dst(%dma_wait3A_74 : memref<16x128xf32, #tpu.memory_space<vmem_shared>>)
        tpu.yield
      }) : () -> ()
    } else {
    }
    %barrier3A = arith.constant 0 : index
    tpu.barrier barrier_id(%barrier3A)
    %mul3A_5 = arith.constant 1280 : i32
    %mul3A_6 = arith.muli %arg0, %mul3A_5 : i32
    %mul3A_7 = arith.constant 128 : i32
    %mul3A_8 = arith.muli %mul3A_6, %mul3A_7 : i32
    %mul3A_9 = arith.constant 80 : i32
    %mul3A_10 = arith.muli %arg1, %mul3A_9 : i32
    %mul3A_11 = arith.constant 128 : i32
    %mul3A_12 = arith.muli %mul3A_10, %mul3A_11 : i32
    %add3A_13 = arith.addi %mul3A_8, %mul3A_12 : i32
    %mul3A_14 = arith.constant 80 : i32
    %mul3A_15 = arith.muli %arg1, %mul3A_14 : i32
    %mul3A_16 = arith.constant 128 : i32
    %mul3A_17 = arith.muli %mul3A_15, %mul3A_16 : i32
    %add3A_18 = arith.constant 0 : i32
    %add3A_19 = arith.addi %add3A_13, %add3A_18 : i32
    %dma_start3A = tpu.memref_slice %arg3[%add3A_19] : memref<327680xi32, #tpu.memory_space<hbm>> -> memref<128xi32, #tpu.memory_space<hbm>>
    %dma_start3A_20 = tpu.memref_slice %arg3[%add3A_19] : memref<327680xi32, #tpu.memory_space<hbm>> -> memref<128xi32, #tpu.memory_space<hbm>>
    tpu.enqueue_dma source(%dma_start3A_20 : memref<128xi32, #tpu.memory_space<hbm>>) target(%arg6 : memref<128xi32, #tpu.memory_space<vmem>>) target_semaphore(%arg14 : memref<!tpu.dma_semaphore, #tpu.memory_space<semaphore_mem>>)
    %add3A_21 = arith.constant 0 : i32
    %add3A_22 = arith.addi %mul3A_17, %add3A_21 : i32
    %dma_start3A_23 = tpu.memref_slice %arg4[%add3A_22] : memref<163840xi32, #tpu.memory_space<hbm>> -> memref<128xi32, #tpu.memory_space<hbm>>
    %dma_start3A_24 = tpu.memref_slice %arg4[%add3A_22] : memref<163840xi32, #tpu.memory_space<hbm>> -> memref<128xi32, #tpu.memory_space<hbm>>
    tpu.enqueue_dma source(%dma_start3A_24 : memref<128xi32, #tpu.memory_space<hbm>>) target(%arg8 : memref<128xi32, #tpu.memory_space<vmem>>) target_semaphore(%arg16 : memref<!tpu.dma_semaphore, #tpu.memory_space<semaphore_mem>>)
    %add3A_25 = arith.constant 128 : i32
    %add3A_26 = arith.addi %add3A_13, %add3A_25 : i32
    %dma_start3A_27 = tpu.memref_slice %arg3[%add3A_26] : memref<327680xi32, #tpu.memory_space<hbm>> -> memref<128xi32, #tpu.memory_space<hbm>>
    %dma_start3A_28 = tpu.memref_slice %arg3[%add3A_26] : memref<327680xi32, #tpu.memory_space<hbm>> -> memref<128xi32, #tpu.memory_space<hbm>>
    tpu.enqueue_dma source(%dma_start3A_28 : memref<128xi32, #tpu.memory_space<hbm>>) target(%arg7 : memref<128xi32, #tpu.memory_space<vmem>>) target_semaphore(%arg15 : memref<!tpu.dma_semaphore, #tpu.memory_space<semaphore_mem>>)
    %add3A_29 = arith.constant 128 : i32
    %add3A_30 = arith.addi %mul3A_17, %add3A_29 : i32
    %dma_start3A_31 = tpu.memref_slice %arg4[%add3A_30] : memref<163840xi32, #tpu.memory_space<hbm>> -> memref<128xi32, #tpu.memory_space<hbm>>
    %dma_start3A_32 = tpu.memref_slice %arg4[%add3A_30] : memref<163840xi32, #tpu.memory_space<hbm>> -> memref<128xi32, #tpu.memory_space<hbm>>
    tpu.enqueue_dma source(%dma_start3A_32 : memref<128xi32, #tpu.memory_space<hbm>>) target(%arg9 : memref<128xi32, #tpu.memory_space<vmem>>) target_semaphore(%arg17 : memref<!tpu.dma_semaphore, #tpu.memory_space<semaphore_mem>>)
    %add3A_33 = arith.constant 0 : i32
    %add3A_34 = arith.addi %add3A_13, %add3A_33 : i32
    %dma_wait3A = tpu.memref_slice %arg3[%add3A_34] : memref<327680xi32, #tpu.memory_space<hbm>> -> memref<128xi32, #tpu.memory_space<hbm>>
    %dma_wait3A_35 = tpu.memref_slice %arg3[%add3A_34] : memref<327680xi32, #tpu.memory_space<hbm>> -> memref<128xi32, #tpu.memory_space<hbm>>
    tpu.wait_dma2 semaphore(%arg14 : memref<!tpu.dma_semaphore, #tpu.memory_space<semaphore_mem>>) src(%dma_wait3A_35 : memref<128xi32, #tpu.memory_space<hbm>>) dst(%arg6 : memref<128xi32, #tpu.memory_space<vmem>>)
    %dma_start3A_36 = arith.constant 0 : i32
    %dma_start3A_37 = arith.constant 0 : i32
    %dma_start3A_38 = arith.constant 0 : i32
    %dma_start3A_39 = tpu.memref_slice %arg12[%dma_start3A_36, %dma_start3A_37, %dma_start3A_38] : memref<2x128x128xf32, #tpu.memory_space<vmem>> -> memref<1x128x128xf32, #tpu.memory_space<vmem>>
    %dma_start3A_40 = tpu.memref_squeeze %dma_start3A_39 : memref<1x128x128xf32, #tpu.memory_space<vmem>> -> memref<128x128xf32, #tpu.memory_space<vmem>>
    %dma_start3A_41 = arith.constant 0 : i32
    %dma_start3A_42 = arith.constant 0 : i32
    %dma_start3A_43 = tpu.memref_slice %arg2[%dma_start3A_41, %dma_start3A_42] : memref<22000x128xf32, #tpu.memory_space<hbm>> -> memref<22000x128xf32, #tpu.memory_space<hbm>>
    tpu.enqueue_indirect_dma source(%dma_start3A_43 : memref<22000x128xf32, #tpu.memory_space<hbm>>) target(%dma_start3A_40 : memref<128x128xf32, #tpu.memory_space<vmem>>) offsets(%arg6 : memref<128xi32, #tpu.memory_space<vmem>>) semaphore(%arg20 : memref<!tpu.dma_semaphore, #tpu.memory_space<semaphore_mem>>)
    %scan3A = arith.constant 0 : i32
    %scan3A_44 = arith.constant 0 : i32
    %scan3A_45 = arith.constant 20 : i32
    %scan3A_46 = arith.addi %scan3A_44, %scan3A_45 : i32
    %scan3A_47 = arith.constant 1 : i32
    scf.for %scan3A_63 = %scan3A_44 to %scan3A_46 step %scan3A_47  : i32 {
      %mul3A_64 = arith.constant 4 : i32
      %mul3A_65 = arith.muli %mul3A_64, %scan3A_63 : i32
      %add3A_66 = arith.constant 0 : i32
      %add3A_67 = arith.addi %mul3A_65, %add3A_66 : i32
      %dma_wait3A_68 = arith.constant 0 : i32
      %dma_wait3A_69 = arith.constant 0 : i32
      %dma_wait3A_70 = arith.constant 0 : i32
      %dma_wait3A_71 = tpu.memref_slice %arg12[%dma_wait3A_68, %dma_wait3A_69, %dma_wait3A_70] : memref<2x128x128xf32, #tpu.memory_space<vmem>> -> memref<1x128x128xf32, #tpu.memory_space<vmem>>
      %dma_wait3A_72 = tpu.memref_squeeze %dma_wait3A_71 : memref<1x128x128xf32, #tpu.memory_space<vmem>> -> memref<128x128xf32, #tpu.memory_space<vmem>>
      %dma_wait3A_73 = arith.constant 0 : i32
      %dma_wait3A_74 = arith.constant 0 : i32
      %dma_wait3A_75 = tpu.memref_slice %arg2[%dma_wait3A_73, %dma_wait3A_74] : memref<22000x128xf32, #tpu.memory_space<hbm>> -> memref<22000x128xf32, #tpu.memory_space<hbm>>
      tpu.wait_indirect_dma semaphore(%arg20 : memref<!tpu.dma_semaphore, #tpu.memory_space<semaphore_mem>>) src(%dma_wait3A_75 : memref<22000x128xf32, #tpu.memory_space<hbm>>) dst(%dma_wait3A_72 : memref<128x128xf32, #tpu.memory_space<vmem>>)
      %gt3A = arith.constant 0 : i32
      %gt3A_76 = arith.cmpi sgt, %add3A_67, %gt3A : i32
      %convert_element_type3A_77 = arith.extui %gt3A_76 : i1 to i32
      %cond3A_78 = arith.constant 0 : i32
      %cond3A_79 = arith.cmpi ne, %convert_element_type3A_77, %cond3A_78 : i32
      scf.if %cond3A_79 {
        %dma_wait3A_285 = arith.constant 1 : i32
        %dma_wait3A_286 = arith.constant 0 : i32
        %dma_wait3A_287 = arith.constant 0 : i32
        %dma_wait3A_288 = tpu.memref_slice %arg12[%dma_wait3A_285, %dma_wait3A_286, %dma_wait3A_287] : memref<2x128x128xf32, #tpu.memory_space<vmem>> -> memref<1x128x128xf32, #tpu.memory_space<vmem>>
        %dma_wait3A_289 = tpu.memref_squeeze %dma_wait3A_288 : memref<1x128x128xf32, #tpu.memory_space<vmem>> -> memref<128x128xf32, #tpu.memory_space<vmem>>
        %dma_wait3A_290 = arith.constant 0 : i32
        %dma_wait3A_291 = arith.constant 0 : i32
        %dma_wait3A_292 = tpu.memref_slice %arg13[%dma_wait3A_290, %dma_wait3A_291] : memref<10000x128xf32, #tpu.memory_space<vmem_shared>> -> memref<10000x128xf32, #tpu.memory_space<vmem_shared>>
        tpu.wait_indirect_dma semaphore(%arg23 : memref<!tpu.dma_semaphore, #tpu.memory_space<semaphore_mem>>) src(%dma_wait3A_289 : memref<128x128xf32, #tpu.memory_space<vmem>>) dst(%dma_wait3A_292 : memref<10000x128xf32, #tpu.memory_space<vmem_shared>>)
      } else {
      }
      %add3A_80 = arith.constant 1 : i32
      %add3A_81 = arith.addi %add3A_67, %add3A_80 : i32
      %mul3A_82 = arith.constant 128 : i32
      %mul3A_83 = arith.muli %add3A_81, %mul3A_82 : i32
      %add3A_84 = arith.addi %add3A_13, %mul3A_83 : i32
      %dma_wait3A_85 = tpu.memref_slice %arg3[%add3A_84] : memref<327680xi32, #tpu.memory_space<hbm>> -> memref<128xi32, #tpu.memory_space<hbm>>
      %dma_wait3A_86 = tpu.memref_slice %arg3[%add3A_84] : memref<327680xi32, #tpu.memory_space<hbm>> -> memref<128xi32, #tpu.memory_space<hbm>>
      tpu.wait_dma2 semaphore(%arg15 : memref<!tpu.dma_semaphore, #tpu.memory_space<semaphore_mem>>) src(%dma_wait3A_86 : memref<128xi32, #tpu.memory_space<hbm>>) dst(%arg7 : memref<128xi32, #tpu.memory_space<vmem>>)
      %dma_start3A_87 = arith.constant 1 : i32
      %dma_start3A_88 = arith.constant 0 : i32
      %dma_start3A_89 = arith.constant 0 : i32
      %dma_start3A_90 = tpu.memref_slice %arg12[%dma_start3A_87, %dma_start3A_88, %dma_start3A_89] : memref<2x128x128xf32, #tpu.memory_space<vmem>> -> memref<1x128x128xf32, #tpu.memory_space<vmem>>
      %dma_start3A_91 = tpu.memref_squeeze %dma_start3A_90 : memref<1x128x128xf32, #tpu.memory_space<vmem>> -> memref<128x128xf32, #tpu.memory_space<vmem>>
      %dma_start3A_92 = arith.constant 0 : i32
      %dma_start3A_93 = arith.constant 0 : i32
      %dma_start3A_94 = tpu.memref_slice %arg2[%dma_start3A_92, %dma_start3A_93] : memref<22000x128xf32, #tpu.memory_space<hbm>> -> memref<22000x128xf32, #tpu.memory_space<hbm>>
      tpu.enqueue_indirect_dma source(%dma_start3A_94 : memref<22000x128xf32, #tpu.memory_space<hbm>>) target(%dma_start3A_91 : memref<128x128xf32, #tpu.memory_space<vmem>>) offsets(%arg7 : memref<128xi32, #tpu.memory_space<vmem>>) semaphore(%arg21 : memref<!tpu.dma_semaphore, #tpu.memory_space<semaphore_mem>>)
      %mul3A_95 = arith.constant 128 : i32
      %mul3A_96 = arith.muli %add3A_67, %mul3A_95 : i32
      %add3A_97 = arith.addi %mul3A_17, %mul3A_96 : i32
      %dma_wait3A_98 = tpu.memref_slice %arg4[%add3A_97] : memref<163840xi32, #tpu.memory_space<hbm>> -> memref<128xi32, #tpu.memory_space<hbm>>
      %dma_wait3A_99 = tpu.memref_slice %arg4[%add3A_97] : memref<163840xi32, #tpu.memory_space<hbm>> -> memref<128xi32, #tpu.memory_space<hbm>>
      tpu.wait_dma2 semaphore(%arg16 : memref<!tpu.dma_semaphore, #tpu.memory_space<semaphore_mem>>) src(%dma_wait3A_99 : memref<128xi32, #tpu.memory_space<hbm>>) dst(%arg8 : memref<128xi32, #tpu.memory_space<vmem>>)
      %dma_start3A_100 = arith.constant 0 : i32
      %dma_start3A_101 = arith.constant 0 : i32
      %dma_start3A_102 = arith.constant 0 : i32
      %dma_start3A_103 = tpu.memref_slice %arg12[%dma_start3A_100, %dma_start3A_101, %dma_start3A_102] : memref<2x128x128xf32, #tpu.memory_space<vmem>> -> memref<1x128x128xf32, #tpu.memory_space<vmem>>
      %dma_start3A_104 = tpu.memref_squeeze %dma_start3A_103 : memref<1x128x128xf32, #tpu.memory_space<vmem>> -> memref<128x128xf32, #tpu.memory_space<vmem>>
      %dma_start3A_105 = arith.constant 0 : i32
      %dma_start3A_106 = arith.constant 0 : i32
      %dma_start3A_107 = tpu.memref_slice %arg13[%dma_start3A_105, %dma_start3A_106] : memref<10000x128xf32, #tpu.memory_space<vmem_shared>> -> memref<10000x128xf32, #tpu.memory_space<vmem_shared>>
      tpu.enqueue_indirect_dma source(%dma_start3A_104 : memref<128x128xf32, #tpu.memory_space<vmem>>) target(%dma_start3A_107 : memref<10000x128xf32, #tpu.memory_space<vmem_shared>>) offsets(%arg8 : memref<128xi32, #tpu.memory_space<vmem>>) semaphore(%arg22 : memref<!tpu.dma_semaphore, #tpu.memory_space<semaphore_mem>>) {add = true}
      %add3A_108 = arith.constant 2 : i32
      %add3A_109 = arith.addi %add3A_67, %add3A_108 : i32
      %mul3A_110 = arith.constant 128 : i32
      %mul3A_111 = arith.muli %add3A_109, %mul3A_110 : i32
      %add3A_112 = arith.addi %add3A_13, %mul3A_111 : i32
      %dma_start3A_113 = tpu.memref_slice %arg3[%add3A_112] : memref<327680xi32, #tpu.memory_space<hbm>> -> memref<128xi32, #tpu.memory_space<hbm>>
      %dma_start3A_114 = tpu.memref_slice %arg3[%add3A_112] : memref<327680xi32, #tpu.memory_space<hbm>> -> memref<128xi32, #tpu.memory_space<hbm>>
      tpu.enqueue_dma source(%dma_start3A_114 : memref<128xi32, #tpu.memory_space<hbm>>) target(%arg6 : memref<128xi32, #tpu.memory_space<vmem>>) target_semaphore(%arg14 : memref<!tpu.dma_semaphore, #tpu.memory_space<semaphore_mem>>)
      %add3A_115 = arith.constant 2 : i32
      %add3A_116 = arith.addi %add3A_67, %add3A_115 : i32
      %mul3A_117 = arith.constant 128 : i32
      %mul3A_118 = arith.muli %add3A_116, %mul3A_117 : i32
      %add3A_119 = arith.addi %mul3A_17, %mul3A_118 : i32
      %dma_start3A_120 = tpu.memref_slice %arg4[%add3A_119] : memref<163840xi32, #tpu.memory_space<hbm>> -> memref<128xi32, #tpu.memory_space<hbm>>
      %dma_start3A_121 = tpu.memref_slice %arg4[%add3A_119] : memref<163840xi32, #tpu.memory_space<hbm>> -> memref<128xi32, #tpu.memory_space<hbm>>
      tpu.enqueue_dma source(%dma_start3A_121 : memref<128xi32, #tpu.memory_space<hbm>>) target(%arg10 : memref<128xi32, #tpu.memory_space<vmem>>) target_semaphore(%arg18 : memref<!tpu.dma_semaphore, #tpu.memory_space<semaphore_mem>>)
      %mul3A_122 = arith.constant 4 : i32
      %mul3A_123 = arith.muli %mul3A_122, %scan3A_63 : i32
      %add3A_124 = arith.constant 1 : i32
      %add3A_125 = arith.addi %mul3A_123, %add3A_124 : i32
      %dma_wait3A_126 = arith.constant 1 : i32
      %dma_wait3A_127 = arith.constant 0 : i32
      %dma_wait3A_128 = arith.constant 0 : i32
      %dma_wait3A_129 = tpu.memref_slice %arg12[%dma_wait3A_126, %dma_wait3A_127, %dma_wait3A_128] : memref<2x128x128xf32, #tpu.memory_space<vmem>> -> memref<1x128x128xf32, #tpu.memory_space<vmem>>
      %dma_wait3A_130 = tpu.memref_squeeze %dma_wait3A_129 : memref<1x128x128xf32, #tpu.memory_space<vmem>> -> memref<128x128xf32, #tpu.memory_space<vmem>>
      %dma_wait3A_131 = arith.constant 0 : i32
      %dma_wait3A_132 = arith.constant 0 : i32
      %dma_wait3A_133 = tpu.memref_slice %arg2[%dma_wait3A_131, %dma_wait3A_132] : memref<22000x128xf32, #tpu.memory_space<hbm>> -> memref<22000x128xf32, #tpu.memory_space<hbm>>
      tpu.wait_indirect_dma semaphore(%arg21 : memref<!tpu.dma_semaphore, #tpu.memory_space<semaphore_mem>>) src(%dma_wait3A_133 : memref<22000x128xf32, #tpu.memory_space<hbm>>) dst(%dma_wait3A_130 : memref<128x128xf32, #tpu.memory_space<vmem>>)
      %dma_wait3A_134 = arith.constant 0 : i32
      %dma_wait3A_135 = arith.constant 0 : i32
      %dma_wait3A_136 = arith.constant 0 : i32
      %dma_wait3A_137 = tpu.memref_slice %arg12[%dma_wait3A_134, %dma_wait3A_135, %dma_wait3A_136] : memref<2x128x128xf32, #tpu.memory_space<vmem>> -> memref<1x128x128xf32, #tpu.memory_space<vmem>>
      %dma_wait3A_138 = tpu.memref_squeeze %dma_wait3A_137 : memref<1x128x128xf32, #tpu.memory_space<vmem>> -> memref<128x128xf32, #tpu.memory_space<vmem>>
      %dma_wait3A_139 = arith.constant 0 : i32
      %dma_wait3A_140 = arith.constant 0 : i32
      %dma_wait3A_141 = tpu.memref_slice %arg13[%dma_wait3A_139, %dma_wait3A_140] : memref<10000x128xf32, #tpu.memory_space<vmem_shared>> -> memref<10000x128xf32, #tpu.memory_space<vmem_shared>>
      tpu.wait_indirect_dma semaphore(%arg22 : memref<!tpu.dma_semaphore, #tpu.memory_space<semaphore_mem>>) src(%dma_wait3A_138 : memref<128x128xf32, #tpu.memory_space<vmem>>) dst(%dma_wait3A_141 : memref<10000x128xf32, #tpu.memory_space<vmem_shared>>)
      %add3A_142 = arith.constant 1 : i32
      %add3A_143 = arith.addi %add3A_125, %add3A_142 : i32
      %mul3A_144 = arith.constant 128 : i32
      %mul3A_145 = arith.muli %add3A_143, %mul3A_144 : i32
      %add3A_146 = arith.addi %add3A_13, %mul3A_145 : i32
      %dma_wait3A_147 = tpu.memref_slice %arg3[%add3A_146] : memref<327680xi32, #tpu.memory_space<hbm>> -> memref<128xi32, #tpu.memory_space<hbm>>
      %dma_wait3A_148 = tpu.memref_slice %arg3[%add3A_146] : memref<327680xi32, #tpu.memory_space<hbm>> -> memref<128xi32, #tpu.memory_space<hbm>>
      tpu.wait_dma2 semaphore(%arg14 : memref<!tpu.dma_semaphore, #tpu.memory_space<semaphore_mem>>) src(%dma_wait3A_148 : memref<128xi32, #tpu.memory_space<hbm>>) dst(%arg6 : memref<128xi32, #tpu.memory_space<vmem>>)
      %dma_start3A_149 = arith.constant 0 : i32
      %dma_start3A_150 = arith.constant 0 : i32
      %dma_start3A_151 = arith.constant 0 : i32
      %dma_start3A_152 = tpu.memref_slice %arg12[%dma_start3A_149, %dma_start3A_150, %dma_start3A_151] : memref<2x128x128xf32, #tpu.memory_space<vmem>> -> memref<1x128x128xf32, #tpu.memory_space<vmem>>
      %dma_start3A_153 = tpu.memref_squeeze %dma_start3A_152 : memref<1x128x128xf32, #tpu.memory_space<vmem>> -> memref<128x128xf32, #tpu.memory_space<vmem>>
      %dma_start3A_154 = arith.constant 0 : i32
      %dma_start3A_155 = arith.constant 0 : i32
      %dma_start3A_156 = tpu.memref_slice %arg2[%dma_start3A_154, %dma_start3A_155] : memref<22000x128xf32, #tpu.memory_space<hbm>> -> memref<22000x128xf32, #tpu.memory_space<hbm>>
      tpu.enqueue_indirect_dma source(%dma_start3A_156 : memref<22000x128xf32, #tpu.memory_space<hbm>>) target(%dma_start3A_153 : memref<128x128xf32, #tpu.memory_space<vmem>>) offsets(%arg6 : memref<128xi32, #tpu.memory_space<vmem>>) semaphore(%arg20 : memref<!tpu.dma_semaphore, #tpu.memory_space<semaphore_mem>>)
      %mul3A_157 = arith.constant 128 : i32
      %mul3A_158 = arith.muli %add3A_125, %mul3A_157 : i32
      %add3A_159 = arith.addi %mul3A_17, %mul3A_158 : i32
      %dma_wait3A_160 = tpu.memref_slice %arg4[%add3A_159] : memref<163840xi32, #tpu.memory_space<hbm>> -> memref<128xi32, #tpu.memory_space<hbm>>
      %dma_wait3A_161 = tpu.memref_slice %arg4[%add3A_159] : memref<163840xi32, #tpu.memory_space<hbm>> -> memref<128xi32, #tpu.memory_space<hbm>>
      tpu.wait_dma2 semaphore(%arg17 : memref<!tpu.dma_semaphore, #tpu.memory_space<semaphore_mem>>) src(%dma_wait3A_161 : memref<128xi32, #tpu.memory_space<hbm>>) dst(%arg9 : memref<128xi32, #tpu.memory_space<vmem>>)
      %dma_start3A_162 = arith.constant 1 : i32
      %dma_start3A_163 = arith.constant 0 : i32
      %dma_start3A_164 = arith.constant 0 : i32
      %dma_start3A_165 = tpu.memref_slice %arg12[%dma_start3A_162, %dma_start3A_163, %dma_start3A_164] : memref<2x128x128xf32, #tpu.memory_space<vmem>> -> memref<1x128x128xf32, #tpu.memory_space<vmem>>
      %dma_start3A_166 = tpu.memref_squeeze %dma_start3A_165 : memref<1x128x128xf32, #tpu.memory_space<vmem>> -> memref<128x128xf32, #tpu.memory_space<vmem>>
      %dma_start3A_167 = arith.constant 0 : i32
      %dma_start3A_168 = arith.constant 0 : i32
      %dma_start3A_169 = tpu.memref_slice %arg13[%dma_start3A_167, %dma_start3A_168] : memref<10000x128xf32, #tpu.memory_space<vmem_shared>> -> memref<10000x128xf32, #tpu.memory_space<vmem_shared>>
      tpu.enqueue_indirect_dma source(%dma_start3A_166 : memref<128x128xf32, #tpu.memory_space<vmem>>) target(%dma_start3A_169 : memref<10000x128xf32, #tpu.memory_space<vmem_shared>>) offsets(%arg9 : memref<128xi32, #tpu.memory_space<vmem>>) semaphore(%arg23 : memref<!tpu.dma_semaphore, #tpu.memory_space<semaphore_mem>>) {add = true}
      %add3A_170 = arith.constant 2 : i32
      %add3A_171 = arith.addi %add3A_125, %add3A_170 : i32
      %mul3A_172 = arith.constant 128 : i32
      %mul3A_173 = arith.muli %add3A_171, %mul3A_172 : i32
      %add3A_174 = arith.addi %add3A_13, %mul3A_173 : i32
      %dma_start3A_175 = tpu.memref_slice %arg3[%add3A_174] : memref<327680xi32, #tpu.memory_space<hbm>> -> memref<128xi32, #tpu.memory_space<hbm>>
      %dma_start3A_176 = tpu.memref_slice %arg3[%add3A_174] : memref<327680xi32, #tpu.memory_space<hbm>> -> memref<128xi32, #tpu.memory_space<hbm>>
      tpu.enqueue_dma source(%dma_start3A_176 : memref<128xi32, #tpu.memory_space<hbm>>) target(%arg7 : memref<128xi32, #tpu.memory_space<vmem>>) target_semaphore(%arg15 : memref<!tpu.dma_semaphore, #tpu.memory_space<semaphore_mem>>)
      %add3A_177 = arith.constant 2 : i32
      %add3A_178 = arith.addi %add3A_125, %add3A_177 : i32
      %mul3A_179 = arith.constant 128 : i32
      %mul3A_180 = arith.muli %add3A_178, %mul3A_179 : i32
      %add3A_181 = arith.addi %mul3A_17, %mul3A_180 : i32
      %dma_start3A_182 = tpu.memref_slice %arg4[%add3A_181] : memref<163840xi32, #tpu.memory_space<hbm>> -> memref<128xi32, #tpu.memory_space<hbm>>
      %dma_start3A_183 = tpu.memref_slice %arg4[%add3A_181] : memref<163840xi32, #tpu.memory_space<hbm>> -> memref<128xi32, #tpu.memory_space<hbm>>
      tpu.enqueue_dma source(%dma_start3A_183 : memref<128xi32, #tpu.memory_space<hbm>>) target(%arg11 : memref<128xi32, #tpu.memory_space<vmem>>) target_semaphore(%arg19 : memref<!tpu.dma_semaphore, #tpu.memory_space<semaphore_mem>>)
      %mul3A_184 = arith.constant 4 : i32
      %mul3A_185 = arith.muli %mul3A_184, %scan3A_63 : i32
      %add3A_186 = arith.constant 2 : i32
      %add3A_187 = arith.addi %mul3A_185, %add3A_186 : i32
      %dma_wait3A_188 = arith.constant 0 : i32
      %dma_wait3A_189 = arith.constant 0 : i32
      %dma_wait3A_190 = arith.constant 0 : i32
      %dma_wait3A_191 = tpu.memref_slice %arg12[%dma_wait3A_188, %dma_wait3A_189, %dma_wait3A_190] : memref<2x128x128xf32, #tpu.memory_space<vmem>> -> memref<1x128x128xf32, #tpu.memory_space<vmem>>
      %dma_wait3A_192 = tpu.memref_squeeze %dma_wait3A_191 : memref<1x128x128xf32, #tpu.memory_space<vmem>> -> memref<128x128xf32, #tpu.memory_space<vmem>>
      %dma_wait3A_193 = arith.constant 0 : i32
      %dma_wait3A_194 = arith.constant 0 : i32
      %dma_wait3A_195 = tpu.memref_slice %arg2[%dma_wait3A_193, %dma_wait3A_194] : memref<22000x128xf32, #tpu.memory_space<hbm>> -> memref<22000x128xf32, #tpu.memory_space<hbm>>
      tpu.wait_indirect_dma semaphore(%arg20 : memref<!tpu.dma_semaphore, #tpu.memory_space<semaphore_mem>>) src(%dma_wait3A_195 : memref<22000x128xf32, #tpu.memory_space<hbm>>) dst(%dma_wait3A_192 : memref<128x128xf32, #tpu.memory_space<vmem>>)
      %dma_wait3A_196 = arith.constant 1 : i32
      %dma_wait3A_197 = arith.constant 0 : i32
      %dma_wait3A_198 = arith.constant 0 : i32
      %dma_wait3A_199 = tpu.memref_slice %arg12[%dma_wait3A_196, %dma_wait3A_197, %dma_wait3A_198] : memref<2x128x128xf32, #tpu.memory_space<vmem>> -> memref<1x128x128xf32, #tpu.memory_space<vmem>>
      %dma_wait3A_200 = tpu.memref_squeeze %dma_wait3A_199 : memref<1x128x128xf32, #tpu.memory_space<vmem>> -> memref<128x128xf32, #tpu.memory_space<vmem>>
      %dma_wait3A_201 = arith.constant 0 : i32
      %dma_wait3A_202 = arith.constant 0 : i32
      %dma_wait3A_203 = tpu.memref_slice %arg13[%dma_wait3A_201, %dma_wait3A_202] : memref<10000x128xf32, #tpu.memory_space<vmem_shared>> -> memref<10000x128xf32, #tpu.memory_space<vmem_shared>>
      tpu.wait_indirect_dma semaphore(%arg23 : memref<!tpu.dma_semaphore, #tpu.memory_space<semaphore_mem>>) src(%dma_wait3A_200 : memref<128x128xf32, #tpu.memory_space<vmem>>) dst(%dma_wait3A_203 : memref<10000x128xf32, #tpu.memory_space<vmem_shared>>)
      %add3A_204 = arith.constant 1 : i32
      %add3A_205 = arith.addi %add3A_187, %add3A_204 : i32
      %mul3A_206 = arith.constant 128 : i32
      %mul3A_207 = arith.muli %add3A_205, %mul3A_206 : i32
      %add3A_208 = arith.addi %add3A_13, %mul3A_207 : i32
      %dma_wait3A_209 = tpu.memref_slice %arg3[%add3A_208] : memref<327680xi32, #tpu.memory_space<hbm>> -> memref<128xi32, #tpu.memory_space<hbm>>
      %dma_wait3A_210 = tpu.memref_slice %arg3[%add3A_208] : memref<327680xi32, #tpu.memory_space<hbm>> -> memref<128xi32, #tpu.memory_space<hbm>>
      tpu.wait_dma2 semaphore(%arg15 : memref<!tpu.dma_semaphore, #tpu.memory_space<semaphore_mem>>) src(%dma_wait3A_210 : memref<128xi32, #tpu.memory_space<hbm>>) dst(%arg7 : memref<128xi32, #tpu.memory_space<vmem>>)
      %dma_start3A_211 = arith.constant 1 : i32
      %dma_start3A_212 = arith.constant 0 : i32
      %dma_start3A_213 = arith.constant 0 : i32
      %dma_start3A_214 = tpu.memref_slice %arg12[%dma_start3A_211, %dma_start3A_212, %dma_start3A_213] : memref<2x128x128xf32, #tpu.memory_space<vmem>> -> memref<1x128x128xf32, #tpu.memory_space<vmem>>
      %dma_start3A_215 = tpu.memref_squeeze %dma_start3A_214 : memref<1x128x128xf32, #tpu.memory_space<vmem>> -> memref<128x128xf32, #tpu.memory_space<vmem>>
      %dma_start3A_216 = arith.constant 0 : i32
      %dma_start3A_217 = arith.constant 0 : i32
      %dma_start3A_218 = tpu.memref_slice %arg2[%dma_start3A_216, %dma_start3A_217] : memref<22000x128xf32, #tpu.memory_space<hbm>> -> memref<22000x128xf32, #tpu.memory_space<hbm>>
      tpu.enqueue_indirect_dma source(%dma_start3A_218 : memref<22000x128xf32, #tpu.memory_space<hbm>>) target(%dma_start3A_215 : memref<128x128xf32, #tpu.memory_space<vmem>>) offsets(%arg7 : memref<128xi32, #tpu.memory_space<vmem>>) semaphore(%arg21 : memref<!tpu.dma_semaphore, #tpu.memory_space<semaphore_mem>>)
      %mul3A_219 = arith.constant 128 : i32
      %mul3A_220 = arith.muli %add3A_187, %mul3A_219 : i32
      %add3A_221 = arith.addi %mul3A_17, %mul3A_220 : i32
      %dma_wait3A_222 = tpu.memref_slice %arg4[%add3A_221] : memref<163840xi32, #tpu.memory_space<hbm>> -> memref<128xi32, #tpu.memory_space<hbm>>
      %dma_wait3A_223 = tpu.memref_slice %arg4[%add3A_221] : memref<163840xi32, #tpu.memory_space<hbm>> -> memref<128xi32, #tpu.memory_space<hbm>>
      tpu.wait_dma2 semaphore(%arg18 : memref<!tpu.dma_semaphore, #tpu.memory_space<semaphore_mem>>) src(%dma_wait3A_223 : memref<128xi32, #tpu.memory_space<hbm>>) dst(%arg10 : memref<128xi32, #tpu.memory_space<vmem>>)
      %dma_start3A_224 = arith.constant 0 : i32
      %dma_start3A_225 = arith.constant 0 : i32
      %dma_start3A_226 = arith.constant 0 : i32
      %dma_start3A_227 = tpu.memref_slice %arg12[%dma_start3A_224, %dma_start3A_225, %dma_start3A_226] : memref<2x128x128xf32, #tpu.memory_space<vmem>> -> memref<1x128x128xf32, #tpu.memory_space<vmem>>
      %dma_start3A_228 = tpu.memref_squeeze %dma_start3A_227 : memref<1x128x128xf32, #tpu.memory_space<vmem>> -> memref<128x128xf32, #tpu.memory_space<vmem>>
      %dma_start3A_229 = arith.constant 0 : i32
      %dma_start3A_230 = arith.constant 0 : i32
      %dma_start3A_231 = tpu.memref_slice %arg13[%dma_start3A_229, %dma_start3A_230] : memref<10000x128xf32, #tpu.memory_space<vmem_shared>> -> memref<10000x128xf32, #tpu.memory_space<vmem_shared>>
      tpu.enqueue_indirect_dma source(%dma_start3A_228 : memref<128x128xf32, #tpu.memory_space<vmem>>) target(%dma_start3A_231 : memref<10000x128xf32, #tpu.memory_space<vmem_shared>>) offsets(%arg10 : memref<128xi32, #tpu.memory_space<vmem>>) semaphore(%arg22 : memref<!tpu.dma_semaphore, #tpu.memory_space<semaphore_mem>>) {add = true}
      %add3A_232 = arith.constant 2 : i32
      %add3A_233 = arith.addi %add3A_187, %add3A_232 : i32
      %lt3A = arith.constant 80 : i32
      %lt3A_234 = arith.cmpi slt, %add3A_233, %lt3A : i32
      %convert_element_type3A_235 = arith.extui %lt3A_234 : i1 to i32
      %cond3A_236 = arith.constant 0 : i32
      %cond3A_237 = arith.cmpi ne, %convert_element_type3A_235, %cond3A_236 : i32
      scf.if %cond3A_237 {
        %add3A_285 = arith.constant 2 : i32
        %add3A_286 = arith.addi %add3A_187, %add3A_285 : i32
        %mul3A_287 = arith.constant 128 : i32
        %mul3A_288 = arith.muli %add3A_286, %mul3A_287 : i32
        %add3A_289 = arith.addi %add3A_13, %mul3A_288 : i32
        %dma_start3A_290 = tpu.memref_slice %arg3[%add3A_289] : memref<327680xi32, #tpu.memory_space<hbm>> -> memref<128xi32, #tpu.memory_space<hbm>>
        %dma_start3A_291 = tpu.memref_slice %arg3[%add3A_289] : memref<327680xi32, #tpu.memory_space<hbm>> -> memref<128xi32, #tpu.memory_space<hbm>>
        tpu.enqueue_dma source(%dma_start3A_291 : memref<128xi32, #tpu.memory_space<hbm>>) target(%arg6 : memref<128xi32, #tpu.memory_space<vmem>>) target_semaphore(%arg14 : memref<!tpu.dma_semaphore, #tpu.memory_space<semaphore_mem>>)
        %add3A_292 = arith.constant 2 : i32
        %add3A_293 = arith.addi %add3A_187, %add3A_292 : i32
        %mul3A_294 = arith.constant 128 : i32
        %mul3A_295 = arith.muli %add3A_293, %mul3A_294 : i32
        %add3A_296 = arith.addi %mul3A_17, %mul3A_295 : i32
        %dma_start3A_297 = tpu.memref_slice %arg4[%add3A_296] : memref<163840xi32, #tpu.memory_space<hbm>> -> memref<128xi32, #tpu.memory_space<hbm>>
        %dma_start3A_298 = tpu.memref_slice %arg4[%add3A_296] : memref<163840xi32, #tpu.memory_space<hbm>> -> memref<128xi32, #tpu.memory_space<hbm>>
        tpu.enqueue_dma source(%dma_start3A_298 : memref<128xi32, #tpu.memory_space<hbm>>) target(%arg8 : memref<128xi32, #tpu.memory_space<vmem>>) target_semaphore(%arg16 : memref<!tpu.dma_semaphore, #tpu.memory_space<semaphore_mem>>)
      } else {
      }
      %mul3A_238 = arith.constant 4 : i32
      %mul3A_239 = arith.muli %mul3A_238, %scan3A_63 : i32
      %add3A_240 = arith.constant 3 : i32
      %add3A_241 = arith.addi %mul3A_239, %add3A_240 : i32
      %dma_wait3A_242 = arith.constant 1 : i32
      %dma_wait3A_243 = arith.constant 0 : i32
      %dma_wait3A_244 = arith.constant 0 : i32
      %dma_wait3A_245 = tpu.memref_slice %arg12[%dma_wait3A_242, %dma_wait3A_243, %dma_wait3A_244] : memref<2x128x128xf32, #tpu.memory_space<vmem>> -> memref<1x128x128xf32, #tpu.memory_space<vmem>>
      %dma_wait3A_246 = tpu.memref_squeeze %dma_wait3A_245 : memref<1x128x128xf32, #tpu.memory_space<vmem>> -> memref<128x128xf32, #tpu.memory_space<vmem>>
      %dma_wait3A_247 = arith.constant 0 : i32
      %dma_wait3A_248 = arith.constant 0 : i32
      %dma_wait3A_249 = tpu.memref_slice %arg2[%dma_wait3A_247, %dma_wait3A_248] : memref<22000x128xf32, #tpu.memory_space<hbm>> -> memref<22000x128xf32, #tpu.memory_space<hbm>>
      tpu.wait_indirect_dma semaphore(%arg21 : memref<!tpu.dma_semaphore, #tpu.memory_space<semaphore_mem>>) src(%dma_wait3A_249 : memref<22000x128xf32, #tpu.memory_space<hbm>>) dst(%dma_wait3A_246 : memref<128x128xf32, #tpu.memory_space<vmem>>)
      %dma_wait3A_250 = arith.constant 0 : i32
      %dma_wait3A_251 = arith.constant 0 : i32
      %dma_wait3A_252 = arith.constant 0 : i32
      %dma_wait3A_253 = tpu.memref_slice %arg12[%dma_wait3A_250, %dma_wait3A_251, %dma_wait3A_252] : memref<2x128x128xf32, #tpu.memory_space<vmem>> -> memref<1x128x128xf32, #tpu.memory_space<vmem>>
      %dma_wait3A_254 = tpu.memref_squeeze %dma_wait3A_253 : memref<1x128x128xf32, #tpu.memory_space<vmem>> -> memref<128x128xf32, #tpu.memory_space<vmem>>
      %dma_wait3A_255 = arith.constant 0 : i32
      %dma_wait3A_256 = arith.constant 0 : i32
      %dma_wait3A_257 = tpu.memref_slice %arg13[%dma_wait3A_255, %dma_wait3A_256] : memref<10000x128xf32, #tpu.memory_space<vmem_shared>> -> memref<10000x128xf32, #tpu.memory_space<vmem_shared>>
      tpu.wait_indirect_dma semaphore(%arg22 : memref<!tpu.dma_semaphore, #tpu.memory_space<semaphore_mem>>) src(%dma_wait3A_254 : memref<128x128xf32, #tpu.memory_space<vmem>>) dst(%dma_wait3A_257 : memref<10000x128xf32, #tpu.memory_space<vmem_shared>>)
      %add3A_258 = arith.constant 1 : i32
      %add3A_259 = arith.addi %add3A_241, %add3A_258 : i32
      %lt3A_260 = arith.constant 80 : i32
      %lt3A_261 = arith.cmpi slt, %add3A_259, %lt3A_260 : i32
      %convert_element_type3A_262 = arith.extui %lt3A_261 : i1 to i32
      %cond3A_263 = arith.constant 0 : i32
      %cond3A_264 = arith.cmpi ne, %convert_element_type3A_262, %cond3A_263 : i32
      scf.if %cond3A_264 {
        %add3A_285 = arith.constant 1 : i32
        %add3A_286 = arith.addi %add3A_241, %add3A_285 : i32
        %mul3A_287 = arith.constant 128 : i32
        %mul3A_288 = arith.muli %add3A_286, %mul3A_287 : i32
        %add3A_289 = arith.addi %add3A_13, %mul3A_288 : i32
        %dma_wait3A_290 = tpu.memref_slice %arg3[%add3A_289] : memref<327680xi32, #tpu.memory_space<hbm>> -> memref<128xi32, #tpu.memory_space<hbm>>
        %dma_wait3A_291 = tpu.memref_slice %arg3[%add3A_289] : memref<327680xi32, #tpu.memory_space<hbm>> -> memref<128xi32, #tpu.memory_space<hbm>>
        tpu.wait_dma2 semaphore(%arg14 : memref<!tpu.dma_semaphore, #tpu.memory_space<semaphore_mem>>) src(%dma_wait3A_291 : memref<128xi32, #tpu.memory_space<hbm>>) dst(%arg6 : memref<128xi32, #tpu.memory_space<vmem>>)
        %dma_start3A_292 = arith.constant 0 : i32
        %dma_start3A_293 = arith.constant 0 : i32
        %dma_start3A_294 = arith.constant 0 : i32
        %dma_start3A_295 = tpu.memref_slice %arg12[%dma_start3A_292, %dma_start3A_293, %dma_start3A_294] : memref<2x128x128xf32, #tpu.memory_space<vmem>> -> memref<1x128x128xf32, #tpu.memory_space<vmem>>
        %dma_start3A_296 = tpu.memref_squeeze %dma_start3A_295 : memref<1x128x128xf32, #tpu.memory_space<vmem>> -> memref<128x128xf32, #tpu.memory_space<vmem>>
        %dma_start3A_297 = arith.constant 0 : i32
        %dma_start3A_298 = arith.constant 0 : i32
        %dma_start3A_299 = tpu.memref_slice %arg2[%dma_start3A_297, %dma_start3A_298] : memref<22000x128xf32, #tpu.memory_space<hbm>> -> memref<22000x128xf32, #tpu.memory_space<hbm>>
        tpu.enqueue_indirect_dma source(%dma_start3A_299 : memref<22000x128xf32, #tpu.memory_space<hbm>>) target(%dma_start3A_296 : memref<128x128xf32, #tpu.memory_space<vmem>>) offsets(%arg6 : memref<128xi32, #tpu.memory_space<vmem>>) semaphore(%arg20 : memref<!tpu.dma_semaphore, #tpu.memory_space<semaphore_mem>>)
      } else {
      }
      %mul3A_265 = arith.constant 128 : i32
      %mul3A_266 = arith.muli %add3A_241, %mul3A_265 : i32
      %add3A_267 = arith.addi %mul3A_17, %mul3A_266 : i32
      %dma_wait3A_268 = tpu.memref_slice %arg4[%add3A_267] : memref<163840xi32, #tpu.memory_space<hbm>> -> memref<128xi32, #tpu.memory_space<hbm>>
      %dma_wait3A_269 = tpu.memref_slice %arg4[%add3A_267] : memref<163840xi32, #tpu.memory_space<hbm>> -> memref<128xi32, #tpu.memory_space<hbm>>
      tpu.wait_dma2 semaphore(%arg19 : memref<!tpu.dma_semaphore, #tpu.memory_space<semaphore_mem>>) src(%dma_wait3A_269 : memref<128xi32, #tpu.memory_space<hbm>>) dst(%arg11 : memref<128xi32, #tpu.memory_space<vmem>>)
      %dma_start3A_270 = arith.constant 1 : i32
      %dma_start3A_271 = arith.constant 0 : i32
      %dma_start3A_272 = arith.constant 0 : i32
      %dma_start3A_273 = tpu.memref_slice %arg12[%dma_start3A_270, %dma_start3A_271, %dma_start3A_272] : memref<2x128x128xf32, #tpu.memory_space<vmem>> -> memref<1x128x128xf32, #tpu.memory_space<vmem>>
      %dma_start3A_274 = tpu.memref_squeeze %dma_start3A_273 : memref<1x128x128xf32, #tpu.memory_space<vmem>> -> memref<128x128xf32, #tpu.memory_space<vmem>>
      %dma_start3A_275 = arith.constant 0 : i32
      %dma_start3A_276 = arith.constant 0 : i32
      %dma_start3A_277 = tpu.memref_slice %arg13[%dma_start3A_275, %dma_start3A_276] : memref<10000x128xf32, #tpu.memory_space<vmem_shared>> -> memref<10000x128xf32, #tpu.memory_space<vmem_shared>>
      tpu.enqueue_indirect_dma source(%dma_start3A_274 : memref<128x128xf32, #tpu.memory_space<vmem>>) target(%dma_start3A_277 : memref<10000x128xf32, #tpu.memory_space<vmem_shared>>) offsets(%arg11 : memref<128xi32, #tpu.memory_space<vmem>>) semaphore(%arg23 : memref<!tpu.dma_semaphore, #tpu.memory_space<semaphore_mem>>) {add = true}
      %add3A_278 = arith.constant 2 : i32
      %add3A_279 = arith.addi %add3A_241, %add3A_278 : i32
      %lt3A_280 = arith.constant 80 : i32
      %lt3A_281 = arith.cmpi slt, %add3A_279, %lt3A_280 : i32
      %convert_element_type3A_282 = arith.extui %lt3A_281 : i1 to i32
      %cond3A_283 = arith.constant 0 : i32
      %cond3A_284 = arith.cmpi ne, %convert_element_type3A_282, %cond3A_283 : i32
      scf.if %cond3A_284 {
        %add3A_285 = arith.constant 2 : i32
        %add3A_286 = arith.addi %add3A_241, %add3A_285 : i32
        %mul3A_287 = arith.constant 128 : i32
        %mul3A_288 = arith.muli %add3A_286, %mul3A_287 : i32
        %add3A_289 = arith.addi %add3A_13, %mul3A_288 : i32
        %dma_start3A_290 = tpu.memref_slice %arg3[%add3A_289] : memref<327680xi32, #tpu.memory_space<hbm>> -> memref<128xi32, #tpu.memory_space<hbm>>
        %dma_start3A_291 = tpu.memref_slice %arg3[%add3A_289] : memref<327680xi32, #tpu.memory_space<hbm>> -> memref<128xi32, #tpu.memory_space<hbm>>
        tpu.enqueue_dma source(%dma_start3A_291 : memref<128xi32, #tpu.memory_space<hbm>>) target(%arg7 : memref<128xi32, #tpu.memory_space<vmem>>) target_semaphore(%arg15 : memref<!tpu.dma_semaphore, #tpu.memory_space<semaphore_mem>>)
        %add3A_292 = arith.constant 2 : i32
        %add3A_293 = arith.addi %add3A_241, %add3A_292 : i32
        %mul3A_294 = arith.constant 128 : i32
        %mul3A_295 = arith.muli %add3A_293, %mul3A_294 : i32
        %add3A_296 = arith.addi %mul3A_17, %mul3A_295 : i32
        %dma_start3A_297 = tpu.memref_slice %arg4[%add3A_296] : memref<163840xi32, #tpu.memory_space<hbm>> -> memref<128xi32, #tpu.memory_space<hbm>>
        %dma_start3A_298 = tpu.memref_slice %arg4[%add3A_296] : memref<163840xi32, #tpu.memory_space<hbm>> -> memref<128xi32, #tpu.memory_space<hbm>>
        tpu.enqueue_dma source(%dma_start3A_298 : memref<128xi32, #tpu.memory_space<hbm>>) target(%arg9 : memref<128xi32, #tpu.memory_space<vmem>>) target_semaphore(%arg17 : memref<!tpu.dma_semaphore, #tpu.memory_space<semaphore_mem>>)
      } else {
      }
    }
    %scan3A_48 = arith.constant 20 : i32
    %dma_wait3A_49 = arith.constant 1 : i32
    %dma_wait3A_50 = arith.constant 0 : i32
    %dma_wait3A_51 = arith.constant 0 : i32
    %dma_wait3A_52 = tpu.memref_slice %arg12[%dma_wait3A_49, %dma_wait3A_50, %dma_wait3A_51] : memref<2x128x128xf32, #tpu.memory_space<vmem>> -> memref<1x128x128xf32, #tpu.memory_space<vmem>>
    %dma_wait3A_53 = tpu.memref_squeeze %dma_wait3A_52 : memref<1x128x128xf32, #tpu.memory_space<vmem>> -> memref<128x128xf32, #tpu.memory_space<vmem>>
    %dma_wait3A_54 = arith.constant 0 : i32
    %dma_wait3A_55 = arith.constant 0 : i32
    %dma_wait3A_56 = tpu.memref_slice %arg13[%dma_wait3A_54, %dma_wait3A_55] : memref<10000x128xf32, #tpu.memory_space<vmem_shared>> -> memref<10000x128xf32, #tpu.memory_space<vmem_shared>>
    tpu.wait_indirect_dma semaphore(%arg23 : memref<!tpu.dma_semaphore, #tpu.memory_space<semaphore_mem>>) src(%dma_wait3A_53 : memref<128x128xf32, #tpu.memory_space<vmem>>) dst(%dma_wait3A_56 : memref<10000x128xf32, #tpu.memory_space<vmem_shared>>)
    %barrier3A_57 = arith.constant 0 : index
    tpu.barrier barrier_id(%barrier3A_57)
    "tpu.region"() ({
      %run_scoped3A = tpu.sem_alloc : memref<!tpu.dma_semaphore, #tpu.memory_space<semaphore_mem>>
      %dma_start3A_63 = arith.constant 0 : i32
      %dma_start3A_64 = tpu.memref_slice %arg5[%arg0, %mul3A_0, %dma_start3A_63] : memref<2x10000x128xf32, #tpu.memory_space<hbm>> -> memref<1x624x128xf32, #tpu.memory_space<hbm>>
      %dma_start3A_65 = tpu.memref_squeeze %dma_start3A_64 : memref<1x624x128xf32, #tpu.memory_space<hbm>> -> memref<624x128xf32, #tpu.memory_space<hbm>>
      %dma_start3A_66 = arith.constant 0 : i32
      %dma_start3A_67 = tpu.memref_slice %arg13[%mul3A_0, %dma_start3A_66] : memref<10000x128xf32, #tpu.memory_space<vmem_shared>> -> memref<624x128xf32, #tpu.memory_space<vmem_shared>>
      tpu.enqueue_dma source(%dma_start3A_67 : memref<624x128xf32, #tpu.memory_space<vmem_shared>>) target(%dma_start3A_65 : memref<624x128xf32, #tpu.memory_space<hbm>>) target_semaphore(%run_scoped3A : memref<!tpu.dma_semaphore, #tpu.memory_space<semaphore_mem>>)
      %dma_wait3A_68 = arith.constant 0 : i32
      %dma_wait3A_69 = tpu.memref_slice %arg5[%arg0, %mul3A_0, %dma_wait3A_68] : memref<2x10000x128xf32, #tpu.memory_space<hbm>> -> memref<1x624x128xf32, #tpu.memory_space<hbm>>
      %dma_wait3A_70 = tpu.memref_squeeze %dma_wait3A_69 : memref<1x624x128xf32, #tpu.memory_space<hbm>> -> memref<624x128xf32, #tpu.memory_space<hbm>>
      %dma_wait3A_71 = arith.constant 0 : i32
      %dma_wait3A_72 = tpu.memref_slice %arg13[%mul3A_0, %dma_wait3A_71] : memref<10000x128xf32, #tpu.memory_space<vmem_shared>> -> memref<624x128xf32, #tpu.memory_space<vmem_shared>>
      tpu.wait_dma2 semaphore(%run_scoped3A : memref<!tpu.dma_semaphore, #tpu.memory_space<semaphore_mem>>) src(%dma_wait3A_72 : memref<624x128xf32, #tpu.memory_space<vmem_shared>>) dst(%dma_wait3A_70 : memref<624x128xf32, #tpu.memory_space<hbm>>)
      tpu.yield
    }) : () -> ()
    %eq3A_58 = arith.constant 0 : i32
    %eq3A_59 = arith.cmpi eq, %arg1, %eq3A_58 : i32
    %convert_element_type3A_60 = arith.extui %eq3A_59 : i1 to i32
    %cond3A_61 = arith.constant 0 : i32
    %cond3A_62 = arith.cmpi ne, %convert_element_type3A_60, %cond3A_61 : i32
    scf.if %cond3A_62 {
      "tpu.region"() ({
        %run_scoped3A = tpu.sem_alloc : memref<!tpu.dma_semaphore, #tpu.memory_space<semaphore_mem>>
        %dma_start3A_63 = arith.constant 9984 : i32
        %dma_start3A_64 = arith.constant 0 : i32
        %dma_start3A_65 = tpu.memref_slice %arg5[%arg0, %dma_start3A_63, %dma_start3A_64] : memref<2x10000x128xf32, #tpu.memory_space<hbm>> -> memref<1x16x128xf32, #tpu.memory_space<hbm>>
        %dma_start3A_66 = tpu.memref_squeeze %dma_start3A_65 : memref<1x16x128xf32, #tpu.memory_space<hbm>> -> memref<16x128xf32, #tpu.memory_space<hbm>>
        %dma_start3A_67 = arith.constant 9984 : i32
        %dma_start3A_68 = arith.constant 0 : i32
        %dma_start3A_69 = tpu.memref_slice %arg13[%dma_start3A_67, %dma_start3A_68] : memref<10000x128xf32, #tpu.memory_space<vmem_shared>> -> memref<16x128xf32, #tpu.memory_space<vmem_shared>>
        tpu.enqueue_dma source(%dma_start3A_69 : memref<16x128xf32, #tpu.memory_space<vmem_shared>>) target(%dma_start3A_66 : memref<16x128xf32, #tpu.memory_space<hbm>>) target_semaphore(%run_scoped3A : memref<!tpu.dma_semaphore, #tpu.memory_space<semaphore_mem>>)
        %dma_wait3A_70 = arith.constant 9984 : i32
        %dma_wait3A_71 = arith.constant 0 : i32
        %dma_wait3A_72 = tpu.memref_slice %arg5[%arg0, %dma_wait3A_70, %dma_wait3A_71] : memref<2x10000x128xf32, #tpu.memory_space<hbm>> -> memref<1x16x128xf32, #tpu.memory_space<hbm>>
        %dma_wait3A_73 = tpu.memref_squeeze %dma_wait3A_72 : memref<1x16x128xf32, #tpu.memory_space<hbm>> -> memref<16x128xf32, #tpu.memory_space<hbm>>
        %dma_wait3A_74 = arith.constant 9984 : i32
        %dma_wait3A_75 = arith.constant 0 : i32
        %dma_wait3A_76 = tpu.memref_slice %arg13[%dma_wait3A_74, %dma_wait3A_75] : memref<10000x128xf32, #tpu.memory_space<vmem_shared>> -> memref<16x128xf32, #tpu.memory_space<vmem_shared>>
        tpu.wait_dma2 semaphore(%run_scoped3A : memref<!tpu.dma_semaphore, #tpu.memory_space<semaphore_mem>>) src(%dma_wait3A_76 : memref<16x128xf32, #tpu.memory_space<vmem_shared>>) dst(%dma_wait3A_73 : memref<16x128xf32, #tpu.memory_space<hbm>>)
        tpu.yield
      }) : () -> ()
    } else {
    }
    return
  }
}

module attributes {stable_mosaic.version = 14 : i64} {
  func.func @_encg_body(%arg0: i32, %arg1: i32, %arg2: memref<1000x512xf32, #tpu.memory_space<vmem>>, %arg3: memref<512x512xf32, #tpu.memory_space<vmem>>, %arg4: memref<1x512xf32, #tpu.memory_space<vmem>>, %arg5: memref<512x256xf32, #tpu.memory_space<vmem>>, %arg6: memref<1x256xf32, #tpu.memory_space<vmem>>, %arg7: memref<256x128xf32, #tpu.memory_space<vmem>>, %arg8: memref<1000x2xf32, #tpu.memory_space<vmem>>, %arg9: memref<1x1000x128xf32, #tpu.memory_space<vmem>>, %arg10: memref<1000x256xf32, #tpu.memory_space<vmem>>) attributes {dimension_semantics = [#tpu.dimension_semantics<arbitrary>, #tpu.dimension_semantics<arbitrary>], iteration_bounds = array<i64: 11, 2>, scalar_prefetch = 0 : i64, scratch_operands = 1 : i64, tpu.core_type = #tpu.core_type<tc>, window_params = [{transform_indices = @transform_0, window_bounds = array<i64: 1000, 512>}, {pipeline_mode = #tpu.pipeline_mode<synchronous>, transform_indices = @transform_1, window_bounds = array<i64: 512, 512>}, {pipeline_mode = #tpu.pipeline_mode<synchronous>, transform_indices = @transform_2, window_bounds = array<i64: 1, 512>}, {pipeline_mode = #tpu.pipeline_mode<synchronous>, transform_indices = @transform_3, window_bounds = array<i64: 512, 256>}, {pipeline_mode = #tpu.pipeline_mode<synchronous>, transform_indices = @transform_4, window_bounds = array<i64: 1, 256>}, {transform_indices = @transform_5, window_bounds = array<i64: 256, 128>}, {transform_indices = @transform_6, window_bounds = array<i64: 1000, 2>}, {transform_indices = @transform_7, window_bounds = array<i64: 1, 1000, 128>}]} {
    %eq3A = arith.constant 0 : i32
    %eq3A_0 = arith.cmpi eq, %arg1, %eq3A : i32
    %convert_element_type3A = arith.extui %eq3A_0 : i1 to i32
    %cond3A = arith.constant 0 : i32
    %cond3A_1 = arith.cmpi ne, %convert_element_type3A, %cond3A : i32
    scf.if %cond3A_1 {
      %get3A_27 = arith.constant 0 : index
      %get3A_28 = arith.constant 0 : index
      %get3A_29 = vector.load %arg2[%get3A_27, %get3A_28] : memref<1000x512xf32, #tpu.memory_space<vmem>>, vector<1000x512xf32>
      %convert_element_type3A_30 = arith.truncf %get3A_29 : vector<1000x512xf32> to vector<1000x512xbf16>
      %get3A_31 = arith.constant 0 : index
      %get3A_32 = arith.constant 0 : index
      %get3A_33 = vector.load %arg3[%get3A_31, %get3A_32] : memref<512x512xf32, #tpu.memory_space<vmem>>, vector<512x512xf32>
      %convert_element_type3A_34 = arith.truncf %get3A_33 : vector<512x512xf32> to vector<512x512xbf16>
      %dot_general3A_35 = arith.constant dense<0.000000e+00> : vector<1000x512xf32>
      %dot_general3A_36 = tpu.matmul %convert_element_type3A_30, %convert_element_type3A_34, %dot_general3A_35 {dimension_numbers = #tpu.dot_dimension_numbers<[1], [0], [0], [1], [0, 0, 1, 1], [], []>, transpose_lhs_hint = false} : vector<1000x512xbf16>, vector<512x512xbf16>, vector<1000x512xf32> -> vector<1000x512xf32>
      %get3A_37 = arith.constant 0 : index
      %get3A_38 = arith.constant 0 : index
      %get3A_39 = vector.load %arg4[%get3A_37, %get3A_38] : memref<1x512xf32, #tpu.memory_space<vmem>>, vector<1x512xf32>
      %add3A_40 = vector.broadcast %get3A_39 : vector<1x512xf32> to vector<1000x512xf32>
      %add3A_41 = arith.addf %dot_general3A_36, %add3A_40 : vector<1000x512xf32>
      %gt3A = arith.constant 0.000000e+00 : f32
      %gt3A_42 = vector.broadcast %gt3A : f32 to vector<1000x512xf32>
      %gt3A_43 = arith.cmpf ogt, %add3A_41, %gt3A_42 : vector<1000x512xf32>
      %exp3A = math.exp %add3A_41 : vector<1000x512xf32>
      %sub3A = arith.constant 1.000000e+00 : f32
      %sub3A_44 = vector.broadcast %sub3A : f32 to vector<1000x512xf32>
      %sub3A_45 = arith.subf %exp3A, %sub3A_44 : vector<1000x512xf32>
      %select_n3A_46 = arith.select %gt3A_43, %add3A_41, %sub3A_45 : vector<1000x512xi1>, vector<1000x512xf32>
      %convert_element_type3A_47 = arith.truncf %select_n3A_46 : vector<1000x512xf32> to vector<1000x512xbf16>
      %get3A_48 = arith.constant 0 : index
      %get3A_49 = arith.constant 0 : index
      %get3A_50 = vector.load %arg5[%get3A_48, %get3A_49] : memref<512x256xf32, #tpu.memory_space<vmem>>, vector<512x256xf32>
      %convert_element_type3A_51 = arith.truncf %get3A_50 : vector<512x256xf32> to vector<512x256xbf16>
      %dot_general3A_52 = arith.constant dense<0.000000e+00> : vector<1000x256xf32>
      %dot_general3A_53 = tpu.matmul %convert_element_type3A_47, %convert_element_type3A_51, %dot_general3A_52 {dimension_numbers = #tpu.dot_dimension_numbers<[1], [0], [0], [1], [0, 0, 1, 1], [], []>, transpose_lhs_hint = false} : vector<1000x512xbf16>, vector<512x256xbf16>, vector<1000x256xf32> -> vector<1000x256xf32>
      %get3A_54 = arith.constant 0 : index
      %get3A_55 = arith.constant 0 : index
      %get3A_56 = vector.load %arg6[%get3A_54, %get3A_55] : memref<1x256xf32, #tpu.memory_space<vmem>>, vector<1x256xf32>
      %add3A_57 = vector.broadcast %get3A_56 : vector<1x256xf32> to vector<1000x256xf32>
      %add3A_58 = arith.addf %dot_general3A_53, %add3A_57 : vector<1000x256xf32>
      %swap3A_59 = arith.constant 0 : index
      %swap3A_60 = arith.constant 0 : index
      %swap3A_61 = vector.load %arg10[%swap3A_59, %swap3A_60] : memref<1000x256xf32, #tpu.memory_space<vmem>>, vector<1000x256xf32>
      tpu.vector_store %arg10[%swap3A_59, %swap3A_60], %add3A_58 {strides = array<i32>} : memref<1000x256xf32, #tpu.memory_space<vmem>>, vector<1000x256xf32>,
    } else {
    }
    %get3A = arith.constant 0 : index
    %get3A_2 = arith.constant 0 : index
    %get3A_3 = vector.load %arg8[%get3A, %get3A_2] : memref<1000x2xf32, #tpu.memory_space<vmem>>, vector<1000x1xf32>
    %get3A_4 = vector.shape_cast %get3A_3 : vector<1000x1xf32> to vector<1000xf32>
    %get3A_5 = arith.constant 0 : index
    %get3A_6 = arith.constant 1 : index
    %get3A_7 = vector.load %arg8[%get3A_5, %get3A_6] : memref<1000x2xf32, #tpu.memory_space<vmem>>, vector<1000x1xf32>
    %get3A_8 = vector.shape_cast %get3A_7 : vector<1000x1xf32> to vector<1000xf32>
    %add3A = arith.addf %get3A_4, %get3A_8 : vector<1000xf32>
    %add3A_9 = arith.constant 1.000000e+00 : f32
    %add3A_10 = vector.broadcast %add3A_9 : f32 to vector<1000xf32>
    %add3A_11 = arith.addf %add3A, %add3A_10 : vector<1000xf32>
    %rsqrt3A = math.rsqrt %add3A_11 : vector<1000xf32>
    %get3A_12 = arith.constant 0 : index
    %get3A_13 = arith.constant 0 : index
    %get3A_14 = vector.load %arg10[%get3A_12, %get3A_13] : memref<1000x256xf32, #tpu.memory_space<vmem>>, vector<1000x256xf32>
    %get3A_15 = arith.constant 0 : index
    %get3A_16 = arith.constant 0 : index
    %get3A_17 = vector.load %arg7[%get3A_15, %get3A_16] : memref<256x128xf32, #tpu.memory_space<vmem>>, vector<256x128xf32>
    %dot_general3A = arith.constant dense<0.000000e+00> : vector<1000x128xf32>
    %dot_general3A_18 = tpu.matmul %get3A_14, %get3A_17, %dot_general3A {dimension_numbers = #tpu.dot_dimension_numbers<[1], [0], [0], [1], [0, 0, 1, 1], [], []>, transpose_lhs_hint = false} : vector<1000x256xf32>, vector<256x128xf32>, vector<1000x128xf32> -> vector<1000x128xf32>
    %broadcast_in_dim3A = vector.shape_cast %rsqrt3A : vector<1000xf32> to vector<1000x1xf32>
    %mul3A = vector.broadcast %broadcast_in_dim3A : vector<1000x1xf32> to vector<1000x128xf32>
    %mul3A_19 = arith.mulf %dot_general3A_18, %mul3A : vector<1000x128xf32>
    %lt3A = arith.constant 10 : i32
    %lt3A_20 = arith.cmpi slt, %arg0, %lt3A : i32
    %jit3A = arith.constant 0.000000e+00 : f32
    %broadcast_in_dim3A_21 = vector.broadcast %jit3A : f32 to vector<1000x128xf32>
    %select_n3A = arith.select %lt3A_20, %mul3A_19, %broadcast_in_dim3A_21 : vector<1000x128xf32>
    %swap3A = arith.constant 0 : index
    %swap3A_22 = arith.constant 0 : index
    %swap3A_23 = arith.constant 0 : index
    %swap3A_24 = vector.load %arg9[%swap3A, %swap3A_22, %swap3A_23] : memref<1x1000x128xf32, #tpu.memory_space<vmem>>, vector<1x1000x128xf32>
    %swap3A_25 = vector.shape_cast %swap3A_24 : vector<1x1000x128xf32> to vector<1000x128xf32>
    %swap3A_26 = vector.shape_cast %select_n3A : vector<1000x128xf32> to vector<1x1000x128xf32>
    tpu.vector_store %arg9[%swap3A, %swap3A_22, %swap3A_23], %swap3A_26 {strides = array<i32>} : memref<1x1000x128xf32, #tpu.memory_space<vmem>>, vector<1x1000x128xf32>,
    return
  }
  func.func @transform_0(%arg0: i32, %arg1: i32) -> (i32, i32) {
    %min3A = arith.constant 9 : i32
    %min3A_0 = arith.minsi %arg0, %min3A : i32
    %c0_i32 = arith.constant 0 : i32
    %c0_i32_1 = arith.constant 0 : i32
    return %min3A_0, %c0_i32 : i32, i32
  }
  func.func @transform_1(%arg0: i32, %arg1: i32) -> (i32, i32) {
    %c0_i32 = arith.constant 0 : i32
    %c0_i32_0 = arith.constant 0 : i32
    %c0_i32_1 = arith.constant 0 : i32
    return %c0_i32, %c0_i32_0 : i32, i32
  }
  func.func @transform_2(%arg0: i32, %arg1: i32) -> (i32, i32) {
    %c0_i32 = arith.constant 0 : i32
    %c0_i32_0 = arith.constant 0 : i32
    %c0_i32_1 = arith.constant 0 : i32
    return %c0_i32, %c0_i32_0 : i32, i32
  }
  func.func @transform_3(%arg0: i32, %arg1: i32) -> (i32, i32) {
    %c0_i32 = arith.constant 0 : i32
    %c0_i32_0 = arith.constant 0 : i32
    %c0_i32_1 = arith.constant 0 : i32
    return %c0_i32, %c0_i32_0 : i32, i32
  }
  func.func @transform_4(%arg0: i32, %arg1: i32) -> (i32, i32) {
    %c0_i32 = arith.constant 0 : i32
    %c0_i32_0 = arith.constant 0 : i32
    %c0_i32_1 = arith.constant 0 : i32
    return %c0_i32, %c0_i32_0 : i32, i32
  }
  func.func @transform_5(%arg0: i32, %arg1: i32) -> (i32, i32) {
    %c0_i32 = arith.constant 0 : i32
    %c0_i32_0 = arith.constant 0 : i32
    return %c0_i32, %arg1 : i32, i32
  }
  func.func @transform_6(%arg0: i32, %arg1: i32) -> (i32, i32) {
    %min3A = arith.constant 9 : i32
    %min3A_0 = arith.minsi %arg0, %min3A : i32
    %c0_i32 = arith.constant 0 : i32
    %c0_i32_1 = arith.constant 0 : i32
    return %min3A_0, %c0_i32 : i32, i32
  }
  func.func @transform_7(%arg0: i32, %arg1: i32) -> (i32, i32, i32) {
    %c0_i32 = arith.constant 0 : i32
    %c0_i32_0 = arith.constant 0 : i32
    return %arg1, %arg0, %c0_i32 : i32, i32, i32
  }
}

module attributes {stable_mosaic.version = 14 : i64} {
  func.func @_mid_body(%arg0: i32, %arg1: i32, %arg2: memref<1x1000x128xf32, #tpu.memory_space<vmem>>, %arg3: memref<1x1000x128xf32, #tpu.memory_space<vmem>>, %arg4: memref<1000x2xf32, #tpu.memory_space<vmem>>, %arg5: memref<256x128xf32, #tpu.memory_space<vmem>>, %arg6: memref<1x256xf32, #tpu.memory_space<vmem>>, %arg7: memref<1x1000x128xf32, #tpu.memory_space<vmem>>) attributes {dimension_semantics = [#tpu.dimension_semantics<arbitrary>, #tpu.dimension_semantics<arbitrary>], iteration_bounds = array<i64: 11, 2>, scalar_prefetch = 0 : i64, scratch_operands = 0 : i64, tpu.core_type = #tpu.core_type<tc>, window_params = [{transform_indices = @transform_0, window_bounds = array<i64: 1, 1000, 128>}, {transform_indices = @transform_1, window_bounds = array<i64: 1, 1000, 128>}, {transform_indices = @transform_2, window_bounds = array<i64: 1000, 2>}, {transform_indices = @transform_3, window_bounds = array<i64: 256, 128>}, {pipeline_mode = #tpu.pipeline_mode<synchronous>, transform_indices = @transform_4, window_bounds = array<i64: 1, 256>}, {transform_indices = @transform_5, window_bounds = array<i64: 1, 1000, 128>}]} {
    %get3A = arith.constant 0 : index
    %get3A_0 = arith.constant 0 : index
    %get3A_1 = vector.load %arg4[%get3A, %get3A_0] : memref<1000x2xf32, #tpu.memory_space<vmem>>, vector<1000x1xf32>
    %get3A_2 = vector.shape_cast %get3A_1 : vector<1000x1xf32> to vector<1000xf32>
    %get3A_3 = arith.constant 0 : index
    %get3A_4 = arith.constant 1 : index
    %get3A_5 = vector.load %arg4[%get3A_3, %get3A_4] : memref<1000x2xf32, #tpu.memory_space<vmem>>, vector<1000x1xf32>
    %get3A_6 = vector.shape_cast %get3A_5 : vector<1000x1xf32> to vector<1000xf32>
    %add3A = arith.addf %get3A_2, %get3A_6 : vector<1000xf32>
    %add3A_7 = arith.constant 1.000000e+00 : f32
    %add3A_8 = vector.broadcast %add3A_7 : f32 to vector<1000xf32>
    %add3A_9 = arith.addf %add3A, %add3A_8 : vector<1000xf32>
    %rsqrt3A = math.rsqrt %add3A_9 : vector<1000xf32>
    %get3A_10 = arith.constant 0 : index
    %get3A_11 = arith.constant 0 : index
    %get3A_12 = arith.constant 0 : index
    %get3A_13 = vector.load %arg2[%get3A_10, %get3A_11, %get3A_12] : memref<1x1000x128xf32, #tpu.memory_space<vmem>>, vector<1x1000x128xf32>
    %get3A_14 = vector.shape_cast %get3A_13 : vector<1x1000x128xf32> to vector<1000x128xf32>
    %get3A_15 = arith.constant 0 : index
    %get3A_16 = arith.constant 0 : index
    %get3A_17 = arith.constant 0 : index
    %get3A_18 = vector.load %arg3[%get3A_15, %get3A_16, %get3A_17] : memref<1x1000x128xf32, #tpu.memory_space<vmem>>, vector<1x1000x128xf32>
    %get3A_19 = vector.shape_cast %get3A_18 : vector<1x1000x128xf32> to vector<1000x128xf32>
    %concatenate3A = tpu.concatenate %get3A_14, %get3A_19 in 1 : vector<1000x128xf32>, vector<1000x128xf32> -> vector<1000x256xf32>
    %broadcast_in_dim3A = vector.shape_cast %rsqrt3A : vector<1000xf32> to vector<1000x1xf32>
    %mul3A = vector.broadcast %broadcast_in_dim3A : vector<1000x1xf32> to vector<1000x256xf32>
    %mul3A_20 = arith.mulf %concatenate3A, %mul3A : vector<1000x256xf32>
    %get3A_21 = arith.constant 0 : index
    %get3A_22 = arith.constant 0 : index
    %get3A_23 = vector.load %arg6[%get3A_21, %get3A_22] : memref<1x256xf32, #tpu.memory_space<vmem>>, vector<1x256xf32>
    %add3A_24 = vector.broadcast %get3A_23 : vector<1x256xf32> to vector<1000x256xf32>
    %add3A_25 = arith.addf %mul3A_20, %add3A_24 : vector<1000x256xf32>
    %max3A = arith.constant 0.000000e+00 : f32
    %max3A_26 = vector.broadcast %max3A : f32 to vector<1000x256xf32>
    %max3A_27 = arith.maximumf %add3A_25, %max3A_26 : vector<1000x256xf32>
    %get3A_28 = arith.constant 0 : index
    %get3A_29 = arith.constant 0 : index
    %get3A_30 = vector.load %arg5[%get3A_28, %get3A_29] : memref<256x128xf32, #tpu.memory_space<vmem>>, vector<256x128xf32>
    %dot_general3A = arith.constant dense<0.000000e+00> : vector<1000x128xf32>
    %dot_general3A_31 = tpu.matmul %max3A_27, %get3A_30, %dot_general3A {dimension_numbers = #tpu.dot_dimension_numbers<[1], [0], [0], [1], [0, 0, 1, 1], [], []>, transpose_lhs_hint = false} : vector<1000x256xf32>, vector<256x128xf32>, vector<1000x128xf32> -> vector<1000x128xf32>
    %broadcast_in_dim3A_32 = vector.shape_cast %rsqrt3A : vector<1000xf32> to vector<1000x1xf32>
    %mul3A_33 = vector.broadcast %broadcast_in_dim3A_32 : vector<1000x1xf32> to vector<1000x128xf32>
    %mul3A_34 = arith.mulf %dot_general3A_31, %mul3A_33 : vector<1000x128xf32>
    %lt3A = arith.constant 10 : i32
    %lt3A_35 = arith.cmpi slt, %arg0, %lt3A : i32
    %jit3A = arith.constant 0.000000e+00 : f32
    %broadcast_in_dim3A_36 = vector.broadcast %jit3A : f32 to vector<1000x128xf32>
    %select_n3A = arith.select %lt3A_35, %mul3A_34, %broadcast_in_dim3A_36 : vector<1000x128xf32>
    %swap3A = arith.constant 0 : index
    %swap3A_37 = arith.constant 0 : index
    %swap3A_38 = arith.constant 0 : index
    %swap3A_39 = vector.load %arg7[%swap3A, %swap3A_37, %swap3A_38] : memref<1x1000x128xf32, #tpu.memory_space<vmem>>, vector<1x1000x128xf32>
    %swap3A_40 = vector.shape_cast %swap3A_39 : vector<1x1000x128xf32> to vector<1000x128xf32>
    %swap3A_41 = vector.shape_cast %select_n3A : vector<1000x128xf32> to vector<1x1000x128xf32>
    tpu.vector_store %arg7[%swap3A, %swap3A_37, %swap3A_38], %swap3A_41 {strides = array<i32>} : memref<1x1000x128xf32, #tpu.memory_space<vmem>>, vector<1x1000x128xf32>,
    return
  }
  func.func @transform_0(%arg0: i32, %arg1: i32) -> (i32, i32, i32) {
    %min3A = arith.constant 9 : i32
    %min3A_0 = arith.minsi %arg0, %min3A : i32
    %c0_i32 = arith.constant 0 : i32
    %c0_i32_1 = arith.constant 0 : i32
    %c0_i32_2 = arith.constant 0 : i32
    return %c0_i32, %min3A_0, %c0_i32_1 : i32, i32, i32
  }
  func.func @transform_1(%arg0: i32, %arg1: i32) -> (i32, i32, i32) {
    %min3A = arith.constant 9 : i32
    %min3A_0 = arith.minsi %arg0, %min3A : i32
    %c1_i32 = arith.constant 1 : i32
    %c0_i32 = arith.constant 0 : i32
    %c0_i32_1 = arith.constant 0 : i32
    return %c1_i32, %min3A_0, %c0_i32 : i32, i32, i32
  }
  func.func @transform_2(%arg0: i32, %arg1: i32) -> (i32, i32) {
    %min3A = arith.constant 9 : i32
    %min3A_0 = arith.minsi %arg0, %min3A : i32
    %c0_i32 = arith.constant 0 : i32
    %c0_i32_1 = arith.constant 0 : i32
    return %min3A_0, %c0_i32 : i32, i32
  }
  func.func @transform_3(%arg0: i32, %arg1: i32) -> (i32, i32) {
    %c0_i32 = arith.constant 0 : i32
    %c0_i32_0 = arith.constant 0 : i32
    return %c0_i32, %arg1 : i32, i32
  }
  func.func @transform_4(%arg0: i32, %arg1: i32) -> (i32, i32) {
    %c0_i32 = arith.constant 0 : i32
    %c0_i32_0 = arith.constant 0 : i32
    %c0_i32_1 = arith.constant 0 : i32
    return %c0_i32, %c0_i32_0 : i32, i32
  }
  func.func @transform_5(%arg0: i32, %arg1: i32) -> (i32, i32, i32) {
    %c0_i32 = arith.constant 0 : i32
    %c0_i32_0 = arith.constant 0 : i32
    return %arg1, %arg0, %c0_i32 : i32, i32, i32
  }
}

module attributes {stable_mosaic.version = 14 : i64} {
  func.func @_final_body(%arg0: i32, %arg1: memref<1x1000x128xf32, #tpu.memory_space<vmem>>, %arg2: memref<1x1000x128xf32, #tpu.memory_space<vmem>>, %arg3: memref<1000x2xf32, #tpu.memory_space<vmem>>, %arg4: memref<1x256xf32, #tpu.memory_space<vmem>>, %arg5: memref<1000x256xf32, #tpu.memory_space<vmem>>) attributes {dimension_semantics = [#tpu.dimension_semantics<arbitrary>], iteration_bounds = array<i64: 10>, scalar_prefetch = 0 : i64, scratch_operands = 0 : i64, tpu.core_type = #tpu.core_type<tc>, window_params = [{transform_indices = @transform_0, window_bounds = array<i64: 1, 1000, 128>}, {transform_indices = @transform_1, window_bounds = array<i64: 1, 1000, 128>}, {transform_indices = @transform_2, window_bounds = array<i64: 1000, 2>}, {pipeline_mode = #tpu.pipeline_mode<synchronous>, transform_indices = @transform_3, window_bounds = array<i64: 1, 256>}, {transform_indices = @transform_4, window_bounds = array<i64: 1000, 256>}]} {
    %get3A = arith.constant 0 : index
    %get3A_0 = arith.constant 0 : index
    %get3A_1 = vector.load %arg3[%get3A, %get3A_0] : memref<1000x2xf32, #tpu.memory_space<vmem>>, vector<1000x1xf32>
    %get3A_2 = vector.shape_cast %get3A_1 : vector<1000x1xf32> to vector<1000xf32>
    %get3A_3 = arith.constant 0 : index
    %get3A_4 = arith.constant 1 : index
    %get3A_5 = vector.load %arg3[%get3A_3, %get3A_4] : memref<1000x2xf32, #tpu.memory_space<vmem>>, vector<1000x1xf32>
    %get3A_6 = vector.shape_cast %get3A_5 : vector<1000x1xf32> to vector<1000xf32>
    %add3A = arith.addf %get3A_2, %get3A_6 : vector<1000xf32>
    %add3A_7 = arith.constant 1.000000e+00 : f32
    %add3A_8 = vector.broadcast %add3A_7 : f32 to vector<1000xf32>
    %add3A_9 = arith.addf %add3A, %add3A_8 : vector<1000xf32>
    %rsqrt3A = math.rsqrt %add3A_9 : vector<1000xf32>
    %get3A_10 = arith.constant 0 : index
    %get3A_11 = arith.constant 0 : index
    %get3A_12 = arith.constant 0 : index
    %get3A_13 = vector.load %arg1[%get3A_10, %get3A_11, %get3A_12] : memref<1x1000x128xf32, #tpu.memory_space<vmem>>, vector<1x1000x128xf32>
    %get3A_14 = vector.shape_cast %get3A_13 : vector<1x1000x128xf32> to vector<1000x128xf32>
    %get3A_15 = arith.constant 0 : index
    %get3A_16 = arith.constant 0 : index
    %get3A_17 = arith.constant 0 : index
    %get3A_18 = vector.load %arg2[%get3A_15, %get3A_16, %get3A_17] : memref<1x1000x128xf32, #tpu.memory_space<vmem>>, vector<1x1000x128xf32>
    %get3A_19 = vector.shape_cast %get3A_18 : vector<1x1000x128xf32> to vector<1000x128xf32>
    %concatenate3A = tpu.concatenate %get3A_14, %get3A_19 in 1 : vector<1000x128xf32>, vector<1000x128xf32> -> vector<1000x256xf32>
    %broadcast_in_dim3A = vector.shape_cast %rsqrt3A : vector<1000xf32> to vector<1000x1xf32>
    %mul3A = vector.broadcast %broadcast_in_dim3A : vector<1000x1xf32> to vector<1000x256xf32>
    %mul3A_20 = arith.mulf %concatenate3A, %mul3A : vector<1000x256xf32>
    %get3A_21 = arith.constant 0 : index
    %get3A_22 = arith.constant 0 : index
    %get3A_23 = vector.load %arg4[%get3A_21, %get3A_22] : memref<1x256xf32, #tpu.memory_space<vmem>>, vector<1x256xf32>
    %add3A_24 = vector.broadcast %get3A_23 : vector<1x256xf32> to vector<1000x256xf32>
    %add3A_25 = arith.addf %mul3A_20, %add3A_24 : vector<1000x256xf32>
    %swap3A = arith.constant 0 : index
    %swap3A_26 = arith.constant 0 : index
    %swap3A_27 = vector.load %arg5[%swap3A, %swap3A_26] : memref<1000x256xf32, #tpu.memory_space<vmem>>, vector<1000x256xf32>
    tpu.vector_store %arg5[%swap3A, %swap3A_26], %add3A_25 {strides = array<i32>} : memref<1000x256xf32, #tpu.memory_space<vmem>>, vector<1000x256xf32>,
    return
  }
  func.func @transform_0(%arg0: i32) -> (i32, i32, i32) {
    %c0_i32 = arith.constant 0 : i32
    %c0_i32_0 = arith.constant 0 : i32
    %c0_i32_1 = arith.constant 0 : i32
    return %c0_i32, %arg0, %c0_i32_0 : i32, i32, i32
  }
  func.func @transform_1(%arg0: i32) -> (i32, i32, i32) {
    %c1_i32 = arith.constant 1 : i32
    %c0_i32 = arith.constant 0 : i32
    %c0_i32_0 = arith.constant 0 : i32
    return %c1_i32, %arg0, %c0_i32 : i32, i32, i32
  }
  func.func @transform_2(%arg0: i32) -> (i32, i32) {
    %c0_i32 = arith.constant 0 : i32
    %c0_i32_0 = arith.constant 0 : i32
    return %arg0, %c0_i32 : i32, i32
  }
  func.func @transform_3(%arg0: i32) -> (i32, i32) {
    %c0_i32 = arith.constant 0 : i32
    %c0_i32_0 = arith.constant 0 : i32
    %c0_i32_1 = arith.constant 0 : i32
    return %c0_i32, %c0_i32_0 : i32, i32
  }
  func.func @transform_4(%arg0: i32) -> (i32, i32) {
    %c0_i32 = arith.constant 0 : i32
    %c0_i32_0 = arith.constant 0 : i32
    return %arg0, %c0_i32 : i32, i32
  }
}

module attributes {stable_mosaic.version = 14 : i64} {
  func.func @_loss_body(%arg0: i32, %arg1: memref<512x256xf32, #tpu.memory_space<vmem>>, %arg2: memref<512x256xf32, #tpu.memory_space<vmem>>, %arg3: memref<1x1xf32, #tpu.memory_space<vmem>>) attributes {dimension_semantics = [#tpu.dimension_semantics<arbitrary>], iteration_bounds = array<i64: 8>, scalar_prefetch = 0 : i64, scratch_operands = 0 : i64, tpu.core_type = #tpu.core_type<tc>, window_params = [{transform_indices = @transform_0, window_bounds = array<i64: 512, 256>}, {transform_indices = @transform_1, window_bounds = array<i64: 512, 256>}, {pipeline_mode = #tpu.pipeline_mode<synchronous>, transform_indices = @transform_2, window_bounds = array<i64: 1, 1>}]} {
    %get3A = arith.constant 0 : index
    %get3A_0 = arith.constant 0 : index
    %get3A_1 = vector.load %arg1[%get3A, %get3A_0] : memref<512x256xf32, #tpu.memory_space<vmem>>, vector<512x256xf32>
    %get3A_2 = arith.constant 0 : index
    %get3A_3 = arith.constant 0 : index
    %get3A_4 = vector.load %arg2[%get3A_2, %get3A_3] : memref<512x256xf32, #tpu.memory_space<vmem>>, vector<512x256xf32>
    %mul3A = arith.mulf %get3A_1, %get3A_1 : vector<512x256xf32>
    %reduce_sum3A = arith.constant dense<0.000000e+00> : vector<512xf32>
    %reduce_sum3A_5 = vector.multi_reduction <add>, %mul3A, %reduce_sum3A [1] : vector<512x256xf32> to vector<512xf32>
    %mul3A_6 = arith.mulf %get3A_4, %get3A_4 : vector<512x256xf32>
    %reduce_sum3A_7 = arith.constant dense<0.000000e+00> : vector<512xf32>
    %reduce_sum3A_8 = vector.multi_reduction <add>, %mul3A_6, %reduce_sum3A_7 [1] : vector<512x256xf32> to vector<512xf32>
    %mul3A_9 = arith.mulf %get3A_1, %get3A_4 : vector<512x256xf32>
    %reduce_sum3A_10 = arith.constant dense<0.000000e+00> : vector<512xf32>
    %reduce_sum3A_11 = vector.multi_reduction <add>, %mul3A_9, %reduce_sum3A_10 [1] : vector<512x256xf32> to vector<512xf32>
    %sqrt3A = math.sqrt %reduce_sum3A_5 : vector<512xf32>
    %max3A = arith.constant 9.99999996E-13 : f32
    %max3A_12 = vector.broadcast %max3A : f32 to vector<512xf32>
    %max3A_13 = arith.maximumf %sqrt3A, %max3A_12 : vector<512xf32>
    %div3A = arith.constant 1.000000e+00 : f32
    %div3A_14 = vector.broadcast %div3A : f32 to vector<512xf32>
    %div3A_15 = arith.divf %div3A_14, %max3A_13 : vector<512xf32>
    %sqrt3A_16 = math.sqrt %reduce_sum3A_8 : vector<512xf32>
    %max3A_17 = arith.constant 9.99999996E-13 : f32
    %max3A_18 = vector.broadcast %max3A_17 : f32 to vector<512xf32>
    %max3A_19 = arith.maximumf %sqrt3A_16, %max3A_18 : vector<512xf32>
    %div3A_20 = arith.constant 1.000000e+00 : f32
    %div3A_21 = vector.broadcast %div3A_20 : f32 to vector<512xf32>
    %div3A_22 = arith.divf %div3A_21, %max3A_19 : vector<512xf32>
    %mul3A_23 = arith.mulf %reduce_sum3A_5, %div3A_15 : vector<512xf32>
    %mul3A_24 = arith.mulf %mul3A_23, %div3A_15 : vector<512xf32>
    %mul3A_25 = arith.mulf %reduce_sum3A_8, %div3A_22 : vector<512xf32>
    %mul3A_26 = arith.mulf %mul3A_25, %div3A_22 : vector<512xf32>
    %add3A = arith.addf %mul3A_24, %mul3A_26 : vector<512xf32>
    %mul3A_27 = arith.constant 2.000000e+00 : f32
    %mul3A_28 = vector.broadcast %mul3A_27 : f32 to vector<512xf32>
    %mul3A_29 = arith.mulf %mul3A_28, %reduce_sum3A_11 : vector<512xf32>
    %mul3A_30 = arith.mulf %mul3A_29, %div3A_15 : vector<512xf32>
    %mul3A_31 = arith.mulf %mul3A_30, %div3A_22 : vector<512xf32>
    %sub3A = arith.subf %add3A, %mul3A_31 : vector<512xf32>
    %reduce_sum3A_32 = vector.shape_cast %sub3A : vector<512xf32> to vector<1x512xf32>
    %reduce_sum3A_33 = arith.constant dense<0.000000e+00> : vector<1xf32>
    %reduce_sum3A_34 = vector.multi_reduction <add>, %reduce_sum3A_32, %reduce_sum3A_33 [1] : vector<1x512xf32> to vector<1xf32>
    %reduce_sum3A_35 = vector.shape_cast %reduce_sum3A_34 : vector<1xf32> to vector<1x1xf32>
    %reduce_sum3A_36 = vector.extract %reduce_sum3A_35[0, 0] : f32 from vector<1x1xf32>
    %mul3A_37 = arith.constant 2.44140625E-4 : f32
    %mul3A_38 = arith.mulf %reduce_sum3A_36, %mul3A_37 : f32
    %reshape3A = vector.broadcast %mul3A_38 : f32 to vector<1x1xf32>
    %eq3A = arith.constant 0 : i32
    %eq3A_39 = arith.cmpi eq, %arg0, %eq3A : i32
    %convert_element_type3A = arith.extui %eq3A_39 : i1 to i32
    %cond3A = arith.constant 0 : i32
    %cond3A_40 = arith.cmpi ne, %convert_element_type3A, %cond3A : i32
    scf.if %cond3A_40 {
      %swap3A = arith.constant 0 : index
      %swap3A_45 = arith.constant 0 : index
      %swap3A_46 = vector.load %arg3[%swap3A, %swap3A_45] : memref<1x1xf32, #tpu.memory_space<vmem>>, vector<1x1xf32>
      tpu.vector_store %arg3[%swap3A, %swap3A_45], %reshape3A {strides = array<i32>} : memref<1x1xf32, #tpu.memory_space<vmem>>, vector<1x1xf32>,
    } else {
    }
    %gt3A = arith.constant 0 : i32
    %gt3A_41 = arith.cmpi sgt, %arg0, %gt3A : i32
    %convert_element_type3A_42 = arith.extui %gt3A_41 : i1 to i32
    %cond3A_43 = arith.constant 0 : i32
    %cond3A_44 = arith.cmpi ne, %convert_element_type3A_42, %cond3A_43 : i32
    scf.if %cond3A_44 {
      %get3A_45 = arith.constant 0 : index
      %get3A_46 = arith.constant 0 : index
      %get3A_47 = vector.load %arg3[%get3A_45, %get3A_46] : memref<1x1xf32, #tpu.memory_space<vmem>>, vector<1x1xf32>
      %add3A_48 = arith.addf %get3A_47, %reshape3A : vector<1x1xf32>
      %swap3A = arith.constant 0 : index
      %swap3A_49 = arith.constant 0 : index
      %swap3A_50 = vector.load %arg3[%swap3A, %swap3A_49] : memref<1x1xf32, #tpu.memory_space<vmem>>, vector<1x1xf32>
      tpu.vector_store %arg3[%swap3A, %swap3A_49], %add3A_48 {strides = array<i32>} : memref<1x1xf32, #tpu.memory_space<vmem>>, vector<1x1xf32>,
    } else {
    }
    return
  }
  func.func @transform_0(%arg0: i32) -> (i32, i32) {
    %c0_i32 = arith.constant 0 : i32
    %c0_i32_0 = arith.constant 0 : i32
    return %arg0, %c0_i32 : i32, i32
  }
  func.func @transform_1(%arg0: i32) -> (i32, i32) {
    %add3A = arith.constant 8 : i32
    %add3A_0 = arith.addi %arg0, %add3A : i32
    %c0_i32 = arith.constant 0 : i32
    %c0_i32_1 = arith.constant 0 : i32
    return %add3A_0, %c0_i32 : i32, i32
  }
  func.func @transform_2(%arg0: i32) -> (i32, i32) {
    %c0_i32 = arith.constant 0 : i32
    %c0_i32_0 = arith.constant 0 : i32
    %c0_i32_1 = arith.constant 0 : i32
    return %c0_i32, %c0_i32_0 : i32, i32
  }
}

</mosaic_0001>

<sc_bundles>
// kernel: kernel.10.cloned.1.call-start
scs
__scs_entry_jumppad:
0x0: {  	(pc) =	sbr.rel $0x88, $3  }
0x1: {  	(tag) =	ssettag $0x0;
	lr =	simm.s32 $0x1  }
0x2: {  	[smem:$0x3F95] =	sst lr;
	_ =	strace $0xD0000000  }
0x3: {  	_ = 	snop  }
0x4: {  	_ = 	snop  }
0x5: {  	_ = 	snop  }
0x6: {  	_ = 	snop  }
0x7: {  	_ = 	snop  }
__scs_overlays_trampoline_lowered:
0x8: {  	[smem:$0x3FA4] =	sst s0  }
0x9: {  	[smem:$0x3FA5] =	sst s1  }
0xa: {  	[smem:$0x3FA6] =	sst s2  }
0xb: {  	[smem:$0x3FA7] =	sst s3  }
0xc: {  	[smem:$0x3FA8] =	sst s4  }
0xd: {  	[smem:$0x3FA9] =	sst s5  }
0xe: {  	[smem:$0x3FAA] =	sst s6  }
0xf: {  	[smem:$0x3FAB] =	sst s7  }
0x10: {  	[smem:$0x3FAC] =	sst s8  }
0x11: {  	[smem:$0x3FAD] =	sst s9;
	s0 =	simm.s32 @!p0 $0x0  }
0x12: {  	s1 =	sld [smem:$0x3F93];
	s0 =	simm.s32 @p0 $0x1  }
0x13: {  	[smem:$0x3FAE] =	sst s0;
	s0 =	simm.s32 @!p1 $0x0  }
0x14: {  	s2 =	sld [smem:$0x3F92];
	s0 =	simm.s32 @p1 $0x1  }
0x15: {  	[smem:$0x3FAF] =	sst s0;
	s0 =	simm.s32 @!p2 $0x0  }
0x16: {  	s3 =	sld [smem:$0x3FDB];
	s0 =	simm.s32 @p2 $0x1  }
0x17: {  	s4 =	simm.s32 $0x1BF5;
	[smem:$0x3FB1] =	sst s0  }
0x18: {  	s0 =	sld [smem:$0x3F94];
	_ =	swait.ge [sflag:s4], $0x0  }
0x19: {  	s7 =	sld [smem:$0x3F95]  }
0x1a: {  	s8 =	sadd.s32 $0xFFFFE003, lr  }
0x1b: {  	s9 =	sadd.s32 $0xFFFFFEF7, lr;
	s5 =	simm.s32 $0xFFFFFFFF;
	p2 =	slt.u32 s8, $0xFFFFF086  }
0x1c: {  	p1 =	slt.u32 s9, $0xF7A;
	s5 =	simm.s32 @!p2 $0x0  }
0x1d: {  	s5 =	simm.s32 @p1 $0x1;
	p0 =	seq.s32 s7, s2  }
0x1e: {  	s7 =	smul.u32 @!p0 $0xF7A, s2;
	p2 =	seq.s32 @!p0 s5, $0x0  }
0x1f: {  	s9 =	smul.u32 $0xF7A, s1;
	s8 =	simm.s32 @!p0 $0x1BF5;
	p2 =	por !p2, p0  }
0x20: {  	[sflag:s8] =	ssyncset.s32 @!p0 $0xFFFFF086;
	s6 =	sadd.s32 @!p0 s3, s7;
	s7 =	simm.s32 @!p0 $0x108  }
0x21: {  	s3 =	sadd.s32 s3, s9;
	s6 =	sadd.s32 @!p0 $0x88, s6;
	s7 =	simm.s32 @p2 $0x1082  }
0x22: {  	[simem:s7], [sflag:s8] =	dma.local @!p0 [hbm:s6], $0xF7A  }
0x23: {  	s9 =	sor.u32 $0xD0000000, s2;
	s6 =	simm.s32 $0x108;
	_ =	swait.ge @!p0 [sflag:s8], $0x0  }
0x24: {  	s3 =	sadd.s32 $0x88, s3;
	s6 =	simm.s32 @!p1 $0x1082;
	[sflag:s4] =	ssyncset.s32 $0xFFFFF086  }
0x25: {  	[simem:s6], [sflag:s4] =	dma.local [hbm:s3], $0xF7A  }
0x26: {  	[smem:$0x3F95] =	sst s1;
	(tag) =	ssettag s2;
	_ =	strace s9  }
0x27: {  	s1 =	sld [smem:$0x3FA5]  }
0x28: {  	s2 =	sld [smem:$0x3FA6]  }
0x29: {  	s4 =	sld [smem:$0x3FA8]  }
0x2a: {  	p0 =	seq.s32 s5, $0x0;
	s5 =	sld [smem:$0x3FA9]  }
0x2b: {  	s6 =	sld [smem:$0x3FAA]  }
0x2c: {  	s7 =	sld [smem:$0x3FAB]  }
0x2d: {  	s3 =	simm.s32 $0x108;
	s8 =	sld [smem:$0x3FAC]  }
0x2e: {  	s3 =	simm.s32 @!p0 $0x1082;
	s9 =	sld [smem:$0x3FAD]  }
0x2f: {  	lr =	sadd.s32 s0, s3;
	s0 =	sld [smem:$0x3FA4]  }
0x30: {  	s3 =	sld [smem:$0x3FA7]  }
0x31: {  	[smem:$0x3FB0] =	sst s10  }
0x32: {  	s10 =	sld [smem:$0x3FAE];
	_ =	sdelay $0x3  }
0x33: {  	p0 =	seq.s32 s10, $0x1;
	s10 =	sld [smem:$0x3FB0];
	_ =	sdelay $0x3  }
0x34: {  	[smem:$0x3FB0] =	sst s10  }
0x35: {  	s10 =	sld [smem:$0x3FAF];
	_ =	sdelay $0x3  }
0x36: {  	p1 =	seq.s32 s10, $0x1;
	s10 =	sld [smem:$0x3FB0];
	_ =	sdelay $0x3  }
0x37: {  	[smem:$0x3FB0] =	sst s10  }
0x38: {  	s10 =	sld [smem:$0x3FB1]  }
0x39: {  	_ = 	snop;
	(pc) =	sbr.ind lr, $3  }
0x3a: {  	_ = 	snop  }
0x3b: {  	_ = 	snop  }
0x3c: {  	p2 =	seq.s32 s10, $0x1;
	s10 =	sld [smem:$0x3FB0]  }
0x3d: {  	_ =	shalt  }
0x3e: {  	_ =	shalt  }
0x3f: {  	_ =	shalt  }
0x40: {  	_ =	shalt  }
0x41: {  	_ =	shalt  }
0x42: {  	_ =	shalt  }
0x43: {  	_ =	shalt  }
0x44: {  	_ =	shalt  }
0x45: {  	_ =	shalt  }
0x46: {  	_ =	shalt  }
0x47: {  	_ =	shalt  }
0x48: {  	_ =	shalt  }
0x49: {  	_ =	shalt  }
0x4a: {  	_ =	shalt  }
0x4b: {  	_ =	shalt  }
0x4c: {  	_ =	shalt  }
0x4d: {  	_ =	shalt  }
0x4e: {  	_ =	shalt  }
0x4f: {  	_ =	shalt  }
0x50: {  	_ =	shalt  }
0x51: {  	_ =	shalt  }
0x52: {  	_ =	shalt  }
0x53: {  	_ =	shalt  }
0x54: {  	_ =	shalt  }
0x55: {  	_ =	shalt  }
0x56: {  	_ =	shalt  }
0x57: {  	_ =	shalt  }
0x58: {  	_ =	shalt  }
0x59: {  	_ =	shalt  }
0x5a: {  	_ =	shalt  }
0x5b: {  	_ =	shalt  }
0x5c: {  	_ =	shalt  }
0x5d: {  	_ =	shalt  }
0x5e: {  	_ =	shalt  }
0x5f: {  	_ =	shalt  }
0x60: {  	_ =	shalt  }
0x61: {  	_ =	shalt  }
0x62: {  	_ =	shalt  }
0x63: {  	_ =	shalt  }
0x64: {  	_ =	shalt  }
0x65: {  	_ =	shalt  }
0x66: {  	_ =	shalt  }
0x67: {  	_ =	shalt  }
0x68: {  	_ =	shalt  }
0x69: {  	_ =	shalt  }
0x6a: {  	_ =	shalt  }
0x6b: {  	_ =	shalt  }
0x6c: {  	_ =	shalt  }
0x6d: {  	_ =	shalt  }
0x6e: {  	_ =	shalt  }
0x6f: {  	_ =	shalt  }
0x70: {  	_ =	shalt  }
0x71: {  	_ =	shalt  }
0x72: {  	_ =	shalt  }
0x73: {  	_ =	shalt  }
0x74: {  	_ =	shalt  }
0x75: {  	_ =	shalt  }
0x76: {  	_ =	shalt  }
0x77: {  	_ =	shalt  }
0x78: {  	_ =	shalt  }
0x79: {  	_ =	shalt  }
0x7a: {  	_ =	shalt  }
0x7b: {  	_ =	shalt  }
0x7c: {  	_ =	shalt  }
0x7d: {  	_ =	shalt  }
0x7e: {  	_ =	shalt  }
0x7f: {  	_ =	shalt  }
0x80: {  	_ =	shalt  }
0x81: {  	_ =	shalt  }
0x82: {  	_ =	shalt  }
0x83: {  	_ =	shalt  }
0x84: {  	_ =	shalt  }
0x85: {  	_ =	shalt  }
0x86: {  	_ =	shalt  }
0x87: {  	_ =	shalt  }
.Lfunc_end0:
.L_simem_size_0:
called_computation_lowered:
.L_overlay_start_0:
0x88: {  	s2 =	sld [smem:$0x3FD9]  }
0x89: {  	s3 =	sld [smem:$0x3FFE];
	_ =	sdelay $0x1  }
0x8a: {  	s1 =	srdreg.scid  }
0x8b: {  	s0 =	sand.u32 $0x1, s1  }
0x8c: {  	s14 =	sshll.u32 s0, $0xA;
	s2 =	sadd.s32 s3, s2  }
0x8d: {  	s2 =	sadd.s32 s2, s14  }
0x8e: {  	[smem:$0x3FBC] =	sst s2  }
0x8f: {  	_ = 	snop  }
0x90: {  	s2 =	sld [smem:$0x3FD0];
	_ =	sdelay $0x2  }
0x91: {  	s15 =	simm.s32 $0xA;
	s4 =	simm.s32 $0x10  }
0x92: {  	[smem:s4], [sflag:s15] =	dma.local [hbm:s2], $0x1  }
0x93: {  	_ =	swait.eq [sflag:s15], $0x1  }
0x94: {  	[sflag:s15] =	ssyncset.done $0x0  }
0x95: {  	s16 =	sld [smem:$0x10];
	[sflag:s15] =	ssyncadd.s32 $0xFFFFFFFF  }
0x96: {  	s17 =	sld [smem:$0x11];
	(tm) =	ssettm $0x1  }
0x97: {  	s18 =	sld [smem:$0x3FFB];
	_ =	sdelay $0x3  }
0x98: {  	_ =	strace s18  }
0x99: {  	s4 =	sld [smem:$0x3FFC];
	_ =	sdelay $0x3  }
0x9a: {  	_ =	strace s4  }
0x9b: {  	s4 =	sld [smem:$0x3FFD];
	_ =	sdelay $0x3  }
0x9c: {  	_ =	strace s4  }
0x9d: {  	_ =	strace $0x8FFFFFFF  }
0x9e: {  	s19 =	sld [smem:$0x3FDB];
	_ =	sdelay $0x1  }
0x9f: {  	s5 =	simm.s32 $_scs_section_size  }
0xa0: {  	s6 =	simm.s32 $_size__tile_overlayer_lowered;
	s7 =	simm.s32 $_tile_overlayer_lowered  }
0xa1: {  	s22 =	simm.s32 $0x1BFF;
	s21 =	sshll.u32 s7, $0x1;
	s4 =	sadd.s32 s5, s19  }
0xa2: {  	s8 =	simm.s32 $0x0;
	s20 =	sshll.u32 s6, $0x1;
	s6 =	sadd.s32 s21, s4  }
0xa3: {  	[timem:s8], [sflag:s22] =	dma.local [hbm:s6], s20  }
0xa4: {  	_ =	swait.ge [sflag:s22], s20  }
0xa5: {  	s5 =	ssub.s32 $0x0, s20;
	[sflag:s22] =	ssyncset.done $0x0  }
0xa6: {  	[sflag:s22] =	ssyncadd.s32 s5;
	_ =	sdelay $0x1  }
0xa7: {  	s23 =	simm.s32 $0x1B8B  }
0xa8: {  	_ =	swait.ge [sflag:s23], $0x1  }
0xa9: {  	[sflag:s23] =	ssyncset.done $0x0  }
0xaa: {  	s25 =	simm.s32 $0x1B8E;
	s24 =	sld [smem:$0x3FFE];
	[sflag:s23] =	ssyncadd.s32 $0xFFFFFFFF  }
0xab: {  	s26 =	simm.s32 $execute0_lowered;
	[smem:$0x3FD2] =	sst s25  }
0xac: {  	s6 =	sshll.u32 s26, $0x1;
	_ =	strace $0x80000046;
	[dreg:$0x1] =	wrdreg $0xFFFFFFFF  }
0xad: {  	s28 =	simm.s32 $_size_execute0_lowered;
	s4 =	sadd.s32 s4, s6;
	[dreg:$0x0] =	wrdreg $0x0  }
0xae: {  	s6 =	sshll.u32 s28, $0x1;
	[dreg:$0x2] =	wrdreg s4  }
0xaf: {  	[dreg:$0x3] =	wrdreg s6  }
0xb0: {  	[dreg:$0x4] =	wrdreg $0xC0  }
0xb1: {  	_ =	task [dreg:s8], $0x5FFFF  }
0xb2: {  	[dreg:$0x1] =	wrdreg $0xFFFFFFFF  }
0xb3: {  	[dreg:$0x0] =	wrdreg $0x60  }
0xb4: {  	[dreg:$0x2] =	wrdreg s17  }
0xb5: {  	[dreg:$0x3] =	wrdreg s24  }
0xb6: {  	[dreg:$0x4] =	wrdreg s16  }
0xb7: {  	[dreg:$0x5] =	wrdreg $0x2A000  }
0xb8: {  	[dreg:$0x6] =	wrdreg $0x9  }
0xb9: {  	_ =	task.clear_ibuf [dreg:s8], $0x7FFFF;
	_ =	strace $0x90000046  }
0xba: {  	s29 =	simm.s32 $0x9;
	_ =	strace $0x80000048  }
0xbb: {  	_ =	swait.ge [sflag:s29], $0x1  }
0xbc: {  	[sflag:s29] =	ssyncadd.s32 $0xFFFFFFFF  }
0xbd: {  	_ =	strace $0x90000048  }
0xbe: {  	_ =	sfence  }
0xbf: {  	s30 =	sld [smem:$0x0];
	_ =	sdelay $0x2  }
0xc0: {  	s31 =	sshll.u32 s1, $0xD;
	s1 =	sshrl.u32 s1, $0x2  }
0xc1: {  	s3 =	sand.u32 $0x4000, s31;
	s1 =	sadd.s32 s1, s30  }
0xc2: {  	s0 =	sor.u32 s3, s0;
	s1 =	sshll.u32 s1, $0x11  }
0xc3: {  	s0 =	sor.u32 s1, s0  }
0xc4: {  	s0 =	sadd.s32 $0x8F2B, s0  }
0xc5: {  	[sflag:s0] =	ssyncadd.remote.s32 $0x1  }
0xc6: {  	_ =	sfence.sel $0xFFFF  }
0xc7: {  	[dreg:$0x0] =	wrdreg $0xFFFFFFFF;
	(pc) =	sbr.abs _section_cstart, $3  }
0xc8: {  	[dreg:$0x1] =	wrdreg $0xFFFFFFFF  }
0xc9: {  	_ =	task.clear_ibuf [dreg:s8], $0x2FFFF;
	_ =	strace $0x9FFFFFFF  }
0xca: {  	(tm) =	ssettm $0x7FFFFFFF  }
0xcb: {  	_ =	shalt  }
tec
execute0_lowered:
.L_overlay_start_1:
0x0: {  	(tag) =	ssettag $0x1  }
0x1: {  	s16 =	rddreg [dreg:$0x0]  }
0x2: {  	s6 =	rddreg [dreg:$0x1]  }
0x3: {  	s1 =	rddreg [dreg:$0x2]  }
0x4: {  	s0 =	srdreg.scid;
	s2 =	rddreg [dreg:$0x3]  }
0x5: {  	s17 =	stileid.u32;
	s3 =	simm.s32 $0x0;
	s19 =	simm.s32 $0x80  }
0x6: {  	s28 =	simm.s32 $0x4;
	s29 =	simm.s32 $0x0;
	s7 =	sand.u32 $0x1, s0  }
0x7: {  	[smem:$0x7FF] =	sst s3;
	s18 =	smul.u32 $0x1400, s17;
	p0 =	sne.s32 s17, $0x0  }
0x8: {  	s4 =	sshll.u32 s7, $0x4;
	_ =	strace $0x80000047;
	s9 =	smul.u32 $0x4E2, s7  }
0x9: {  	s10 =	ssub.s32 $0x2, s7;
	s13 =	smul.u32 $0x14000, s7;
	s4 =	sor.u32 s17, s4  }
0xa: {  	s11 =	sshrl.u32 s10, $0x1;
	s17 =	simm.s32 $0x200;
	s8 =	smul.u32 $0x1400, s4  }
0xb: {  	s4 =	sadd.s32 $0x7600, s6;
	s9 =	sadd.s32 s9, s6;
	s18 =	sadd.s32 s18, s13  }
0xc: {  	s10 =	ssub.s32 s10, s11;
	s7 =	sadd.s32 $0x7C00, s9;
	s24 =	sadd.s32 $0x480, s18  }
0xd: {  	s30 =	sadd.s32 $0x400, s18;
	s31 =	sor.u32 $0x380, s18;
	s18 =	sor.u32 $0x300, s18  }
0xe: {  	s5 =	sshrl.u32 s8, $0x3;
	s20 =	sor.u32 $0x100, s8;
	s12 =	sor.u32 $0x180, s8  }
0xf: {  	s14 =	sor.u32 $0x200, s8;
	s15 =	sor.u32 $0x280, s8;
	s8 =	smax.u32 s10, $0x1  }
0x10: {  	s26 =	sshrl.u32 s24, $0x3;
	s18 =	sshrl.u32 s18, $0x3;
	s24 =	simm.s32 $0x180  }
0x11: {  	s5 =	sadd.s32 s16, s5;
	s21 =	sshrl.u32 s20, $0x3;
	s22 =	sshrl.u32 s12, $0x3  }
0x12: {  	s23 =	sshrl.u32 s14, $0x3;
	s25 =	sshrl.u32 s15, $0x3;
	s13 =	sadd.s32 s26, s16  }
0x13: {  	s14 =	sshrl.u32 s30, $0x3;
	s15 =	sshrl.u32 s31, $0x3;
	s20 =	simm.s32 $0x1  }
.Ltmp0:
0x14: {  	s26 =	simm.s32 $0x3;
	s6 =	sadd.s32 $0x10, s5;
	(pc) =	sbr.rel .LBB2_1-.Ltmp0, $4  }
0x15: {  	s9 =	sadd.s32 s16, s21;
	s10 =	sadd.s32 s16, s22;
	s11 =	sadd.s32 s16, s23  }
0x16: {  	s12 =	sadd.s32 s16, s25;
	s14 =	sadd.s32 s14, s16;
	s15 =	sadd.s32 s15, s16  }
0x17: {  	s16 =	sadd.s32 s18, s16;
	s18 =	simm.s32 $0x7;
	s21 =	simm.s32 $0x100  }
0x18: {  	s22 =	simm.s32 $0x5;
	s23 =	simm.s32 $0x2;
	s25 =	simm.s32 $0x6  }
.LBB2_4:
0x19: {  	_ =	swait.ge [sflag:s22], $0x80  }
0x1a: {  	[sflag:s22] =	ssyncset.done $0x0  }
0x1b: {  	[sflag:s22] =	ssyncadd.s32 $0xFFFFFF80  }
0x1c: {  	_ =	swait.ge [sflag:s28], $0x80  }
0x1d: {  	[sflag:s28] =	ssyncset.done $0x0  }
0x1e: {  	[sflag:s28] =	ssyncadd.s32 $0xFFFFFF80  }
0x1f: {  	[spmem:s2] =	stream.indirect.scatter.add.f32 [tilespmem:s17], [sflag:$0x6], $0x1, s24, s19, $0xb8;
	[tilespmem:$0x2C78] =	vst v63  }
0x20: {  	_ =	swait.ge [sflag:s25], $0x80  }
0x21: {  	[sflag:s25] =	ssyncset.done $0x0  }
0x22: {  	[sflag:s25] =	ssyncadd.s32 $0xFFFFFF80  }
0x23: {  	s30 =	simm.s32 @!p0 $0x280;
	s31 =	simm.s32 @!p0 $0x7;
	[bflag:$0x0] =	sbarrier.arrive $0xFFFF  }
0x24: {  	[tilespmem:s30], [sflag:$0x7] =	stream.linear.gather @!p0 [spmem:s2], $0x2780, $0x38;
	[tilespmem:$0x2C78] =	vst v63  }
0x25: {  	s29 =	sadd.s32 $0x1, s29;
	_ =	swait.ge @!p0 [sflag:s31], $0x2780  }
0x26: {  	p1 =	sne.s32 s29, s8;
	[sflag:s31] =	ssyncset.done @!p0 $0x0  }
.Ltmp1:
0x27: {  	s0 =	simm.s32 @!p0 $0x0;
	[sflag:s31] =	ssyncadd.s32 @!p0 $0xFFFFD880;
	(pc) =	sbr.rel @!p1 .LBB2_5-.Ltmp1, $4  }
0x28: {  	[hbm4b:s7+s0] =	stream.linear.scatter @!p0 [tilespmem:s30], [sflag:$0x7], $0x2710, $0x38;
	[tilespmem:$0x2C78] =	vst v63  }
0x29: {  	_ =	swait.ge @!p0 [sflag:s31], $0x2710  }
0x2a: {  	[sflag:s31] =	ssyncset.done @!p0 $0x0  }
0x2b: {  	[sflag:s31] =	ssyncadd.s32 @!p0 $0xFFFFD8F0  }
.LBB2_1:
0x2c: {  	s30 =	simm.s32 @!p0 $0x0;
	s31 =	simm.s32 @!p0 $0x280  }
0x2d: {  	[tilespmem:s31], [sflag:$0x7] =	stream.linear.gather @!p0 [hbm4b:s4+s30], $0x2780, $0x38;
	[tilespmem:$0x2C78] =	vst v63  }
0x2e: {  	s30 =	simm.s32 @!p0 $0x7  }
0x2f: {  	_ =	swait.ge @!p0 [sflag:s30], $0x2780  }
0x30: {  	[sflag:s30] =	ssyncset.done @!p0 $0x0  }
0x31: {  	[sflag:s30] =	ssyncadd.s32 @!p0 $0xFFFFD880  }
0x32: {  	[spmem:s2] =	stream.linear.scatter @!p0 [tilespmem:s31], [sflag:$0x7], $0x2780, $0x38;
	[tilespmem:$0x2C78] =	vst v63  }
0x33: {  	_ =	swait.ge @!p0 [sflag:s30], $0x2780  }
0x34: {  	[sflag:s30] =	ssyncset.done @!p0 $0x0  }
0x35: {  	[sflag:s30] =	ssyncadd.s32 @!p0 $0xFFFFD880  }
0x36: {  	[tilespmem:s17], [sflag:$0x7] =	stream.linear.gather [hbm4b:s1+s3], $0x80, $0x38;
	[tilespmem:$0x2C78] =	vst v63  }
0x37: {  	_ =	swait.ge [sflag:s18], $0x80  }
0x38: {  	[sflag:s18] =	ssyncset.done $0x0  }
0x39: {  	[sflag:s18] =	ssyncadd.s32 $0xFFFFFF80  }
0x3a: {  	[bflag:$0x0] =	sbarrier.arrive $0xFFFF  }
0x3b: {  	[tilespmem:s3], [sflag:$0x1] =	stream.linear.gather [hbm4b:s5+s3], $0x80, $0x38;
	[tilespmem:$0x2C78] =	vst v63  }
0x3c: {  	_ = 	snop  }
0x3d: {  	[tilespmem:s19], [sflag:$0x2] =	stream.linear.gather [hbm4b:s6+s3], $0x80, $0x38;
	[tilespmem:$0x2C78] =	vst v63  }
0x3e: {  	_ =	swait.ge [sflag:s20], $0x80  }
0x3f: {  	[sflag:s20] =	ssyncset.done $0x0  }
0x40: {  	[sflag:s20] =	ssyncadd.s32 $0xFFFFFF80  }
0x41: {  	[spmem:s2] =	stream.indirect.scatter.add.f32 [tilespmem:s17], [sflag:$0x5], $0x1, s3, s19, $0xb8;
	[tilespmem:$0x2C78] =	vst v63  }
0x42: {  	_ = 	snop  }
0x43: {  	[tilespmem:s21], [sflag:$0x3] =	stream.linear.gather [hbm4b:s9+s3], $0x80, $0x38;
	[tilespmem:$0x2C78] =	vst v63  }
0x44: {  	_ =	swait.ge [sflag:s22], $0x80  }
0x45: {  	[sflag:s22] =	ssyncset.done $0x0  }
0x46: {  	[sflag:s22] =	ssyncadd.s32 $0xFFFFFF80  }
0x47: {  	_ =	swait.ge [sflag:s23], $0x80  }
0x48: {  	[sflag:s23] =	ssyncset.done $0x0  }
0x49: {  	[sflag:s23] =	ssyncadd.s32 $0xFFFFFF80  }
0x4a: {  	[spmem:s2] =	stream.indirect.scatter.add.f32 [tilespmem:s17], [sflag:$0x6], $0x1, s19, s19, $0xb8;
	[tilespmem:$0x2C78] =	vst v63  }
0x4b: {  	_ = 	snop  }
0x4c: {  	[tilespmem:s24], [sflag:$0x4] =	stream.linear.gather [hbm4b:s10+s3], $0x80, $0x38;
	[tilespmem:$0x2C78] =	vst v63  }
0x4d: {  	_ =	swait.ge [sflag:s25], $0x80  }
0x4e: {  	[sflag:s25] =	ssyncset.done $0x0  }
0x4f: {  	[sflag:s25] =	ssyncadd.s32 $0xFFFFFF80  }
0x50: {  	_ =	swait.ge [sflag:s26], $0x80  }
0x51: {  	[sflag:s26] =	ssyncset.done $0x0  }
0x52: {  	[sflag:s26] =	ssyncadd.s32 $0xFFFFFF80  }
0x53: {  	[spmem:s2] =	stream.indirect.scatter.add.f32 [tilespmem:s17], [sflag:$0x5], $0x1, s21, s19, $0xb8;
	[tilespmem:$0x2C78] =	vst v63  }
0x54: {  	_ = 	snop  }
0x55: {  	[tilespmem:s3], [sflag:$0x1] =	stream.linear.gather [hbm4b:s11+s3], $0x80, $0x38;
	[tilespmem:$0x2C78] =	vst v63  }
0x56: {  	_ =	swait.ge [sflag:s22], $0x80  }
0x57: {  	[sflag:s22] =	ssyncset.done $0x0  }
0x58: {  	[sflag:s22] =	ssyncadd.s32 $0xFFFFFF80  }
0x59: {  	_ =	swait.ge [sflag:s28], $0x80  }
0x5a: {  	[sflag:s28] =	ssyncset.done $0x0  }
0x5b: {  	[sflag:s28] =	ssyncadd.s32 $0xFFFFFF80  }
0x5c: {  	[spmem:s2] =	stream.indirect.scatter.add.f32 [tilespmem:s17], [sflag:$0x6], $0x1, s24, s19, $0xb8;
	[tilespmem:$0x2C78] =	vst v63  }
0x5d: {  	s30 =	simm.s32 $0x0  }
0x5e: {  	[tilespmem:s19], [sflag:$0x2] =	stream.linear.gather [hbm4b:s12+s3], $0x80, $0x38;
	[tilespmem:$0x2C78] =	vst v63  }
.LBB2_2:
0x5f: {  	_ =	swait.ge [sflag:s25], $0x80  }
0x60: {  	[sflag:s25] =	ssyncset.done $0x0  }
0x61: {  	[sflag:s25] =	ssyncadd.s32 $0xFFFFFF80  }
0x62: {  	_ =	swait.ge [sflag:s20], $0x80  }
0x63: {  	[sflag:s20] =	ssyncset.done $0x0  }
0x64: {  	[sflag:s20] =	ssyncadd.s32 $0xFFFFFF80  }
0x65: {  	[spmem:s2] =	stream.indirect.scatter.add.f32 [tilespmem:s17], [sflag:$0x5], $0x1, s3, s19, $0xb8;
	[tilespmem:$0x2C78] =	vst v63  }
0x66: {  	s31 =	sadd.s32 s30, s16  }
0x67: {  	[tilespmem:s21], [sflag:$0x3] =	stream.linear.gather [hbm4b:s31+s3], $0x80, $0x38;
	[tilespmem:$0x2C78] =	vst v63  }
0x68: {  	_ =	swait.ge [sflag:s22], $0x80  }
0x69: {  	[sflag:s22] =	ssyncset.done $0x0  }
0x6a: {  	[sflag:s22] =	ssyncadd.s32 $0xFFFFFF80  }
0x6b: {  	_ =	swait.ge [sflag:s23], $0x80  }
0x6c: {  	[sflag:s23] =	ssyncset.done $0x0  }
0x6d: {  	[sflag:s23] =	ssyncadd.s32 $0xFFFFFF80  }
0x6e: {  	[spmem:s2] =	stream.indirect.scatter.add.f32 [tilespmem:s17], [sflag:$0x6], $0x1, s19, s19, $0xb8;
	[tilespmem:$0x2C78] =	vst v63  }
0x6f: {  	s0 =	sadd.s32 s30, s15  }
0x70: {  	[tilespmem:s24], [sflag:$0x4] =	stream.linear.gather [hbm4b:s0+s3], $0x80, $0x38;
	[tilespmem:$0x2C78] =	vst v63  }
0x71: {  	_ =	swait.ge [sflag:s25], $0x80  }
0x72: {  	p1 =	seq.s32 s30, $0x200;
	[sflag:s25] =	ssyncset.done $0x0  }
.Ltmp2:
0x73: {  	[sflag:s25] =	ssyncadd.s32 $0xFFFFFF80;
	(pc) =	sbr.rel @p1 .LBB2_4-.Ltmp2, $4  }
0x74: {  	_ =	swait.ge [sflag:s26], $0x80  }
0x75: {  	[sflag:s26] =	ssyncset.done $0x0  }
0x76: {  	[sflag:s26] =	ssyncadd.s32 $0xFFFFFF80  }
0x77: {  	[spmem:s2] =	stream.indirect.scatter.add.f32 [tilespmem:s17], [sflag:$0x5], $0x1, s21, s19, $0xb8;
	[tilespmem:$0x2C78] =	vst v63  }
0x78: {  	s31 =	sadd.s32 s30, s14  }
0x79: {  	[tilespmem:s3], [sflag:$0x1] =	stream.linear.gather [hbm4b:s31+s3], $0x80, $0x38;
	[tilespmem:$0x2C78] =	vst v63  }
0x7a: {  	_ =	swait.ge [sflag:s22], $0x80  }
0x7b: {  	[sflag:s22] =	ssyncset.done $0x0  }
0x7c: {  	[sflag:s22] =	ssyncadd.s32 $0xFFFFFF80  }
0x7d: {  	_ =	swait.ge [sflag:s28], $0x80  }
.Ltmp3:
0x7e: {  	[sflag:s28] =	ssyncset.done $0x0;
	(pc) =	sbr.rel .LBB2_2-.Ltmp3, $4  }
0x7f: {  	[sflag:s28] =	ssyncadd.s32 $0xFFFFFF80  }
0x80: {  	[spmem:s2] =	stream.indirect.scatter.add.f32 [tilespmem:s17], [sflag:$0x6], $0x1, s24, s19, $0xb8;
	[tilespmem:$0x2C78] =	vst v63  }
0x81: {  	s0 =	sadd.s32 s30, s13;
	s30 =	sadd.s32 $0x40, s30  }
0x82: {  	[tilespmem:s19], [sflag:$0x2] =	stream.linear.gather [hbm4b:s0+s3], $0x80, $0x38;
	[tilespmem:$0x2C78] =	vst v63  }
.LBB2_5:
0x83: {  	_ =	sfence.sel $0x180000  }
0x84: {  	[bflag:$0x0] =	sbarrier.arrive $0xFFFF  }
0x85: {  	_ =	strace $0x90000047  }
0x86: {  	[bflag:$0x2] =	sbarrier.arrive $0xFFFF  }
0x87: {  	s0 =	rddreg [dreg:$0x4]  }
0x88: {  	s0 =	sadd.s32 @!p0 $0x100000, s0  }
0x89: {  	[sflag:s0] =	ssyncadd.tile.s32 @!p0 $0x1;
	_ =	shalt  }
.Lfunc_end2:
_tile_overlayer_lowered:
.L_overlay_start_2:
0x8a: {  	(tag) =	ssettag $0x2  }
0x8b: {  	s0 =	rddreg [dreg:$0x0];
	s2 =	stileid.u32  }
0x8c: {  	s1 =	rddreg [dreg:$0x1];
	p0 =	sne.s32 s2, $0x0  }
0x8d: {  	s3 =	rddreg [dreg:$0x2];
	[bflag:$0x3] =	sbarrier.arrive $0xFFFF;
	s2 =	simm.s32 @!p0 $0x1C07  }
0x8e: {  	[timem:s3], [sflag:s2] =	dma.local @!p0 [hbm:s0], s1  }
0x8f: {  	s0 =	simm.s32 @!p0 $0x7  }
0x90: {  	_ =	swait.ge @!p0 [sflag:s0], s1  }
0x91: {  	s1 =	ssub.s32 @!p0 $0x0, s1;
	[sflag:s0] =	ssyncset.done @!p0 $0x0  }
0x92: {  	[sflag:s0] =	ssyncadd.s32 @!p0 s1  }
0x93: {  	[bflag:$0x3] =	sbarrier.arrive $0xFFFF  }
0x94: {  	_ =	shalt  }

// kernel: kernel.13.cloned.1.call-start
scs
__scs_entry_jumppad:
0x0: {  	(pc) =	sbr.rel $0x88, $3  }
0x1: {  	(tag) =	ssettag $0x0;
	lr =	simm.s32 $0x1  }
0x2: {  	[smem:$0x3F95] =	sst lr;
	_ =	strace $0xD0000000  }
0x3: {  	_ = 	snop  }
0x4: {  	_ = 	snop  }
0x5: {  	_ = 	snop  }
0x6: {  	_ = 	snop  }
0x7: {  	_ = 	snop  }
__scs_overlays_trampoline_lowered:
0x8: {  	[smem:$0x3FA4] =	sst s0  }
0x9: {  	[smem:$0x3FA5] =	sst s1  }
0xa: {  	[smem:$0x3FA6] =	sst s2  }
0xb: {  	[smem:$0x3FA7] =	sst s3  }
0xc: {  	[smem:$0x3FA8] =	sst s4  }
0xd: {  	[smem:$0x3FA9] =	sst s5  }
0xe: {  	[smem:$0x3FAA] =	sst s6  }
0xf: {  	[smem:$0x3FAB] =	sst s7  }
0x10: {  	[smem:$0x3FAC] =	sst s8  }
0x11: {  	[smem:$0x3FAD] =	sst s9;
	s0 =	simm.s32 @!p0 $0x0  }
0x12: {  	s1 =	sld [smem:$0x3F93];
	s0 =	simm.s32 @p0 $0x1  }
0x13: {  	[smem:$0x3FAE] =	sst s0;
	s0 =	simm.s32 @!p1 $0x0  }
0x14: {  	s2 =	sld [smem:$0x3F92];
	s0 =	simm.s32 @p1 $0x1  }
0x15: {  	[smem:$0x3FAF] =	sst s0;
	s0 =	simm.s32 @!p2 $0x0  }
0x16: {  	s3 =	sld [smem:$0x3FDB];
	s0 =	simm.s32 @p2 $0x1  }
0x17: {  	s4 =	simm.s32 $0x1BF5;
	[smem:$0x3FB1] =	sst s0  }
0x18: {  	s0 =	sld [smem:$0x3F94];
	_ =	swait.ge [sflag:s4], $0x0  }
0x19: {  	s7 =	sld [smem:$0x3F95]  }
0x1a: {  	s8 =	sadd.s32 $0xFFFFE003, lr  }
0x1b: {  	s9 =	sadd.s32 $0xFFFFFEF7, lr;
	s5 =	simm.s32 $0xFFFFFFFF;
	p2 =	slt.u32 s8, $0xFFFFF086  }
0x1c: {  	p1 =	slt.u32 s9, $0xF7A;
	s5 =	simm.s32 @!p2 $0x0  }
0x1d: {  	s5 =	simm.s32 @p1 $0x1;
	p0 =	seq.s32 s7, s2  }
0x1e: {  	s7 =	smul.u32 @!p0 $0xF7A, s2;
	p2 =	seq.s32 @!p0 s5, $0x0  }
0x1f: {  	s9 =	smul.u32 $0xF7A, s1;
	s8 =	simm.s32 @!p0 $0x1BF5;
	p2 =	por !p2, p0  }
0x20: {  	[sflag:s8] =	ssyncset.s32 @!p0 $0xFFFFF086;
	s6 =	sadd.s32 @!p0 s3, s7;
	s7 =	simm.s32 @!p0 $0x108  }
0x21: {  	s3 =	sadd.s32 s3, s9;
	s6 =	sadd.s32 @!p0 $0x88, s6;
	s7 =	simm.s32 @p2 $0x1082  }
0x22: {  	[simem:s7], [sflag:s8] =	dma.local @!p0 [hbm:s6], $0xF7A  }
0x23: {  	s9 =	sor.u32 $0xD0000000, s2;
	s6 =	simm.s32 $0x108;
	_ =	swait.ge @!p0 [sflag:s8], $0x0  }
0x24: {  	s3 =	sadd.s32 $0x88, s3;
	s6 =	simm.s32 @!p1 $0x1082;
	[sflag:s4] =	ssyncset.s32 $0xFFFFF086  }
0x25: {  	[simem:s6], [sflag:s4] =	dma.local [hbm:s3], $0xF7A  }
0x26: {  	[smem:$0x3F95] =	sst s1;
	(tag) =	ssettag s2;
	_ =	strace s9  }
0x27: {  	s1 =	sld [smem:$0x3FA5]  }
0x28: {  	s2 =	sld [smem:$0x3FA6]  }
0x29: {  	s4 =	sld [smem:$0x3FA8]  }
0x2a: {  	p0 =	seq.s32 s5, $0x0;
	s5 =	sld [smem:$0x3FA9]  }
0x2b: {  	s6 =	sld [smem:$0x3FAA]  }
0x2c: {  	s7 =	sld [smem:$0x3FAB]  }
0x2d: {  	s3 =	simm.s32 $0x108;
	s8 =	sld [smem:$0x3FAC]  }
0x2e: {  	s3 =	simm.s32 @!p0 $0x1082;
	s9 =	sld [smem:$0x3FAD]  }
0x2f: {  	lr =	sadd.s32 s0, s3;
	s0 =	sld [smem:$0x3FA4]  }
0x30: {  	s3 =	sld [smem:$0x3FA7]  }
0x31: {  	[smem:$0x3FB0] =	sst s10  }
0x32: {  	s10 =	sld [smem:$0x3FAE];
	_ =	sdelay $0x3  }
0x33: {  	p0 =	seq.s32 s10, $0x1;
	s10 =	sld [smem:$0x3FB0];
	_ =	sdelay $0x3  }
0x34: {  	[smem:$0x3FB0] =	sst s10  }
0x35: {  	s10 =	sld [smem:$0x3FAF];
	_ =	sdelay $0x3  }
0x36: {  	p1 =	seq.s32 s10, $0x1;
	s10 =	sld [smem:$0x3FB0];
	_ =	sdelay $0x3  }
0x37: {  	[smem:$0x3FB0] =	sst s10  }
0x38: {  	s10 =	sld [smem:$0x3FB1]  }
0x39: {  	_ = 	snop;
	(pc) =	sbr.ind lr, $3  }
0x3a: {  	_ = 	snop  }
0x3b: {  	_ = 	snop  }
0x3c: {  	p2 =	seq.s32 s10, $0x1;
	s10 =	sld [smem:$0x3FB0]  }
0x3d: {  	_ =	shalt  }
0x3e: {  	_ =	shalt  }
0x3f: {  	_ =	shalt  }
0x40: {  	_ =	shalt  }
0x41: {  	_ =	shalt  }
0x42: {  	_ =	shalt  }
0x43: {  	_ =	shalt  }
0x44: {  	_ =	shalt  }
0x45: {  	_ =	shalt  }
0x46: {  	_ =	shalt  }
0x47: {  	_ =	shalt  }
0x48: {  	_ =	shalt  }
0x49: {  	_ =	shalt  }
0x4a: {  	_ =	shalt  }
0x4b: {  	_ =	shalt  }
0x4c: {  	_ =	shalt  }
0x4d: {  	_ =	shalt  }
0x4e: {  	_ =	shalt  }
0x4f: {  	_ =	shalt  }
0x50: {  	_ =	shalt  }
0x51: {  	_ =	shalt  }
0x52: {  	_ =	shalt  }
0x53: {  	_ =	shalt  }
0x54: {  	_ =	shalt  }
0x55: {  	_ =	shalt  }
0x56: {  	_ =	shalt  }
0x57: {  	_ =	shalt  }
0x58: {  	_ =	shalt  }
0x59: {  	_ =	shalt  }
0x5a: {  	_ =	shalt  }
0x5b: {  	_ =	shalt  }
0x5c: {  	_ =	shalt  }
0x5d: {  	_ =	shalt  }
0x5e: {  	_ =	shalt  }
0x5f: {  	_ =	shalt  }
0x60: {  	_ =	shalt  }
0x61: {  	_ =	shalt  }
0x62: {  	_ =	shalt  }
0x63: {  	_ =	shalt  }
0x64: {  	_ =	shalt  }
0x65: {  	_ =	shalt  }
0x66: {  	_ =	shalt  }
0x67: {  	_ =	shalt  }
0x68: {  	_ =	shalt  }
0x69: {  	_ =	shalt  }
0x6a: {  	_ =	shalt  }
0x6b: {  	_ =	shalt  }
0x6c: {  	_ =	shalt  }
0x6d: {  	_ =	shalt  }
0x6e: {  	_ =	shalt  }
0x6f: {  	_ =	shalt  }
0x70: {  	_ =	shalt  }
0x71: {  	_ =	shalt  }
0x72: {  	_ =	shalt  }
0x73: {  	_ =	shalt  }
0x74: {  	_ =	shalt  }
0x75: {  	_ =	shalt  }
0x76: {  	_ =	shalt  }
0x77: {  	_ =	shalt  }
0x78: {  	_ =	shalt  }
0x79: {  	_ =	shalt  }
0x7a: {  	_ =	shalt  }
0x7b: {  	_ =	shalt  }
0x7c: {  	_ =	shalt  }
0x7d: {  	_ =	shalt  }
0x7e: {  	_ =	shalt  }
0x7f: {  	_ =	shalt  }
0x80: {  	_ =	shalt  }
0x81: {  	_ =	shalt  }
0x82: {  	_ =	shalt  }
0x83: {  	_ =	shalt  }
0x84: {  	_ =	shalt  }
0x85: {  	_ =	shalt  }
0x86: {  	_ =	shalt  }
0x87: {  	_ =	shalt  }
.Lfunc_end0:
.L_simem_size_0:
called_computation.1_lowered:
.L_overlay_start_0:
0x88: {  	s2 =	sld [smem:$0x3FD9]  }
0x89: {  	s3 =	sld [smem:$0x3FFE];
	_ =	sdelay $0x1  }
0x8a: {  	s1 =	srdreg.scid  }
0x8b: {  	s0 =	sand.u32 $0x1, s1  }
0x8c: {  	s14 =	sshll.u32 s0, $0xA;
	s2 =	sadd.s32 s3, s2  }
0x8d: {  	s2 =	sadd.s32 s2, s14  }
0x8e: {  	[smem:$0x3FBC] =	sst s2  }
0x8f: {  	_ = 	snop  }
0x90: {  	s2 =	sld [smem:$0x3FD0];
	_ =	sdelay $0x2  }
0x91: {  	s15 =	simm.s32 $0xA;
	s4 =	simm.s32 $0x10  }
0x92: {  	[smem:s4], [sflag:s15] =	dma.local [hbm:s2], $0x1  }
0x93: {  	_ =	swait.eq [sflag:s15], $0x1  }
0x94: {  	[sflag:s15] =	ssyncset.done $0x0  }
0x95: {  	[sflag:s15] =	ssyncadd.s32 $0xFFFFFFFF  }
0x96: {  	s16 =	sld [smem:$0x11];
	(tm) =	ssettm $0x1  }
0x97: {  	s17 =	sld [smem:$0x3FFB];
	_ =	sdelay $0x3  }
0x98: {  	_ =	strace s17  }
0x99: {  	s3 =	sld [smem:$0x3FFC];
	_ =	sdelay $0x3  }
0x9a: {  	_ =	strace s3  }
0x9b: {  	s3 =	sld [smem:$0x3FFD];
	_ =	sdelay $0x3  }
0x9c: {  	_ =	strace s3  }
0x9d: {  	_ =	strace $0x8FFFFFFF  }
0x9e: {  	s18 =	sld [smem:$0x3FDB];
	_ =	sdelay $0x1  }
0x9f: {  	s19 =	simm.s32 $_scs_section_size  }
0xa0: {  	s5 =	simm.s32 $_size__tile_overlayer_lowered;
	s6 =	simm.s32 $_tile_overlayer_lowered  }
0xa1: {  	s22 =	simm.s32 $0x1BFF;
	s21 =	sshll.u32 s6, $0x1;
	s3 =	sadd.s32 s19, s18  }
0xa2: {  	s7 =	simm.s32 $0x0;
	s20 =	sshll.u32 s5, $0x1;
	s5 =	sadd.s32 s21, s3  }
0xa3: {  	[timem:s7], [sflag:s22] =	dma.local [hbm:s5], s20  }
0xa4: {  	_ =	swait.ge [sflag:s22], s20  }
0xa5: {  	s4 =	ssub.s32 $0x0, s20;
	[sflag:s22] =	ssyncset.done $0x0  }
0xa6: {  	[sflag:s22] =	ssyncadd.s32 s4;
	_ =	sdelay $0x1  }
0xa7: {  	s23 =	simm.s32 $0x1B8B  }
0xa8: {  	_ =	swait.ge [sflag:s23], $0x1  }
0xa9: {  	[sflag:s23] =	ssyncset.done $0x0  }
0xaa: {  	s25 =	simm.s32 $0x1B8E;
	s24 =	sld [smem:$0x3FFE];
	[sflag:s23] =	ssyncadd.s32 $0xFFFFFFFF  }
0xab: {  	s26 =	simm.s32 $execute0_lowered;
	[smem:$0x3FD2] =	sst s25  }
0xac: {  	s5 =	sshll.u32 s26, $0x1;
	_ =	strace $0x80000049;
	[dreg:$0x1] =	wrdreg $0xFFFFFFFF  }
0xad: {  	s28 =	simm.s32 $_size_execute0_lowered;
	s3 =	sadd.s32 s3, s5;
	[dreg:$0x0] =	wrdreg $0x0  }
0xae: {  	s5 =	sshll.u32 s28, $0x1;
	[dreg:$0x2] =	wrdreg s3  }
0xaf: {  	[dreg:$0x3] =	wrdreg s5  }
0xb0: {  	[dreg:$0x4] =	wrdreg $0xC0  }
0xb1: {  	_ =	task [dreg:s7], $0x5FFFF  }
0xb2: {  	[dreg:$0x1] =	wrdreg $0xFFFFFFFF  }
0xb3: {  	[dreg:$0x0] =	wrdreg $0x60  }
0xb4: {  	[dreg:$0x2] =	wrdreg s24  }
0xb5: {  	[dreg:$0x3] =	wrdreg s16  }
0xb6: {  	[dreg:$0x4] =	wrdreg $0x83000  }
0xb7: {  	[dreg:$0x5] =	wrdreg $0x9  }
0xb8: {  	_ =	task.clear_ibuf [dreg:s7], $0x6FFFF;
	_ =	strace $0x90000049  }
0xb9: {  	s29 =	simm.s32 $0x9;
	_ =	strace $0x8000004B  }
0xba: {  	_ =	swait.ge [sflag:s29], $0x1  }
0xbb: {  	[sflag:s29] =	ssyncadd.s32 $0xFFFFFFFF  }
0xbc: {  	_ =	strace $0x9000004B  }
0xbd: {  	_ =	sfence  }
0xbe: {  	s30 =	sld [smem:$0x0];
	_ =	sdelay $0x2  }
0xbf: {  	s31 =	sshll.u32 s1, $0xD;
	s1 =	sshrl.u32 s1, $0x2  }
0xc0: {  	s3 =	sand.u32 $0x4000, s31;
	s1 =	sadd.s32 s1, s30  }
0xc1: {  	s0 =	sor.u32 s3, s0;
	s1 =	sshll.u32 s1, $0x11  }
0xc2: {  	s0 =	sor.u32 s1, s0  }
0xc3: {  	s0 =	sadd.s32 $0x8F2B, s0  }
0xc4: {  	[sflag:s0] =	ssyncadd.remote.s32 $0x1  }
0xc5: {  	_ =	sfence.sel $0xFFFF  }
0xc6: {  	[dreg:$0x0] =	wrdreg $0xFFFFFFFF;
	(pc) =	sbr.abs _section_cstart, $3  }
0xc7: {  	[dreg:$0x1] =	wrdreg $0xFFFFFFFF  }
0xc8: {  	_ =	task.clear_ibuf [dreg:s7], $0x2FFFF;
	_ =	strace $0x9FFFFFFF  }
0xc9: {  	(tm) =	ssettm $0x7FFFFFFF  }
tec
execute0_lowered:
.L_overlay_start_1:
0x0: {  	(tag) =	ssettag $0x1  }
0x1: {  	s0 =	rddreg [dreg:$0x0]  }
0x2: {  	s4 =	rddreg [dreg:$0x1]  }
0x3: {  	s1 =	rddreg [dreg:$0x2];
	s2 =	simm.s32 $0x0  }
0x4: {  	s3 =	srdreg.scid;
	s5 =	stileid.u32;
	s28 =	simm.s32 $0x7  }
0x5: {  	s29 =	simm.s32 $0x2;
	s30 =	simm.s32 $0x4300;
	s6 =	smul.u32 $0x4E000, s5  }
0x6: {  	s31 =	simm.s32 $0x3;
	[smem:$0x7FF] =	sst s2;
	s11 =	smul.u32 $0x2700, s5  }
0x7: {  	s7 =	sand.u32 $0x1, s3;
	s3 =	sadd.s32 $0x7600, s0;
	s14 =	smul.u32 $0x2800, s5  }
0x8: {  	s9 =	sadd.s32 $0xA4A00, s0;
	s0 =	sadd.s32 $0x2600, s0;
	s26 =	smul.u32 $0x13800, s5  }
0x9: {  	s20 =	sshll.u32 s5, $0x6;
	s22 =	sadd.s32 $0x138000, s1;
	s18 =	smul.u32 $0x500, s5  }
0xa: {  	p0 =	sne.s32 s5, $0x0;
	s5 =	simm.s32 $0x9;
	s8 =	smul.u32 $0x2AF80, s7  }
0xb: {  	_ =	strace $0x8000004A;
	s10 =	ssub.s32 $0x2, s7;
	s13 =	smul.u32 $0x157C00, s7  }
0xc: {  	s19 =	smul.u32 $0x28000, s7;
	s15 =	sor.u32 $0x1C0B, s20;
	[dreg:$0x7] =	wrdreg s22  }
0xd: {  	s7 =	smul.u32 $0x138800, s7;
	s12 =	sshrl.u32 s10, $0x1;
	s6 =	sshrl.u32 s6, $0x2  }
0xe: {  	s25 =	sshrl.u32 s14, $0x3;
	[dreg:$0x6] =	wrdreg s15;
	s10 =	ssub.s32 s10, s12  }
0xf: {  	s8 =	sadd.s32 s11, s8;
	s6 =	sadd.s32 s6, s1;
	s23 =	sshrl.u32 s13, $0x3  }
0x10: {  	s11 =	sadd.s32 s14, s19;
	s14 =	sadd.s32 s0, s25;
	s17 =	sadd.s32 s26, s7  }
0x11: {  	s7 =	sshrl.u32 s7, $0x3;
	[dreg:$0x4] =	wrdreg s6;
	s21 =	sadd.s32 s3, s8  }
0x12: {  	s8 =	sadd.s32 s3, s23;
	s12 =	sshrl.u32 s11, $0x3;
	[dreg:$0xa] =	wrdreg s14  }
0x13: {  	s16 =	sadd.s32 $0x10, s14;
	s7 =	sadd.s32 s4, s7;
	s20 =	sor.u32 $0x200, s11  }
0x14: {  	s23 =	sor.u32 $0x180, s11;
	s25 =	sor.u32 $0x280, s11;
	s14 =	simm.s32 $0xB  }
0x15: {  	[dreg:$0x5] =	wrdreg s21;
	s24 =	sadd.s32 s9, s12;
	s8 =	sadd.s32 $0x27000, s8  }
0x16: {  	[dreg:$0xc] =	wrdreg s16;
	s19 =	sadd.s32 $0x27000, s7;
	s21 =	smax.u32 s10, $0x1  }
0x17: {  	s16 =	sadd.s32 s18, s0;
	s22 =	sshrl.u32 s20, $0x3;
	s0 =	sshrl.u32 s23, $0x3  }
0x18: {  	s26 =	sshrl.u32 s25, $0x3;
	s23 =	simm.s32 $0x80;
	[dreg:$0x9] =	wrdreg s8  }
0x19: {  	s25 =	simm.s32 $0x1;
	s7 =	simm.s32 $0x4;
	[dreg:$0x8] =	wrdreg s24  }
0x1a: {  	s12 =	simm.s32 $0x5;
	s10 =	simm.s32 $0x0;
	[dreg:$0xe] =	wrdreg s19  }
0x1b: {  	s6 =	sadd.s32 $0x10, s24;
	s8 =	sshrl.u32 s17, $0x3;
	[dreg:$0xf] =	wrdreg s21  }
0x1c: {  	s17 =	sadd.s32 s22, s9;
	s24 =	sor.u32 $0x100, s11;
	s18 =	sadd.s32 s0, s9  }
.Ltmp0:
0x1d: {  	s20 =	sadd.s32 s26, s9;
	s22 =	simm.s32 $0x100;
	(pc) =	sbr.rel .LBB2_1-.Ltmp0, $4  }
0x1e: {  	s26 =	simm.s32 $0x300;
	s0 =	simm.s32 $0x200;
	s11 =	simm.s32 $0xA  }
0x1f: {  	[dreg:$0xb] =	wrdreg s6;
	s4 =	sadd.s32 s4, s8;
	s8 =	simm.s32 $0x6  }
0x20: {  	[dreg:$0xd] =	wrdreg s4;
	s4 =	sshrl.u32 s24, $0x3;
	s24 =	simm.s32 $0x180  }
0x21: {  	s19 =	sadd.s32 s4, s9;
	s4 =	simm.s32 $0x8;
	s9 =	simm.s32 $0x280  }
.LBB2_4:
0x22: {  	_ =	swait.ge [sflag:s11], $0x4000  }
0x23: {  	[sflag:s11] =	ssyncset.done $0x0  }
0x24: {  	[sflag:s11] =	ssyncadd.s32 $0xFFFFC000  }
0x25: {  	[bflag:$0x0] =	sbarrier.arrive $0xFFFF  }
0x26: {  	s15 =	rddreg [dreg:$0x6]  }
0x27: {  	s6 =	rddreg [dreg:$0xd]  }
0x28: {  	s14 =	simm.s32 $0xB;
	s13 =	rddreg [dreg:$0x10]  }
0x29: {  	[hbm:s6], [sflag:s15] =	dma.local [spmem:s13], $0x2700  }
0x2a: {  	_ =	swait.ge [sflag:s14], $0x2700  }
0x2b: {  	[sflag:s14] =	ssyncset.done $0x0;
	s6 =	rddreg [dreg:$0xe]  }
0x2c: {  	s13 =	rddreg [dreg:$0x11];
	[sflag:s14] =	ssyncadd.s32 $0xFFFFD900  }
0x2d: {  	[hbm:s6], [sflag:s15] =	dma.local @!p0 [spmem:s13], $0x100  }
0x2e: {  	s6 =	simm.s32 @!p0 $0xB  }
0x2f: {  	_ =	swait.ge @!p0 [sflag:s6], $0x100  }
0x30: {  	s10 =	sadd.s32 $0x1, s10;
	s21 =	rddreg [dreg:$0xf]  }
0x31: {  	p1 =	sne.s32 s10, s21  }
.Ltmp1:
0x32: {  	_ = 	snop;
	(pc) =	sbr.rel @!p1 .LBB2_5-.Ltmp1, $3  }
0x33: {  	_ =	sdelay $0x1  }
0x34: {  	[sflag:s6] =	ssyncset.done @!p0 $0x0  }
0x35: {  	[sflag:s6] =	ssyncadd.s32 @!p0 $0xFFFFFF00  }
.LBB2_1:
0x36: {  	s6 =	rddreg [dreg:$0x4]  }
0x37: {  	s21 =	rddreg [dreg:$0x5];
	s13 =	sshrl.u32 s6, $0x3  }
0x38: {  	[dreg:$0x10] =	wrdreg s13  }
0x39: {  	[spmem:s13], [sflag:s15] =	dma.local [hbm:s21], $0x2700  }
0x3a: {  	_ =	swait.ge [sflag:s14], $0x2700  }
0x3b: {  	s6 =	rddreg [dreg:$0x7]  }
0x3c: {  	[sflag:s14] =	ssyncset.done $0x0;
	s13 =	sshrl.u32 @!p0 s6, $0x3;
	s6 =	rddreg [dreg:$0x9]  }
0x3d: {  	[sflag:s14] =	ssyncadd.s32 $0xFFFFD900;
	[dreg:$0x11] =	wrdreg s13  }
0x3e: {  	[spmem:s13], [sflag:s15] =	dma.local @!p0 [hbm:s6], $0x100  }
0x3f: {  	s15 =	simm.s32 @!p0 $0xB  }
0x40: {  	_ =	swait.ge @!p0 [sflag:s15], $0x100  }
0x41: {  	[sflag:s15] =	ssyncset.done @!p0 $0x0  }
0x42: {  	[sflag:s15] =	ssyncadd.s32 @!p0 $0xFFFFFF00  }
0x43: {  	[bflag:$0x0] =	sbarrier.arrive $0xFFFF  }
0x44: {  	s13 =	rddreg [dreg:$0x8]  }
0x45: {  	[tilespmem:s2], [sflag:$0x1] =	stream.linear.gather [hbm4b:s13+s2], $0x80, $0x38;
	[tilespmem:$0x1BB80] =	vst v63  }
0x46: {  	s14 =	rddreg [dreg:$0xa]  }
0x47: {  	[tilespmem:s22], [sflag:$0x3] =	stream.linear.gather [hbm4b:s14+s2], $0x80, $0x38;
	[tilespmem:$0x1BB80] =	vst v63  }
0x48: {  	s15 =	rddreg [dreg:$0xb]  }
0x49: {  	[tilespmem:s23], [sflag:$0x2] =	stream.linear.gather [hbm4b:s15+s2], $0x80, $0x38;
	[tilespmem:$0x1BB80] =	vst v63  }
0x4a: {  	s21 =	rddreg [dreg:$0xc]  }
0x4b: {  	[tilespmem:s24], [sflag:$0x4] =	stream.linear.gather [hbm4b:s21+s2], $0x80, $0x38;
	[tilespmem:$0x1BB80] =	vst v63  }
0x4c: {  	_ =	swait.ge [sflag:s25], $0x80  }
0x4d: {  	[sflag:s25] =	ssyncset.done $0x0  }
0x4e: {  	s15 =	simm.s32 $0x0;
	[sflag:s25] =	ssyncadd.s32 $0xFFFFFF80  }
0x4f: {  	[tilespmem:s26], [sflag:$0x7] =	stream.indirect.gather [hbm4b:s3+s23], $0x80, s2, s23, $0xb8;
	[tilespmem:$0x1BB80] =	vst v63  }
.LBB2_2:
0x50: {  	_ =	swait.ge [sflag:s28], $0x4000  }
0x51: {  	p1 =	seq.s32 s15, $0x0;
	[sflag:s28] =	ssyncset.done $0x0  }
0x52: {  	s21 =	simm.s32 @!p1 $0xA;
	[sflag:s28] =	ssyncadd.s32 $0xFFFFC000  }
0x53: {  	_ =	swait.ge @!p1 [sflag:s21], $0x4000  }
0x54: {  	[sflag:s21] =	ssyncset.done @!p1 $0x0  }
0x55: {  	[sflag:s21] =	ssyncadd.s32 @!p1 $0xFFFFC000  }
0x56: {  	_ =	swait.ge [sflag:s29], $0x80  }
0x57: {  	[sflag:s29] =	ssyncset.done $0x0  }
0x58: {  	[sflag:s29] =	ssyncadd.s32 $0xFFFFFF80  }
0x59: {  	[tilespmem:s30], [sflag:$0x8] =	stream.indirect.gather [hbm4b:s3+s23], $0x80, s23, s23, $0xb8;
	[tilespmem:$0x1BB80] =	vst v63  }
0x5a: {  	_ =	swait.ge [sflag:s31], $0x80  }
0x5b: {  	[sflag:s31] =	ssyncset.done $0x0  }
0x5c: {  	[sflag:s31] =	ssyncadd.s32 $0xFFFFFF80  }
0x5d: {  	[spmem:s1] =	stream.indirect.scatter.add.f32 [tilespmem:s26], [sflag:$0x9], $0x80, s22, s23, $0xb8;
	[tilespmem:$0x1BB80] =	vst v63  }
0x5e: {  	s6 =	sadd.s32 s15, s19;
	s21 =	sadd.s32 s15, s16  }
0x5f: {  	[tilespmem:s2], [sflag:$0x1] =	stream.linear.gather [hbm4b:s6+s2], $0x80, $0x38;
	[tilespmem:$0x1BB80] =	vst v63  }
0x60: {  	s6 =	sadd.s32 $0x20, s21  }
0x61: {  	[tilespmem:s0], [sflag:$0x5] =	stream.linear.gather [hbm4b:s6+s2], $0x80, $0x38;
	[tilespmem:$0x1BB80] =	vst v63  }
0x62: {  	_ =	swait.ge [sflag:s4], $0x4000  }
0x63: {  	[sflag:s4] =	ssyncset.done $0x0  }
0x64: {  	[sflag:s4] =	ssyncadd.s32 $0xFFFFC000  }
0x65: {  	_ =	swait.ge [sflag:s5], $0x4000  }
0x66: {  	[sflag:s5] =	ssyncset.done $0x0  }
0x67: {  	[sflag:s5] =	ssyncadd.s32 $0xFFFFC000  }
0x68: {  	_ =	swait.ge [sflag:s25], $0x80  }
0x69: {  	[sflag:s25] =	ssyncset.done $0x0  }
0x6a: {  	[sflag:s25] =	ssyncadd.s32 $0xFFFFFF80  }
0x6b: {  	[tilespmem:s26], [sflag:$0x7] =	stream.indirect.gather [hbm4b:s3+s23], $0x80, s2, s23, $0xb8;
	[tilespmem:$0x1BB80] =	vst v63  }
0x6c: {  	_ =	swait.ge [sflag:s7], $0x80  }
0x6d: {  	[sflag:s7] =	ssyncset.done $0x0  }
0x6e: {  	[sflag:s7] =	ssyncadd.s32 $0xFFFFFF80  }
0x6f: {  	[spmem:s1] =	stream.indirect.scatter.add.f32 [tilespmem:s30], [sflag:$0xA], $0x80, s24, s23, $0xb8;
	[tilespmem:$0x1BB80] =	vst v63  }
0x70: {  	s13 =	sadd.s32 s15, s18  }
0x71: {  	[tilespmem:s23], [sflag:$0x2] =	stream.linear.gather [hbm4b:s13+s2], $0x80, $0x38;
	[tilespmem:$0x1BB80] =	vst v63  }
0x72: {  	s14 =	sadd.s32 $0x30, s21  }
0x73: {  	[tilespmem:s9], [sflag:$0x6] =	stream.linear.gather [hbm4b:s14+s2], $0x80, $0x38;
	[tilespmem:$0x1BB80] =	vst v63  }
0x74: {  	_ =	swait.ge [sflag:s28], $0x4000  }
0x75: {  	[sflag:s28] =	ssyncset.done $0x0  }
0x76: {  	[sflag:s28] =	ssyncadd.s32 $0xFFFFC000  }
0x77: {  	_ =	swait.ge [sflag:s11], $0x4000  }
0x78: {  	[sflag:s11] =	ssyncset.done $0x0  }
0x79: {  	[sflag:s11] =	ssyncadd.s32 $0xFFFFC000  }
0x7a: {  	_ =	swait.ge [sflag:s29], $0x80  }
0x7b: {  	[sflag:s29] =	ssyncset.done $0x0  }
0x7c: {  	[sflag:s29] =	ssyncadd.s32 $0xFFFFFF80  }
0x7d: {  	[tilespmem:s30], [sflag:$0x8] =	stream.indirect.gather [hbm4b:s3+s23], $0x80, s23, s23, $0xb8;
	[tilespmem:$0x1BB80] =	vst v63  }
0x7e: {  	_ =	swait.ge [sflag:s12], $0x80  }
0x7f: {  	p1 =	seq.s32 s15, $0x4C0;
	[sflag:s12] =	ssyncset.done $0x0  }
0x80: {  	s6 =	simm.s32 @p1 $0x8;
	[sflag:s12] =	ssyncadd.s32 $0xFFFFFF80  }
0x81: {  	[spmem:s1] =	stream.indirect.scatter.add.f32 [tilespmem:s26], [sflag:$0x9], $0x80, s0, s23, $0xb8;
	[tilespmem:$0x1BB80] =	vst v63  }
0x82: {  	_ =	swait.ge @p1 [sflag:s6], $0x4000  }
0x83: {  	[sflag:s6] =	ssyncset.done @p1 $0x0  }
0x84: {  	[sflag:s6] =	ssyncadd.s32 @p1 $0xFFFFC000;
	s6 =	simm.s32 @p1 $0x9  }
0x85: {  	_ =	swait.ge @p1 [sflag:s6], $0x4000  }
0x86: {  	[sflag:s6] =	ssyncset.done @p1 $0x0  }
0x87: {  	s13 =	simm.s32 @!p1 $0x0;
	[sflag:s6] =	ssyncadd.s32 @p1 $0xFFFFC000;
	s6 =	sadd.s32 @!p1 s15, s17  }
0x88: {  	[tilespmem:s13], [sflag:$0x1] =	stream.linear.gather @!p1 [hbm4b:s6+s13], $0x80, $0x38;
	[tilespmem:$0x1BB80] =	vst v63  }
0x89: {  	s6 =	sadd.s32 @!p1 s15, s16  }
0x8a: {  	s14 =	simm.s32 @!p1 $0x100;
	s6 =	sadd.s32 @!p1 $0x40, s6  }
0x8b: {  	[tilespmem:s14], [sflag:$0x3] =	stream.linear.gather @!p1 [hbm4b:s6+s13], $0x80, $0x38;
	[tilespmem:$0x1BB80] =	vst v63  }
0x8c: {  	s6 =	simm.s32 @!p1 $0x8  }
0x8d: {  	_ =	swait.ge @!p1 [sflag:s6], $0x4000  }
0x8e: {  	[sflag:s6] =	ssyncset.done @!p1 $0x0  }
0x8f: {  	[sflag:s6] =	ssyncadd.s32 @!p1 $0xFFFFC000;
	s6 =	simm.s32 @!p1 $0x9  }
0x90: {  	_ =	swait.ge @!p1 [sflag:s6], $0x4000  }
0x91: {  	[sflag:s6] =	ssyncset.done @!p1 $0x0  }
0x92: {  	[sflag:s6] =	ssyncadd.s32 @!p1 $0xFFFFC000;
	s6 =	simm.s32 @!p1 $0x1  }
0x93: {  	_ =	swait.ge @!p1 [sflag:s6], $0x80  }
0x94: {  	[sflag:s6] =	ssyncset.done @!p1 $0x0  }
0x95: {  	s14 =	simm.s32 @!p1 $0x300;
	[sflag:s6] =	ssyncadd.s32 @!p1 $0xFFFFFF80;
	s6 =	simm.s32 @!p1 $0x80  }
0x96: {  	[tilespmem:s14], [sflag:$0x7] =	stream.indirect.gather @!p1 [hbm4b:s3+s6], $0x80, s13, s6, $0xb8;
	[tilespmem:$0x1BB80] =	vst v63  }
.Ltmp2:
0x97: {  	_ = 	snop;
	(pc) =	sbr.rel @p1 .LBB2_4-.Ltmp2, $4  }
0x98: {  	_ =	swait.ge [sflag:s8], $0x80  }
0x99: {  	[sflag:s8] =	ssyncset.done $0x0  }
0x9a: {  	[sflag:s8] =	ssyncadd.s32 $0xFFFFFF80  }
0x9b: {  	[spmem:s1] =	stream.indirect.scatter.add.f32 [tilespmem:s30], [sflag:$0xA], $0x80, s9, s23, $0xb8;
	[tilespmem:$0x1BB80] =	vst v63  }
.Ltmp3:
0x9c: {  	(pc) =	sbr.rel .LBB2_2-.Ltmp3, $4  }
0x9d: {  	s6 =	sadd.s32 s15, s20  }
0x9e: {  	[tilespmem:s23], [sflag:$0x2] =	stream.linear.gather [hbm4b:s6+s2], $0x80, $0x38;
	[tilespmem:$0x1BB80] =	vst v63  }
0x9f: {  	s21 =	sadd.s32 $0x50, s21;
	s15 =	sadd.s32 $0x40, s15  }
0xa0: {  	[tilespmem:s24], [sflag:$0x4] =	stream.linear.gather [hbm4b:s21+s2], $0x80, $0x38;
	[tilespmem:$0x1BB80] =	vst v63  }
.LBB2_5:
0xa1: {  	_ =	sfence.sel $0x180000  }
0xa2: {  	[bflag:$0x0] =	sbarrier.arrive $0xFFFF  }
0xa3: {  	_ =	strace $0x9000004A  }
0xa4: {  	[bflag:$0x2] =	sbarrier.arrive $0xFFFF  }
0xa5: {  	s0 =	rddreg [dreg:$0x3]  }
0xa6: {  	s0 =	sadd.s32 @!p0 $0x100000, s0  }
0xa7: {  	[sflag:s0] =	ssyncadd.tile.s32 @!p0 $0x1;
	_ =	shalt  }
.Lfunc_end2:
_tile_overlayer_lowered:
.L_overlay_start_2:
0xa8: {  	(tag) =	ssettag $0x2  }
0xa9: {  	s0 =	rddreg [dreg:$0x0];
	s2 =	stileid.u32  }
0xaa: {  	s1 =	rddreg [dreg:$0x1];
	p0 =	sne.s32 s2, $0x0  }
0xab: {  	s3 =	rddreg [dreg:$0x2];
	[bflag:$0x3] =	sbarrier.arrive $0xFFFF;
	s2 =	simm.s32 @!p0 $0x1C0B  }
0xac: {  	[timem:s3], [sflag:s2] =	dma.local @!p0 [hbm:s0], s1  }
0xad: {  	s0 =	simm.s32 @!p0 $0xB  }
0xae: {  	_ =	swait.ge @!p0 [sflag:s0], s1  }
0xaf: {  	s1 =	ssub.s32 @!p0 $0x0, s1;
	[sflag:s0] =	ssyncset.done @!p0 $0x0  }
0xb0: {  	[sflag:s0] =	ssyncadd.s32 @!p0 s1  }
0xb1: {  	[bflag:$0x3] =	sbarrier.arrive $0xFFFF  }
0xb2: {  	_ =	shalt  }

// kernel: kernel.16.cloned.1.call-start
scs
__scs_entry_jumppad:
0x0: {  	(pc) =	sbr.rel $0x88, $3  }
0x1: {  	(tag) =	ssettag $0x0;
	lr =	simm.s32 $0x1  }
0x2: {  	[smem:$0x3F95] =	sst lr;
	_ =	strace $0xD0000000  }
0x3: {  	_ = 	snop  }
0x4: {  	_ = 	snop  }
0x5: {  	_ = 	snop  }
0x6: {  	_ = 	snop  }
0x7: {  	_ = 	snop  }
__scs_overlays_trampoline_lowered:
0x8: {  	[smem:$0x3FA4] =	sst s0  }
0x9: {  	[smem:$0x3FA5] =	sst s1  }
0xa: {  	[smem:$0x3FA6] =	sst s2  }
0xb: {  	[smem:$0x3FA7] =	sst s3  }
0xc: {  	[smem:$0x3FA8] =	sst s4  }
0xd: {  	[smem:$0x3FA9] =	sst s5  }
0xe: {  	[smem:$0x3FAA] =	sst s6  }
0xf: {  	[smem:$0x3FAB] =	sst s7  }
0x10: {  	[smem:$0x3FAC] =	sst s8  }
0x11: {  	[smem:$0x3FAD] =	sst s9;
	s0 =	simm.s32 @!p0 $0x0  }
0x12: {  	s1 =	sld [smem:$0x3F93];
	s0 =	simm.s32 @p0 $0x1  }
0x13: {  	[smem:$0x3FAE] =	sst s0;
	s0 =	simm.s32 @!p1 $0x0  }
0x14: {  	s2 =	sld [smem:$0x3F92];
	s0 =	simm.s32 @p1 $0x1  }
0x15: {  	[smem:$0x3FAF] =	sst s0;
	s0 =	simm.s32 @!p2 $0x0  }
0x16: {  	s3 =	sld [smem:$0x3FDB];
	s0 =	simm.s32 @p2 $0x1  }
0x17: {  	s4 =	simm.s32 $0x1BF5;
	[smem:$0x3FB1] =	sst s0  }
0x18: {  	s0 =	sld [smem:$0x3F94];
	_ =	swait.ge [sflag:s4], $0x0  }
0x19: {  	s7 =	sld [smem:$0x3F95]  }
0x1a: {  	s8 =	sadd.s32 $0xFFFFE003, lr  }
0x1b: {  	s9 =	sadd.s32 $0xFFFFFEF7, lr;
	s5 =	simm.s32 $0xFFFFFFFF;
	p2 =	slt.u32 s8, $0xFFFFF086  }
0x1c: {  	p1 =	slt.u32 s9, $0xF7A;
	s5 =	simm.s32 @!p2 $0x0  }
0x1d: {  	s5 =	simm.s32 @p1 $0x1;
	p0 =	seq.s32 s7, s2  }
0x1e: {  	s7 =	smul.u32 @!p0 $0xF7A, s2;
	p2 =	seq.s32 @!p0 s5, $0x0  }
0x1f: {  	s9 =	smul.u32 $0xF7A, s1;
	s8 =	simm.s32 @!p0 $0x1BF5;
	p2 =	por !p2, p0  }
0x20: {  	[sflag:s8] =	ssyncset.s32 @!p0 $0xFFFFF086;
	s6 =	sadd.s32 @!p0 s3, s7;
	s7 =	simm.s32 @!p0 $0x108  }
0x21: {  	s3 =	sadd.s32 s3, s9;
	s6 =	sadd.s32 @!p0 $0x88, s6;
	s7 =	simm.s32 @p2 $0x1082  }
0x22: {  	[simem:s7], [sflag:s8] =	dma.local @!p0 [hbm:s6], $0xF7A  }
0x23: {  	s9 =	sor.u32 $0xD0000000, s2;
	s6 =	simm.s32 $0x108;
	_ =	swait.ge @!p0 [sflag:s8], $0x0  }
0x24: {  	s3 =	sadd.s32 $0x88, s3;
	s6 =	simm.s32 @!p1 $0x1082;
	[sflag:s4] =	ssyncset.s32 $0xFFFFF086  }
0x25: {  	[simem:s6], [sflag:s4] =	dma.local [hbm:s3], $0xF7A  }
0x26: {  	[smem:$0x3F95] =	sst s1;
	(tag) =	ssettag s2;
	_ =	strace s9  }
0x27: {  	s1 =	sld [smem:$0x3FA5]  }
0x28: {  	s2 =	sld [smem:$0x3FA6]  }
0x29: {  	s4 =	sld [smem:$0x3FA8]  }
0x2a: {  	p0 =	seq.s32 s5, $0x0;
	s5 =	sld [smem:$0x3FA9]  }
0x2b: {  	s6 =	sld [smem:$0x3FAA]  }
0x2c: {  	s7 =	sld [smem:$0x3FAB]  }
0x2d: {  	s3 =	simm.s32 $0x108;
	s8 =	sld [smem:$0x3FAC]  }
0x2e: {  	s3 =	simm.s32 @!p0 $0x1082;
	s9 =	sld [smem:$0x3FAD]  }
0x2f: {  	lr =	sadd.s32 s0, s3;
	s0 =	sld [smem:$0x3FA4]  }
0x30: {  	s3 =	sld [smem:$0x3FA7]  }
0x31: {  	[smem:$0x3FB0] =	sst s10  }
0x32: {  	s10 =	sld [smem:$0x3FAE];
	_ =	sdelay $0x3  }
0x33: {  	p0 =	seq.s32 s10, $0x1;
	s10 =	sld [smem:$0x3FB0];
	_ =	sdelay $0x3  }
0x34: {  	[smem:$0x3FB0] =	sst s10  }
0x35: {  	s10 =	sld [smem:$0x3FAF];
	_ =	sdelay $0x3  }
0x36: {  	p1 =	seq.s32 s10, $0x1;
	s10 =	sld [smem:$0x3FB0];
	_ =	sdelay $0x3  }
0x37: {  	[smem:$0x3FB0] =	sst s10  }
0x38: {  	s10 =	sld [smem:$0x3FB1]  }
0x39: {  	_ = 	snop;
	(pc) =	sbr.ind lr, $3  }
0x3a: {  	_ = 	snop  }
0x3b: {  	_ = 	snop  }
0x3c: {  	p2 =	seq.s32 s10, $0x1;
	s10 =	sld [smem:$0x3FB0]  }
0x3d: {  	_ =	shalt  }
0x3e: {  	_ =	shalt  }
0x3f: {  	_ =	shalt  }
0x40: {  	_ =	shalt  }
0x41: {  	_ =	shalt  }
0x42: {  	_ =	shalt  }
0x43: {  	_ =	shalt  }
0x44: {  	_ =	shalt  }
0x45: {  	_ =	shalt  }
0x46: {  	_ =	shalt  }
0x47: {  	_ =	shalt  }
0x48: {  	_ =	shalt  }
0x49: {  	_ =	shalt  }
0x4a: {  	_ =	shalt  }
0x4b: {  	_ =	shalt  }
0x4c: {  	_ =	shalt  }
0x4d: {  	_ =	shalt  }
0x4e: {  	_ =	shalt  }
0x4f: {  	_ =	shalt  }
0x50: {  	_ =	shalt  }
0x51: {  	_ =	shalt  }
0x52: {  	_ =	shalt  }
0x53: {  	_ =	shalt  }
0x54: {  	_ =	shalt  }
0x55: {  	_ =	shalt  }
0x56: {  	_ =	shalt  }
0x57: {  	_ =	shalt  }
0x58: {  	_ =	shalt  }
0x59: {  	_ =	shalt  }
0x5a: {  	_ =	shalt  }
0x5b: {  	_ =	shalt  }
0x5c: {  	_ =	shalt  }
0x5d: {  	_ =	shalt  }
0x5e: {  	_ =	shalt  }
0x5f: {  	_ =	shalt  }
0x60: {  	_ =	shalt  }
0x61: {  	_ =	shalt  }
0x62: {  	_ =	shalt  }
0x63: {  	_ =	shalt  }
0x64: {  	_ =	shalt  }
0x65: {  	_ =	shalt  }
0x66: {  	_ =	shalt  }
0x67: {  	_ =	shalt  }
0x68: {  	_ =	shalt  }
0x69: {  	_ =	shalt  }
0x6a: {  	_ =	shalt  }
0x6b: {  	_ =	shalt  }
0x6c: {  	_ =	shalt  }
0x6d: {  	_ =	shalt  }
0x6e: {  	_ =	shalt  }
0x6f: {  	_ =	shalt  }
0x70: {  	_ =	shalt  }
0x71: {  	_ =	shalt  }
0x72: {  	_ =	shalt  }
0x73: {  	_ =	shalt  }
0x74: {  	_ =	shalt  }
0x75: {  	_ =	shalt  }
0x76: {  	_ =	shalt  }
0x77: {  	_ =	shalt  }
0x78: {  	_ =	shalt  }
0x79: {  	_ =	shalt  }
0x7a: {  	_ =	shalt  }
0x7b: {  	_ =	shalt  }
0x7c: {  	_ =	shalt  }
0x7d: {  	_ =	shalt  }
0x7e: {  	_ =	shalt  }
0x7f: {  	_ =	shalt  }
0x80: {  	_ =	shalt  }
0x81: {  	_ =	shalt  }
0x82: {  	_ =	shalt  }
0x83: {  	_ =	shalt  }
0x84: {  	_ =	shalt  }
0x85: {  	_ =	shalt  }
0x86: {  	_ =	shalt  }
0x87: {  	_ =	shalt  }
.Lfunc_end0:
.L_simem_size_0:
called_computation.2_lowered:
.L_overlay_start_0:
0x88: {  	s2 =	sld [smem:$0x3FD9]  }
0x89: {  	s3 =	sld [smem:$0x3FFE];
	_ =	sdelay $0x1  }
0x8a: {  	s1 =	srdreg.scid  }
0x8b: {  	s0 =	sand.u32 $0x1, s1  }
0x8c: {  	s14 =	sshll.u32 s0, $0xA;
	s2 =	sadd.s32 s3, s2  }
0x8d: {  	s2 =	sadd.s32 s2, s14  }
0x8e: {  	[smem:$0x3FBC] =	sst s2  }
0x8f: {  	_ = 	snop  }
0x90: {  	s2 =	sld [smem:$0x3FD0];
	_ =	sdelay $0x2  }
0x91: {  	s15 =	simm.s32 $0xA;
	s4 =	simm.s32 $0x10  }
0x92: {  	[smem:s4], [sflag:s15] =	dma.local [hbm:s2], $0x1  }
0x93: {  	_ =	swait.eq [sflag:s15], $0x1  }
0x94: {  	[sflag:s15] =	ssyncset.done $0x0  }
0x95: {  	[sflag:s15] =	ssyncadd.s32 $0xFFFFFFFF  }
0x96: {  	s16 =	sld [smem:$0x11];
	(tm) =	ssettm $0x1  }
0x97: {  	s17 =	sld [smem:$0x3FFB];
	_ =	sdelay $0x3  }
0x98: {  	_ =	strace s17  }
0x99: {  	s3 =	sld [smem:$0x3FFC];
	_ =	sdelay $0x3  }
0x9a: {  	_ =	strace s3  }
0x9b: {  	s3 =	sld [smem:$0x3FFD];
	_ =	sdelay $0x3  }
0x9c: {  	_ =	strace s3  }
0x9d: {  	_ =	strace $0x8FFFFFFF  }
0x9e: {  	s18 =	sld [smem:$0x3FDB];
	_ =	sdelay $0x1  }
0x9f: {  	s19 =	simm.s32 $_scs_section_size  }
0xa0: {  	s5 =	simm.s32 $_size__tile_overlayer_lowered;
	s6 =	simm.s32 $_tile_overlayer_lowered  }
0xa1: {  	s22 =	simm.s32 $0x1BFF;
	s21 =	sshll.u32 s6, $0x1;
	s3 =	sadd.s32 s19, s18  }
0xa2: {  	s7 =	simm.s32 $0x0;
	s20 =	sshll.u32 s5, $0x1;
	s5 =	sadd.s32 s21, s3  }
0xa3: {  	[timem:s7], [sflag:s22] =	dma.local [hbm:s5], s20  }
0xa4: {  	_ =	swait.ge [sflag:s22], s20  }
0xa5: {  	s4 =	ssub.s32 $0x0, s20;
	[sflag:s22] =	ssyncset.done $0x0  }
0xa6: {  	[sflag:s22] =	ssyncadd.s32 s4;
	_ =	sdelay $0x1  }
0xa7: {  	s23 =	simm.s32 $0x1B8B  }
0xa8: {  	_ =	swait.ge [sflag:s23], $0x1  }
0xa9: {  	[sflag:s23] =	ssyncset.done $0x0  }
0xaa: {  	s25 =	simm.s32 $0x1B8E;
	s24 =	sld [smem:$0x3FFE];
	[sflag:s23] =	ssyncadd.s32 $0xFFFFFFFF  }
0xab: {  	s26 =	simm.s32 $execute0_lowered;
	[smem:$0x3FD2] =	sst s25  }
0xac: {  	s5 =	sshll.u32 s26, $0x1;
	_ =	strace $0x8000004C;
	[dreg:$0x1] =	wrdreg $0xFFFFFFFF  }
0xad: {  	s28 =	simm.s32 $_size_execute0_lowered;
	s3 =	sadd.s32 s3, s5;
	[dreg:$0x0] =	wrdreg $0x0  }
0xae: {  	s5 =	sshll.u32 s28, $0x1;
	[dreg:$0x2] =	wrdreg s3  }
0xaf: {  	[dreg:$0x3] =	wrdreg s5  }
0xb0: {  	[dreg:$0x4] =	wrdreg $0xC0  }
0xb1: {  	_ =	task [dreg:s7], $0x5FFFF  }
0xb2: {  	[dreg:$0x1] =	wrdreg $0xFFFFFFFF  }
0xb3: {  	[dreg:$0x0] =	wrdreg $0x60  }
0xb4: {  	[dreg:$0x2] =	wrdreg s24  }
0xb5: {  	[dreg:$0x3] =	wrdreg s16  }
0xb6: {  	[dreg:$0x4] =	wrdreg $0x83000  }
0xb7: {  	[dreg:$0x5] =	wrdreg $0x9  }
0xb8: {  	_ =	task.clear_ibuf [dreg:s7], $0x6FFFF;
	_ =	strace $0x9000004C  }
0xb9: {  	s29 =	simm.s32 $0x9;
	_ =	strace $0x8000004E  }
0xba: {  	_ =	swait.ge [sflag:s29], $0x1  }
0xbb: {  	[sflag:s29] =	ssyncadd.s32 $0xFFFFFFFF  }
0xbc: {  	_ =	strace $0x9000004E  }
0xbd: {  	_ =	sfence  }
0xbe: {  	s30 =	sld [smem:$0x0];
	_ =	sdelay $0x2  }
0xbf: {  	s31 =	sshll.u32 s1, $0xD;
	s1 =	sshrl.u32 s1, $0x2  }
0xc0: {  	s3 =	sand.u32 $0x4000, s31;
	s1 =	sadd.s32 s1, s30  }
0xc1: {  	s0 =	sor.u32 s3, s0;
	s1 =	sshll.u32 s1, $0x11  }
0xc2: {  	s0 =	sor.u32 s1, s0  }
0xc3: {  	s0 =	sadd.s32 $0x8F2B, s0  }
0xc4: {  	[sflag:s0] =	ssyncadd.remote.s32 $0x1  }
0xc5: {  	_ =	sfence.sel $0xFFFF  }
0xc6: {  	[dreg:$0x0] =	wrdreg $0xFFFFFFFF;
	(pc) =	sbr.abs _section_cstart, $3  }
0xc7: {  	[dreg:$0x1] =	wrdreg $0xFFFFFFFF  }
0xc8: {  	_ =	task.clear_ibuf [dreg:s7], $0x2FFFF;
	_ =	strace $0x9FFFFFFF  }
0xc9: {  	(tm) =	ssettm $0x7FFFFFFF  }
tec
execute0_lowered:
.L_overlay_start_1:
0x0: {  	(tag) =	ssettag $0x1  }
0x1: {  	s0 =	rddreg [dreg:$0x0]  }
0x2: {  	s4 =	rddreg [dreg:$0x1]  }
0x3: {  	s1 =	rddreg [dreg:$0x2];
	s2 =	simm.s32 $0x0  }
0x4: {  	s3 =	srdreg.scid;
	s5 =	stileid.u32;
	s28 =	simm.s32 $0x7  }
0x5: {  	s29 =	simm.s32 $0x2;
	s30 =	simm.s32 $0x4300;
	s6 =	smul.u32 $0x4E000, s5  }
0x6: {  	s31 =	simm.s32 $0x3;
	[smem:$0x7FF] =	sst s2;
	s11 =	smul.u32 $0x2700, s5  }
0x7: {  	s7 =	sand.u32 $0x1, s3;
	s3 =	sadd.s32 $0x7600, s0;
	s14 =	smul.u32 $0x2800, s5  }
0x8: {  	s9 =	sadd.s32 $0xA4A00, s0;
	s0 =	sadd.s32 $0x2600, s0;
	s26 =	smul.u32 $0x13800, s5  }
0x9: {  	s20 =	sshll.u32 s5, $0x6;
	s22 =	sadd.s32 $0x138000, s1;
	s18 =	smul.u32 $0x500, s5  }
0xa: {  	p0 =	sne.s32 s5, $0x0;
	s5 =	simm.s32 $0x9;
	s8 =	smul.u32 $0x2AF80, s7  }
0xb: {  	_ =	strace $0x8000004D;
	s10 =	ssub.s32 $0x2, s7;
	s13 =	smul.u32 $0x157C00, s7  }
0xc: {  	s19 =	smul.u32 $0x28000, s7;
	s15 =	sor.u32 $0x1C0B, s20;
	[dreg:$0x7] =	wrdreg s22  }
0xd: {  	s7 =	smul.u32 $0x138800, s7;
	s12 =	sshrl.u32 s10, $0x1;
	s6 =	sshrl.u32 s6, $0x2  }
0xe: {  	s25 =	sshrl.u32 s14, $0x3;
	[dreg:$0x6] =	wrdreg s15;
	s10 =	ssub.s32 s10, s12  }
0xf: {  	s8 =	sadd.s32 s11, s8;
	s6 =	sadd.s32 s6, s1;
	s23 =	sshrl.u32 s13, $0x3  }
0x10: {  	s11 =	sadd.s32 s14, s19;
	s14 =	sadd.s32 s0, s25;
	s17 =	sadd.s32 s26, s7  }
0x11: {  	s7 =	sshrl.u32 s7, $0x3;
	[dreg:$0x4] =	wrdreg s6;
	s21 =	sadd.s32 s3, s8  }
0x12: {  	s8 =	sadd.s32 s3, s23;
	s12 =	sshrl.u32 s11, $0x3;
	[dreg:$0xa] =	wrdreg s14  }
0x13: {  	s16 =	sadd.s32 $0x10, s14;
	s7 =	sadd.s32 s4, s7;
	s20 =	sor.u32 $0x200, s11  }
0x14: {  	s23 =	sor.u32 $0x180, s11;
	s25 =	sor.u32 $0x280, s11;
	s14 =	simm.s32 $0xB  }
0x15: {  	[dreg:$0x5] =	wrdreg s21;
	s24 =	sadd.s32 s9, s12;
	s8 =	sadd.s32 $0x27000, s8  }
0x16: {  	[dreg:$0xc] =	wrdreg s16;
	s19 =	sadd.s32 $0x27000, s7;
	s21 =	smax.u32 s10, $0x1  }
0x17: {  	s16 =	sadd.s32 s18, s0;
	s22 =	sshrl.u32 s20, $0x3;
	s0 =	sshrl.u32 s23, $0x3  }
0x18: {  	s26 =	sshrl.u32 s25, $0x3;
	s23 =	simm.s32 $0x80;
	[dreg:$0x9] =	wrdreg s8  }
0x19: {  	s25 =	simm.s32 $0x1;
	s7 =	simm.s32 $0x4;
	[dreg:$0x8] =	wrdreg s24  }
0x1a: {  	s12 =	simm.s32 $0x5;
	s10 =	simm.s32 $0x0;
	[dreg:$0xe] =	wrdreg s19  }
0x1b: {  	s6 =	sadd.s32 $0x10, s24;
	s8 =	sshrl.u32 s17, $0x3;
	[dreg:$0xf] =	wrdreg s21  }
0x1c: {  	s17 =	sadd.s32 s22, s9;
	s24 =	sor.u32 $0x100, s11;
	s18 =	sadd.s32 s0, s9  }
.Ltmp0:
0x1d: {  	s20 =	sadd.s32 s26, s9;
	s22 =	simm.s32 $0x100;
	(pc) =	sbr.rel .LBB2_1-.Ltmp0, $4  }
0x1e: {  	s26 =	simm.s32 $0x300;
	s0 =	simm.s32 $0x200;
	s11 =	simm.s32 $0xA  }
0x1f: {  	[dreg:$0xb] =	wrdreg s6;
	s4 =	sadd.s32 s4, s8;
	s8 =	simm.s32 $0x6  }
0x20: {  	[dreg:$0xd] =	wrdreg s4;
	s4 =	sshrl.u32 s24, $0x3;
	s24 =	simm.s32 $0x180  }
0x21: {  	s19 =	sadd.s32 s4, s9;
	s4 =	simm.s32 $0x8;
	s9 =	simm.s32 $0x280  }
.LBB2_4:
0x22: {  	_ =	swait.ge [sflag:s11], $0x4000  }
0x23: {  	[sflag:s11] =	ssyncset.done $0x0  }
0x24: {  	[sflag:s11] =	ssyncadd.s32 $0xFFFFC000  }
0x25: {  	[bflag:$0x0] =	sbarrier.arrive $0xFFFF  }
0x26: {  	s15 =	rddreg [dreg:$0x6]  }
0x27: {  	s6 =	rddreg [dreg:$0xd]  }
0x28: {  	s14 =	simm.s32 $0xB;
	s13 =	rddreg [dreg:$0x10]  }
0x29: {  	[hbm:s6], [sflag:s15] =	dma.local [spmem:s13], $0x2700  }
0x2a: {  	_ =	swait.ge [sflag:s14], $0x2700  }
0x2b: {  	[sflag:s14] =	ssyncset.done $0x0;
	s6 =	rddreg [dreg:$0xe]  }
0x2c: {  	s13 =	rddreg [dreg:$0x11];
	[sflag:s14] =	ssyncadd.s32 $0xFFFFD900  }
0x2d: {  	[hbm:s6], [sflag:s15] =	dma.local @!p0 [spmem:s13], $0x100  }
0x2e: {  	s6 =	simm.s32 @!p0 $0xB  }
0x2f: {  	_ =	swait.ge @!p0 [sflag:s6], $0x100  }
0x30: {  	s10 =	sadd.s32 $0x1, s10;
	s21 =	rddreg [dreg:$0xf]  }
0x31: {  	p1 =	sne.s32 s10, s21  }
.Ltmp1:
0x32: {  	_ = 	snop;
	(pc) =	sbr.rel @!p1 .LBB2_5-.Ltmp1, $3  }
0x33: {  	_ =	sdelay $0x1  }
0x34: {  	[sflag:s6] =	ssyncset.done @!p0 $0x0  }
0x35: {  	[sflag:s6] =	ssyncadd.s32 @!p0 $0xFFFFFF00  }
.LBB2_1:
0x36: {  	s6 =	rddreg [dreg:$0x4]  }
0x37: {  	s21 =	rddreg [dreg:$0x5];
	s13 =	sshrl.u32 s6, $0x3  }
0x38: {  	[dreg:$0x10] =	wrdreg s13  }
0x39: {  	[spmem:s13], [sflag:s15] =	dma.local [hbm:s21], $0x2700  }
0x3a: {  	_ =	swait.ge [sflag:s14], $0x2700  }
0x3b: {  	s6 =	rddreg [dreg:$0x7]  }
0x3c: {  	[sflag:s14] =	ssyncset.done $0x0;
	s13 =	sshrl.u32 @!p0 s6, $0x3;
	s6 =	rddreg [dreg:$0x9]  }
0x3d: {  	[sflag:s14] =	ssyncadd.s32 $0xFFFFD900;
	[dreg:$0x11] =	wrdreg s13  }
0x3e: {  	[spmem:s13], [sflag:s15] =	dma.local @!p0 [hbm:s6], $0x100  }
0x3f: {  	s15 =	simm.s32 @!p0 $0xB  }
0x40: {  	_ =	swait.ge @!p0 [sflag:s15], $0x100  }
0x41: {  	[sflag:s15] =	ssyncset.done @!p0 $0x0  }
0x42: {  	[sflag:s15] =	ssyncadd.s32 @!p0 $0xFFFFFF00  }
0x43: {  	[bflag:$0x0] =	sbarrier.arrive $0xFFFF  }
0x44: {  	s13 =	rddreg [dreg:$0x8]  }
0x45: {  	[tilespmem:s2], [sflag:$0x1] =	stream.linear.gather [hbm4b:s13+s2], $0x80, $0x38;
	[tilespmem:$0x1BB80] =	vst v63  }
0x46: {  	s14 =	rddreg [dreg:$0xa]  }
0x47: {  	[tilespmem:s22], [sflag:$0x3] =	stream.linear.gather [hbm4b:s14+s2], $0x80, $0x38;
	[tilespmem:$0x1BB80] =	vst v63  }
0x48: {  	s15 =	rddreg [dreg:$0xb]  }
0x49: {  	[tilespmem:s23], [sflag:$0x2] =	stream.linear.gather [hbm4b:s15+s2], $0x80, $0x38;
	[tilespmem:$0x1BB80] =	vst v63  }
0x4a: {  	s21 =	rddreg [dreg:$0xc]  }
0x4b: {  	[tilespmem:s24], [sflag:$0x4] =	stream.linear.gather [hbm4b:s21+s2], $0x80, $0x38;
	[tilespmem:$0x1BB80] =	vst v63  }
0x4c: {  	_ =	swait.ge [sflag:s25], $0x80  }
0x4d: {  	[sflag:s25] =	ssyncset.done $0x0  }
0x4e: {  	s15 =	simm.s32 $0x0;
	[sflag:s25] =	ssyncadd.s32 $0xFFFFFF80  }
0x4f: {  	[tilespmem:s26], [sflag:$0x7] =	stream.indirect.gather [hbm4b:s3+s23], $0x80, s2, s23, $0xb8;
	[tilespmem:$0x1BB80] =	vst v63  }
.LBB2_2:
0x50: {  	_ =	swait.ge [sflag:s28], $0x4000  }
0x51: {  	p1 =	seq.s32 s15, $0x0;
	[sflag:s28] =	ssyncset.done $0x0  }
0x52: {  	s21 =	simm.s32 @!p1 $0xA;
	[sflag:s28] =	ssyncadd.s32 $0xFFFFC000  }
0x53: {  	_ =	swait.ge @!p1 [sflag:s21], $0x4000  }
0x54: {  	[sflag:s21] =	ssyncset.done @!p1 $0x0  }
0x55: {  	[sflag:s21] =	ssyncadd.s32 @!p1 $0xFFFFC000  }
0x56: {  	_ =	swait.ge [sflag:s29], $0x80  }
0x57: {  	[sflag:s29] =	ssyncset.done $0x0  }
0x58: {  	[sflag:s29] =	ssyncadd.s32 $0xFFFFFF80  }
0x59: {  	[tilespmem:s30], [sflag:$0x8] =	stream.indirect.gather [hbm4b:s3+s23], $0x80, s23, s23, $0xb8;
	[tilespmem:$0x1BB80] =	vst v63  }
0x5a: {  	_ =	swait.ge [sflag:s31], $0x80  }
0x5b: {  	[sflag:s31] =	ssyncset.done $0x0  }
0x5c: {  	[sflag:s31] =	ssyncadd.s32 $0xFFFFFF80  }
0x5d: {  	[spmem:s1] =	stream.indirect.scatter.add.f32 [tilespmem:s26], [sflag:$0x9], $0x80, s22, s23, $0xb8;
	[tilespmem:$0x1BB80] =	vst v63  }
0x5e: {  	s6 =	sadd.s32 s15, s19;
	s21 =	sadd.s32 s15, s16  }
0x5f: {  	[tilespmem:s2], [sflag:$0x1] =	stream.linear.gather [hbm4b:s6+s2], $0x80, $0x38;
	[tilespmem:$0x1BB80] =	vst v63  }
0x60: {  	s6 =	sadd.s32 $0x20, s21  }
0x61: {  	[tilespmem:s0], [sflag:$0x5] =	stream.linear.gather [hbm4b:s6+s2], $0x80, $0x38;
	[tilespmem:$0x1BB80] =	vst v63  }
0x62: {  	_ =	swait.ge [sflag:s4], $0x4000  }
0x63: {  	[sflag:s4] =	ssyncset.done $0x0  }
0x64: {  	[sflag:s4] =	ssyncadd.s32 $0xFFFFC000  }
0x65: {  	_ =	swait.ge [sflag:s5], $0x4000  }
0x66: {  	[sflag:s5] =	ssyncset.done $0x0  }
0x67: {  	[sflag:s5] =	ssyncadd.s32 $0xFFFFC000  }
0x68: {  	_ =	swait.ge [sflag:s25], $0x80  }
0x69: {  	[sflag:s25] =	ssyncset.done $0x0  }
0x6a: {  	[sflag:s25] =	ssyncadd.s32 $0xFFFFFF80  }
0x6b: {  	[tilespmem:s26], [sflag:$0x7] =	stream.indirect.gather [hbm4b:s3+s23], $0x80, s2, s23, $0xb8;
	[tilespmem:$0x1BB80] =	vst v63  }
0x6c: {  	_ =	swait.ge [sflag:s7], $0x80  }
0x6d: {  	[sflag:s7] =	ssyncset.done $0x0  }
0x6e: {  	[sflag:s7] =	ssyncadd.s32 $0xFFFFFF80  }
0x6f: {  	[spmem:s1] =	stream.indirect.scatter.add.f32 [tilespmem:s30], [sflag:$0xA], $0x80, s24, s23, $0xb8;
	[tilespmem:$0x1BB80] =	vst v63  }
0x70: {  	s13 =	sadd.s32 s15, s18  }
0x71: {  	[tilespmem:s23], [sflag:$0x2] =	stream.linear.gather [hbm4b:s13+s2], $0x80, $0x38;
	[tilespmem:$0x1BB80] =	vst v63  }
0x72: {  	s14 =	sadd.s32 $0x30, s21  }
0x73: {  	[tilespmem:s9], [sflag:$0x6] =	stream.linear.gather [hbm4b:s14+s2], $0x80, $0x38;
	[tilespmem:$0x1BB80] =	vst v63  }
0x74: {  	_ =	swait.ge [sflag:s28], $0x4000  }
0x75: {  	[sflag:s28] =	ssyncset.done $0x0  }
0x76: {  	[sflag:s28] =	ssyncadd.s32 $0xFFFFC000  }
0x77: {  	_ =	swait.ge [sflag:s11], $0x4000  }
0x78: {  	[sflag:s11] =	ssyncset.done $0x0  }
0x79: {  	[sflag:s11] =	ssyncadd.s32 $0xFFFFC000  }
0x7a: {  	_ =	swait.ge [sflag:s29], $0x80  }
0x7b: {  	[sflag:s29] =	ssyncset.done $0x0  }
0x7c: {  	[sflag:s29] =	ssyncadd.s32 $0xFFFFFF80  }
0x7d: {  	[tilespmem:s30], [sflag:$0x8] =	stream.indirect.gather [hbm4b:s3+s23], $0x80, s23, s23, $0xb8;
	[tilespmem:$0x1BB80] =	vst v63  }
0x7e: {  	_ =	swait.ge [sflag:s12], $0x80  }
0x7f: {  	p1 =	seq.s32 s15, $0x4C0;
	[sflag:s12] =	ssyncset.done $0x0  }
0x80: {  	s6 =	simm.s32 @p1 $0x8;
	[sflag:s12] =	ssyncadd.s32 $0xFFFFFF80  }
0x81: {  	[spmem:s1] =	stream.indirect.scatter.add.f32 [tilespmem:s26], [sflag:$0x9], $0x80, s0, s23, $0xb8;
	[tilespmem:$0x1BB80] =	vst v63  }
0x82: {  	_ =	swait.ge @p1 [sflag:s6], $0x4000  }
0x83: {  	[sflag:s6] =	ssyncset.done @p1 $0x0  }
0x84: {  	[sflag:s6] =	ssyncadd.s32 @p1 $0xFFFFC000;
	s6 =	simm.s32 @p1 $0x9  }
0x85: {  	_ =	swait.ge @p1 [sflag:s6], $0x4000  }
0x86: {  	[sflag:s6] =	ssyncset.done @p1 $0x0  }
0x87: {  	s13 =	simm.s32 @!p1 $0x0;
	[sflag:s6] =	ssyncadd.s32 @p1 $0xFFFFC000;
	s6 =	sadd.s32 @!p1 s15, s17  }
0x88: {  	[tilespmem:s13], [sflag:$0x1] =	stream.linear.gather @!p1 [hbm4b:s6+s13], $0x80, $0x38;
	[tilespmem:$0x1BB80] =	vst v63  }
0x89: {  	s6 =	sadd.s32 @!p1 s15, s16  }
0x8a: {  	s14 =	simm.s32 @!p1 $0x100;
	s6 =	sadd.s32 @!p1 $0x40, s6  }
0x8b: {  	[tilespmem:s14], [sflag:$0x3] =	stream.linear.gather @!p1 [hbm4b:s6+s13], $0x80, $0x38;
	[tilespmem:$0x1BB80] =	vst v63  }
0x8c: {  	s6 =	simm.s32 @!p1 $0x8  }
0x8d: {  	_ =	swait.ge @!p1 [sflag:s6], $0x4000  }
0x8e: {  	[sflag:s6] =	ssyncset.done @!p1 $0x0  }
0x8f: {  	[sflag:s6] =	ssyncadd.s32 @!p1 $0xFFFFC000;
	s6 =	simm.s32 @!p1 $0x9  }
0x90: {  	_ =	swait.ge @!p1 [sflag:s6], $0x4000  }
0x91: {  	[sflag:s6] =	ssyncset.done @!p1 $0x0  }
0x92: {  	[sflag:s6] =	ssyncadd.s32 @!p1 $0xFFFFC000;
	s6 =	simm.s32 @!p1 $0x1  }
0x93: {  	_ =	swait.ge @!p1 [sflag:s6], $0x80  }
0x94: {  	[sflag:s6] =	ssyncset.done @!p1 $0x0  }
0x95: {  	s14 =	simm.s32 @!p1 $0x300;
	[sflag:s6] =	ssyncadd.s32 @!p1 $0xFFFFFF80;
	s6 =	simm.s32 @!p1 $0x80  }
0x96: {  	[tilespmem:s14], [sflag:$0x7] =	stream.indirect.gather @!p1 [hbm4b:s3+s6], $0x80, s13, s6, $0xb8;
	[tilespmem:$0x1BB80] =	vst v63  }
.Ltmp2:
0x97: {  	_ = 	snop;
	(pc) =	sbr.rel @p1 .LBB2_4-.Ltmp2, $4  }
0x98: {  	_ =	swait.ge [sflag:s8], $0x80  }
0x99: {  	[sflag:s8] =	ssyncset.done $0x0  }
0x9a: {  	[sflag:s8] =	ssyncadd.s32 $0xFFFFFF80  }
0x9b: {  	[spmem:s1] =	stream.indirect.scatter.add.f32 [tilespmem:s30], [sflag:$0xA], $0x80, s9, s23, $0xb8;
	[tilespmem:$0x1BB80] =	vst v63  }
.Ltmp3:
0x9c: {  	(pc) =	sbr.rel .LBB2_2-.Ltmp3, $4  }
0x9d: {  	s6 =	sadd.s32 s15, s20  }
0x9e: {  	[tilespmem:s23], [sflag:$0x2] =	stream.linear.gather [hbm4b:s6+s2], $0x80, $0x38;
	[tilespmem:$0x1BB80] =	vst v63  }
0x9f: {  	s21 =	sadd.s32 $0x50, s21;
	s15 =	sadd.s32 $0x40, s15  }
0xa0: {  	[tilespmem:s24], [sflag:$0x4] =	stream.linear.gather [hbm4b:s21+s2], $0x80, $0x38;
	[tilespmem:$0x1BB80] =	vst v63  }
.LBB2_5:
0xa1: {  	_ =	sfence.sel $0x180000  }
0xa2: {  	[bflag:$0x0] =	sbarrier.arrive $0xFFFF  }
0xa3: {  	_ =	strace $0x9000004D  }
0xa4: {  	[bflag:$0x2] =	sbarrier.arrive $0xFFFF  }
0xa5: {  	s0 =	rddreg [dreg:$0x3]  }
0xa6: {  	s0 =	sadd.s32 @!p0 $0x100000, s0  }
0xa7: {  	[sflag:s0] =	ssyncadd.tile.s32 @!p0 $0x1;
	_ =	shalt  }
.Lfunc_end2:
_tile_overlayer_lowered:
.L_overlay_start_2:
0xa8: {  	(tag) =	ssettag $0x2  }
0xa9: {  	s0 =	rddreg [dreg:$0x0];
	s2 =	stileid.u32  }
0xaa: {  	s1 =	rddreg [dreg:$0x1];
	p0 =	sne.s32 s2, $0x0  }
0xab: {  	s3 =	rddreg [dreg:$0x2];
	[bflag:$0x3] =	sbarrier.arrive $0xFFFF;
	s2 =	simm.s32 @!p0 $0x1C0B  }
0xac: {  	[timem:s3], [sflag:s2] =	dma.local @!p0 [hbm:s0], s1  }
0xad: {  	s0 =	simm.s32 @!p0 $0xB  }
0xae: {  	_ =	swait.ge @!p0 [sflag:s0], s1  }
0xaf: {  	s1 =	ssub.s32 @!p0 $0x0, s1;
	[sflag:s0] =	ssyncset.done @!p0 $0x0  }
0xb0: {  	[sflag:s0] =	ssyncadd.s32 @!p0 s1  }
0xb1: {  	[bflag:$0x3] =	sbarrier.arrive $0xFFFF  }
0xb2: {  	_ =	shalt  }

// kernel: kernel.19.cloned.1.call-start
scs
__scs_entry_jumppad:
0x0: {  	(pc) =	sbr.rel $0x88, $3  }
0x1: {  	(tag) =	ssettag $0x0;
	lr =	simm.s32 $0x1  }
0x2: {  	[smem:$0x3F95] =	sst lr;
	_ =	strace $0xD0000000  }
0x3: {  	_ = 	snop  }
0x4: {  	_ = 	snop  }
0x5: {  	_ = 	snop  }
0x6: {  	_ = 	snop  }
0x7: {  	_ = 	snop  }
__scs_overlays_trampoline_lowered:
0x8: {  	[smem:$0x3FA4] =	sst s0  }
0x9: {  	[smem:$0x3FA5] =	sst s1  }
0xa: {  	[smem:$0x3FA6] =	sst s2  }
0xb: {  	[smem:$0x3FA7] =	sst s3  }
0xc: {  	[smem:$0x3FA8] =	sst s4  }
0xd: {  	[smem:$0x3FA9] =	sst s5  }
0xe: {  	[smem:$0x3FAA] =	sst s6  }
0xf: {  	[smem:$0x3FAB] =	sst s7  }
0x10: {  	[smem:$0x3FAC] =	sst s8  }
0x11: {  	[smem:$0x3FAD] =	sst s9;
	s0 =	simm.s32 @!p0 $0x0  }
0x12: {  	s1 =	sld [smem:$0x3F93];
	s0 =	simm.s32 @p0 $0x1  }
0x13: {  	[smem:$0x3FAE] =	sst s0;
	s0 =	simm.s32 @!p1 $0x0  }
0x14: {  	s2 =	sld [smem:$0x3F92];
	s0 =	simm.s32 @p1 $0x1  }
0x15: {  	[smem:$0x3FAF] =	sst s0;
	s0 =	simm.s32 @!p2 $0x0  }
0x16: {  	s3 =	sld [smem:$0x3FDB];
	s0 =	simm.s32 @p2 $0x1  }
0x17: {  	s4 =	simm.s32 $0x1BF5;
	[smem:$0x3FB1] =	sst s0  }
0x18: {  	s0 =	sld [smem:$0x3F94];
	_ =	swait.ge [sflag:s4], $0x0  }
0x19: {  	s7 =	sld [smem:$0x3F95]  }
0x1a: {  	s8 =	sadd.s32 $0xFFFFE003, lr  }
0x1b: {  	s9 =	sadd.s32 $0xFFFFFEF7, lr;
	s5 =	simm.s32 $0xFFFFFFFF;
	p2 =	slt.u32 s8, $0xFFFFF086  }
0x1c: {  	p1 =	slt.u32 s9, $0xF7A;
	s5 =	simm.s32 @!p2 $0x0  }
0x1d: {  	s5 =	simm.s32 @p1 $0x1;
	p0 =	seq.s32 s7, s2  }
0x1e: {  	s7 =	smul.u32 @!p0 $0xF7A, s2;
	p2 =	seq.s32 @!p0 s5, $0x0  }
0x1f: {  	s9 =	smul.u32 $0xF7A, s1;
	s8 =	simm.s32 @!p0 $0x1BF5;
	p2 =	por !p2, p0  }
0x20: {  	[sflag:s8] =	ssyncset.s32 @!p0 $0xFFFFF086;
	s6 =	sadd.s32 @!p0 s3, s7;
	s7 =	simm.s32 @!p0 $0x108  }
0x21: {  	s3 =	sadd.s32 s3, s9;
	s6 =	sadd.s32 @!p0 $0x88, s6;
	s7 =	simm.s32 @p2 $0x1082  }
0x22: {  	[simem:s7], [sflag:s8] =	dma.local @!p0 [hbm:s6], $0xF7A  }
0x23: {  	s9 =	sor.u32 $0xD0000000, s2;
	s6 =	simm.s32 $0x108;
	_ =	swait.ge @!p0 [sflag:s8], $0x0  }
0x24: {  	s3 =	sadd.s32 $0x88, s3;
	s6 =	simm.s32 @!p1 $0x1082;
	[sflag:s4] =	ssyncset.s32 $0xFFFFF086  }
0x25: {  	[simem:s6], [sflag:s4] =	dma.local [hbm:s3], $0xF7A  }
0x26: {  	[smem:$0x3F95] =	sst s1;
	(tag) =	ssettag s2;
	_ =	strace s9  }
0x27: {  	s1 =	sld [smem:$0x3FA5]  }
0x28: {  	s2 =	sld [smem:$0x3FA6]  }
0x29: {  	s4 =	sld [smem:$0x3FA8]  }
0x2a: {  	p0 =	seq.s32 s5, $0x0;
	s5 =	sld [smem:$0x3FA9]  }
0x2b: {  	s6 =	sld [smem:$0x3FAA]  }
0x2c: {  	s7 =	sld [smem:$0x3FAB]  }
0x2d: {  	s3 =	simm.s32 $0x108;
	s8 =	sld [smem:$0x3FAC]  }
0x2e: {  	s3 =	simm.s32 @!p0 $0x1082;
	s9 =	sld [smem:$0x3FAD]  }
0x2f: {  	lr =	sadd.s32 s0, s3;
	s0 =	sld [smem:$0x3FA4]  }
0x30: {  	s3 =	sld [smem:$0x3FA7]  }
0x31: {  	[smem:$0x3FB0] =	sst s10  }
0x32: {  	s10 =	sld [smem:$0x3FAE];
	_ =	sdelay $0x3  }
0x33: {  	p0 =	seq.s32 s10, $0x1;
	s10 =	sld [smem:$0x3FB0];
	_ =	sdelay $0x3  }
0x34: {  	[smem:$0x3FB0] =	sst s10  }
0x35: {  	s10 =	sld [smem:$0x3FAF];
	_ =	sdelay $0x3  }
0x36: {  	p1 =	seq.s32 s10, $0x1;
	s10 =	sld [smem:$0x3FB0];
	_ =	sdelay $0x3  }
0x37: {  	[smem:$0x3FB0] =	sst s10  }
0x38: {  	s10 =	sld [smem:$0x3FB1]  }
0x39: {  	_ = 	snop;
	(pc) =	sbr.ind lr, $3  }
0x3a: {  	_ = 	snop  }
0x3b: {  	_ = 	snop  }
0x3c: {  	p2 =	seq.s32 s10, $0x1;
	s10 =	sld [smem:$0x3FB0]  }
0x3d: {  	_ =	shalt  }
0x3e: {  	_ =	shalt  }
0x3f: {  	_ =	shalt  }
0x40: {  	_ =	shalt  }
0x41: {  	_ =	shalt  }
0x42: {  	_ =	shalt  }
0x43: {  	_ =	shalt  }
0x44: {  	_ =	shalt  }
0x45: {  	_ =	shalt  }
0x46: {  	_ =	shalt  }
0x47: {  	_ =	shalt  }
0x48: {  	_ =	shalt  }
0x49: {  	_ =	shalt  }
0x4a: {  	_ =	shalt  }
0x4b: {  	_ =	shalt  }
0x4c: {  	_ =	shalt  }
0x4d: {  	_ =	shalt  }
0x4e: {  	_ =	shalt  }
0x4f: {  	_ =	shalt  }
0x50: {  	_ =	shalt  }
0x51: {  	_ =	shalt  }
0x52: {  	_ =	shalt  }
0x53: {  	_ =	shalt  }
0x54: {  	_ =	shalt  }
0x55: {  	_ =	shalt  }
0x56: {  	_ =	shalt  }
0x57: {  	_ =	shalt  }
0x58: {  	_ =	shalt  }
0x59: {  	_ =	shalt  }
0x5a: {  	_ =	shalt  }
0x5b: {  	_ =	shalt  }
0x5c: {  	_ =	shalt  }
0x5d: {  	_ =	shalt  }
0x5e: {  	_ =	shalt  }
0x5f: {  	_ =	shalt  }
0x60: {  	_ =	shalt  }
0x61: {  	_ =	shalt  }
0x62: {  	_ =	shalt  }
0x63: {  	_ =	shalt  }
0x64: {  	_ =	shalt  }
0x65: {  	_ =	shalt  }
0x66: {  	_ =	shalt  }
0x67: {  	_ =	shalt  }
0x68: {  	_ =	shalt  }
0x69: {  	_ =	shalt  }
0x6a: {  	_ =	shalt  }
0x6b: {  	_ =	shalt  }
0x6c: {  	_ =	shalt  }
0x6d: {  	_ =	shalt  }
0x6e: {  	_ =	shalt  }
0x6f: {  	_ =	shalt  }
0x70: {  	_ =	shalt  }
0x71: {  	_ =	shalt  }
0x72: {  	_ =	shalt  }
0x73: {  	_ =	shalt  }
0x74: {  	_ =	shalt  }
0x75: {  	_ =	shalt  }
0x76: {  	_ =	shalt  }
0x77: {  	_ =	shalt  }
0x78: {  	_ =	shalt  }
0x79: {  	_ =	shalt  }
0x7a: {  	_ =	shalt  }
0x7b: {  	_ =	shalt  }
0x7c: {  	_ =	shalt  }
0x7d: {  	_ =	shalt  }
0x7e: {  	_ =	shalt  }
0x7f: {  	_ =	shalt  }
0x80: {  	_ =	shalt  }
0x81: {  	_ =	shalt  }
0x82: {  	_ =	shalt  }
0x83: {  	_ =	shalt  }
0x84: {  	_ =	shalt  }
0x85: {  	_ =	shalt  }
0x86: {  	_ =	shalt  }
0x87: {  	_ =	shalt  }
.Lfunc_end0:
.L_simem_size_0:
called_computation.3_lowered:
.L_overlay_start_0:
0x88: {  	s2 =	sld [smem:$0x3FD9]  }
0x89: {  	s3 =	sld [smem:$0x3FFE];
	_ =	sdelay $0x1  }
0x8a: {  	s1 =	srdreg.scid  }
0x8b: {  	s0 =	sand.u32 $0x1, s1  }
0x8c: {  	s14 =	sshll.u32 s0, $0xA;
	s2 =	sadd.s32 s3, s2  }
0x8d: {  	s2 =	sadd.s32 s2, s14  }
0x8e: {  	[smem:$0x3FBC] =	sst s2  }
0x8f: {  	_ = 	snop  }
0x90: {  	s2 =	sld [smem:$0x3FD0];
	_ =	sdelay $0x2  }
0x91: {  	s15 =	simm.s32 $0xA;
	s4 =	simm.s32 $0x10  }
0x92: {  	[smem:s4], [sflag:s15] =	dma.local [hbm:s2], $0x1  }
0x93: {  	_ =	swait.eq [sflag:s15], $0x1  }
0x94: {  	[sflag:s15] =	ssyncset.done $0x0  }
0x95: {  	[sflag:s15] =	ssyncadd.s32 $0xFFFFFFFF  }
0x96: {  	s16 =	sld [smem:$0x11];
	(tm) =	ssettm $0x1  }
0x97: {  	s17 =	sld [smem:$0x3FFB];
	_ =	sdelay $0x3  }
0x98: {  	_ =	strace s17  }
0x99: {  	s3 =	sld [smem:$0x3FFC];
	_ =	sdelay $0x3  }
0x9a: {  	_ =	strace s3  }
0x9b: {  	s3 =	sld [smem:$0x3FFD];
	_ =	sdelay $0x3  }
0x9c: {  	_ =	strace s3  }
0x9d: {  	_ =	strace $0x8FFFFFFF  }
0x9e: {  	s18 =	sld [smem:$0x3FDB];
	_ =	sdelay $0x1  }
0x9f: {  	s19 =	simm.s32 $_scs_section_size  }
0xa0: {  	s5 =	simm.s32 $_size__tile_overlayer_lowered;
	s6 =	simm.s32 $_tile_overlayer_lowered  }
0xa1: {  	s22 =	simm.s32 $0x1BFF;
	s21 =	sshll.u32 s6, $0x1;
	s3 =	sadd.s32 s19, s18  }
0xa2: {  	s7 =	simm.s32 $0x0;
	s20 =	sshll.u32 s5, $0x1;
	s5 =	sadd.s32 s21, s3  }
0xa3: {  	[timem:s7], [sflag:s22] =	dma.local [hbm:s5], s20  }
0xa4: {  	_ =	swait.ge [sflag:s22], s20  }
0xa5: {  	s4 =	ssub.s32 $0x0, s20;
	[sflag:s22] =	ssyncset.done $0x0  }
0xa6: {  	[sflag:s22] =	ssyncadd.s32 s4;
	_ =	sdelay $0x1  }
0xa7: {  	s23 =	simm.s32 $0x1B8B  }
0xa8: {  	_ =	swait.ge [sflag:s23], $0x1  }
0xa9: {  	[sflag:s23] =	ssyncset.done $0x0  }
0xaa: {  	s25 =	simm.s32 $0x1B8E;
	s24 =	sld [smem:$0x3FFE];
	[sflag:s23] =	ssyncadd.s32 $0xFFFFFFFF  }
0xab: {  	s26 =	simm.s32 $execute0_lowered;
	[smem:$0x3FD2] =	sst s25  }
0xac: {  	s5 =	sshll.u32 s26, $0x1;
	_ =	strace $0x8000004F;
	[dreg:$0x1] =	wrdreg $0xFFFFFFFF  }
0xad: {  	s28 =	simm.s32 $_size_execute0_lowered;
	s3 =	sadd.s32 s3, s5;
	[dreg:$0x0] =	wrdreg $0x0  }
0xae: {  	s5 =	sshll.u32 s28, $0x1;
	[dreg:$0x2] =	wrdreg s3  }
0xaf: {  	[dreg:$0x3] =	wrdreg s5  }
0xb0: {  	[dreg:$0x4] =	wrdreg $0xC0  }
0xb1: {  	_ =	task [dreg:s7], $0x5FFFF  }
0xb2: {  	[dreg:$0x1] =	wrdreg $0xFFFFFFFF  }
0xb3: {  	[dreg:$0x0] =	wrdreg $0x60  }
0xb4: {  	[dreg:$0x2] =	wrdreg s16  }
0xb5: {  	[dreg:$0x3] =	wrdreg s24  }
0xb6: {  	[dreg:$0x4] =	wrdreg $0x9  }
0xb7: {  	_ =	task.clear_ibuf [dreg:s7], $0x5FFFF;
	_ =	strace $0x9000004F  }
0xb8: {  	s29 =	simm.s32 $0x9;
	_ =	strace $0x80000051  }
0xb9: {  	_ =	swait.ge [sflag:s29], $0x1  }
0xba: {  	[sflag:s29] =	ssyncadd.s32 $0xFFFFFFFF  }
0xbb: {  	_ =	strace $0x90000051  }
0xbc: {  	_ =	sfence  }
0xbd: {  	s30 =	sld [smem:$0x0];
	_ =	sdelay $0x2  }
0xbe: {  	s31 =	sshll.u32 s1, $0xD;
	s1 =	sshrl.u32 s1, $0x2  }
0xbf: {  	s3 =	sand.u32 $0x4000, s31;
	s1 =	sadd.s32 s1, s30  }
0xc0: {  	s0 =	sor.u32 s3, s0;
	s1 =	sshll.u32 s1, $0x11  }
0xc1: {  	s0 =	sor.u32 s1, s0  }
0xc2: {  	s0 =	sadd.s32 $0x8F2B, s0  }
0xc3: {  	[sflag:s0] =	ssyncadd.remote.s32 $0x1  }
0xc4: {  	_ =	sfence.sel $0xFFFF  }
0xc5: {  	[dreg:$0x0] =	wrdreg $0xFFFFFFFF;
	(pc) =	sbr.abs _section_cstart, $3  }
0xc6: {  	[dreg:$0x1] =	wrdreg $0xFFFFFFFF  }
0xc7: {  	_ =	task.clear_ibuf [dreg:s7], $0x2FFFF;
	_ =	strace $0x9FFFFFFF  }
0xc8: {  	(tm) =	ssettm $0x7FFFFFFF  }
0xc9: {  	_ =	shalt  }
tec
execute0_lowered:
.L_overlay_start_1:
0x0: {  	(tag) =	ssettag $0x1  }
0x1: {  	s1 =	rddreg [dreg:$0x0]  }
0x2: {  	s5 =	rddreg [dreg:$0x1]  }
0x3: {  	s0 =	rddreg [dreg:$0x2];
	s2 =	simm.s32 $0x0;
	s3 =	srdreg.scid  }
0x4: {  	s10 =	simm.s32 $0x1080;
	s11 =	simm.s32 $0x1880;
	s12 =	simm.s32 $0x2080  }
0x5: {  	s13 =	simm.s32 $0x2880;
	s14 =	simm.s32 $0x3080;
	s15 =	simm.s32 $0x3880  }
0x6: {  	s16 =	simm.s32 $0x4080;
	s17 =	simm.s32 $0x4880;
	s18 =	simm.s32 $0x5080  }
0x7: {  	s19 =	simm.s32 $0x5880;
	s20 =	simm.s32 $0x6080;
	s21 =	simm.s32 $0x6880  }
0x8: {  	s22 =	simm.s32 $0x7080;
	s23 =	simm.s32 $0x7880;
	s24 =	simm.s32 $0x0  }
0x9: {  	[smem:$0x7FF] =	sst s2;
	s6 =	sand.u32 $0x1, s3;
	s4 =	sadd.s32 $0x5D600, s5  }
0xa: {  	s3 =	stileid.u32;
	s5 =	sadd.s32 $0x2600, s5;
	s7 =	ssub.s32 $0x2, s6  }
0xb: {  	v2 =	vlaneseq.u32;
	s6 =	sshll.u32 s6, $0xC;
	s9 =	sshll.u32 s3, $0x8;
	s8 =	sshrl.u32 s7, $0x1  }
0xc: {  	vm0 =	vmmov $0xffff;
	v1 =	vshrl.u32 v2, $0x3;
	_ =	strace $0x80000050;
	s6 =	sor.u32 s9, s6;
	s7 =	ssub.s32 s7, s8  }
0xd: {  	v0 =	vand.u32 $0x7, v2;
	v2 =	vor.u32 $0x8, v2;
	v1 =	vmul.u32 $0x8, v1;
	s9 =	simm.s32 $0x880;
	s8 =	simm.s32 $0x1;
	s7 =	smax.u32 s7, $0x1  }
.LBB2_1:
0xe: {  	p0 =	por $0x1, $0x1;
	s26 =	simm.s32 $0x0  }
.LBB2_2:
0xf: {  	s25 =	sor.u32 s6, s26  }
0x10: {  	s26 =	sshrl.u32 s25, $0x3  }
0x11: {  	s26 =	sadd.s32 s4, s26  }
0x12: {  	[tilespmem:s2], [sflag:$0x1] =	stream.linear.gather [hbm4b:s26+s2], $0x80, $0x38;
	[tilespmem:$0x8080] =	vst v63  }
0x13: {  	_ =	swait.ge [sflag:s8], $0x80  }
0x14: {  	[sflag:s8] =	ssyncset.done $0x0  }
0x15: {  	[sflag:s8] =	ssyncadd.s32 $0xFFFFFF80  }
0x16: {  	v3 =	vld [tilespmem:$0x0];
	_ =	sdelay $0x4  }
0x17: {  	v4 =	vshll.u32 v3, $0x1  }
0x18: {  	v3 =	vand.u32 $0x7, v3;
	v4 =	vand.u32 $0xFFFFFFF0, v4  }
0x19: {  	v3 =	vor.u32 v3, v4  }
0x1a: {  	v4 =	vperm.xlane v3, v0;
	_ =	sdelay $0x1  }
0x1b: {  	v3 =	vperm.xlane v3, v2;
	v4 =	vadd.s32 v1, v4;
	_ =	sdelay $0x1  }
0x1c: {  	v3 =	vadd.s32 v1, v3;
	_ =	sdelay $0x1  }
0x1d: {  	s26 =	simm.s32 $0x80  }
0x1e: {  	[tilespmem:s26], [sflag:$0x1] =	stream.indirect_vreg.gather [hbm4b:s1+s2], $0x80, v4, vm0, $0xb8;
	[tilespmem:$0x8080] =	vst v63  }
0x1f: {  	_ = 	snop  }
0x20: {  	[tilespmem:s9], [sflag:$0x1] =	stream.indirect_vreg.gather [hbm4b:s1+s2], $0x80, v3, vm0, $0xb8;
	[tilespmem:$0x8080] =	vst v63  }
0x21: {  	v3 =	vld [tilespmem:$0x10];
	_ =	sdelay $0x4  }
0x22: {  	v57 =	vshll.u32 v3, $0x1  }
0x23: {  	v3 =	vand.u32 $0x7, v3;
	v4 =	vand.u32 $0xFFFFFFF0, v57  }
0x24: {  	v3 =	vor.u32 v3, v4  }
0x25: {  	v4 =	vperm.xlane v3, v0;
	_ =	sdelay $0x1  }
0x26: {  	v3 =	vperm.xlane v3, v2;
	v4 =	vadd.s32 v1, v4;
	_ =	sdelay $0x1  }
0x27: {  	v3 =	vadd.s32 v1, v3;
	_ =	sdelay $0x2  }
0x28: {  	[tilespmem:s10], [sflag:$0x1] =	stream.indirect_vreg.gather [hbm4b:s1+s2], $0x80, v4, vm0, $0xb8;
	[tilespmem:$0x8080] =	vst v63  }
0x29: {  	_ = 	snop  }
0x2a: {  	[tilespmem:s11], [sflag:$0x1] =	stream.indirect_vreg.gather [hbm4b:s1+s2], $0x80, v3, vm0, $0xb8;
	[tilespmem:$0x8080] =	vst v63  }
0x2b: {  	v3 =	vld [tilespmem:$0x20];
	_ =	sdelay $0x4  }
0x2c: {  	v58 =	vshll.u32 v3, $0x1  }
0x2d: {  	v3 =	vand.u32 $0x7, v3;
	v4 =	vand.u32 $0xFFFFFFF0, v58  }
0x2e: {  	v3 =	vor.u32 v3, v4  }
0x2f: {  	v4 =	vperm.xlane v3, v0;
	_ =	sdelay $0x1  }
0x30: {  	v3 =	vperm.xlane v3, v2;
	v4 =	vadd.s32 v1, v4;
	_ =	sdelay $0x1  }
0x31: {  	v3 =	vadd.s32 v1, v3;
	_ =	sdelay $0x2  }
0x32: {  	[tilespmem:s12], [sflag:$0x1] =	stream.indirect_vreg.gather [hbm4b:s1+s2], $0x80, v4, vm0, $0xb8;
	[tilespmem:$0x8080] =	vst v63  }
0x33: {  	_ = 	snop  }
0x34: {  	[tilespmem:s13], [sflag:$0x1] =	stream.indirect_vreg.gather [hbm4b:s1+s2], $0x80, v3, vm0, $0xb8;
	[tilespmem:$0x8080] =	vst v63  }
0x35: {  	v3 =	vld [tilespmem:$0x30];
	_ =	sdelay $0x4  }
0x36: {  	v59 =	vshll.u32 v3, $0x1  }
0x37: {  	v3 =	vand.u32 $0x7, v3;
	v4 =	vand.u32 $0xFFFFFFF0, v59  }
0x38: {  	v3 =	vor.u32 v3, v4  }
0x39: {  	v4 =	vperm.xlane v3, v0;
	_ =	sdelay $0x1  }
0x3a: {  	v3 =	vperm.xlane v3, v2;
	v4 =	vadd.s32 v1, v4;
	_ =	sdelay $0x1  }
0x3b: {  	v3 =	vadd.s32 v1, v3;
	_ =	sdelay $0x2  }
0x3c: {  	[tilespmem:s14], [sflag:$0x1] =	stream.indirect_vreg.gather [hbm4b:s1+s2], $0x80, v4, vm0, $0xb8;
	[tilespmem:$0x8080] =	vst v63  }
0x3d: {  	_ = 	snop  }
0x3e: {  	[tilespmem:s15], [sflag:$0x1] =	stream.indirect_vreg.gather [hbm4b:s1+s2], $0x80, v3, vm0, $0xb8;
	[tilespmem:$0x8080] =	vst v63  }
0x3f: {  	v3 =	vld [tilespmem:$0x40];
	_ =	sdelay $0x4  }
0x40: {  	v60 =	vshll.u32 v3, $0x1  }
0x41: {  	v3 =	vand.u32 $0x7, v3;
	v4 =	vand.u32 $0xFFFFFFF0, v60  }
0x42: {  	v3 =	vor.u32 v3, v4  }
0x43: {  	v4 =	vperm.xlane v3, v0;
	_ =	sdelay $0x1  }
0x44: {  	v3 =	vperm.xlane v3, v2;
	v4 =	vadd.s32 v1, v4;
	_ =	sdelay $0x1  }
0x45: {  	v3 =	vadd.s32 v1, v3;
	_ =	sdelay $0x2  }
0x46: {  	[tilespmem:s16], [sflag:$0x1] =	stream.indirect_vreg.gather [hbm4b:s1+s2], $0x80, v4, vm0, $0xb8;
	[tilespmem:$0x8080] =	vst v63  }
0x47: {  	_ = 	snop  }
0x48: {  	[tilespmem:s17], [sflag:$0x1] =	stream.indirect_vreg.gather [hbm4b:s1+s2], $0x80, v3, vm0, $0xb8;
	[tilespmem:$0x8080] =	vst v63  }
0x49: {  	v3 =	vld [tilespmem:$0x50];
	_ =	sdelay $0x4  }
0x4a: {  	v61 =	vshll.u32 v3, $0x1  }
0x4b: {  	v3 =	vand.u32 $0x7, v3;
	v4 =	vand.u32 $0xFFFFFFF0, v61  }
0x4c: {  	v3 =	vor.u32 v3, v4  }
0x4d: {  	v4 =	vperm.xlane v3, v0;
	_ =	sdelay $0x1  }
0x4e: {  	v3 =	vperm.xlane v3, v2;
	v4 =	vadd.s32 v1, v4;
	_ =	sdelay $0x1  }
0x4f: {  	v3 =	vadd.s32 v1, v3;
	_ =	sdelay $0x2  }
0x50: {  	[tilespmem:s18], [sflag:$0x1] =	stream.indirect_vreg.gather [hbm4b:s1+s2], $0x80, v4, vm0, $0xb8;
	[tilespmem:$0x8080] =	vst v63  }
0x51: {  	_ = 	snop  }
0x52: {  	[tilespmem:s19], [sflag:$0x1] =	stream.indirect_vreg.gather [hbm4b:s1+s2], $0x80, v3, vm0, $0xb8;
	[tilespmem:$0x8080] =	vst v63  }
0x53: {  	v3 =	vld [tilespmem:$0x60];
	_ =	sdelay $0x4  }
0x54: {  	v62 =	vshll.u32 v3, $0x1  }
0x55: {  	v3 =	vand.u32 $0x7, v3;
	v4 =	vand.u32 $0xFFFFFFF0, v62  }
0x56: {  	v3 =	vor.u32 v3, v4  }
0x57: {  	v4 =	vperm.xlane v3, v0;
	_ =	sdelay $0x1  }
0x58: {  	v3 =	vperm.xlane v3, v2;
	v4 =	vadd.s32 v1, v4;
	_ =	sdelay $0x1  }
0x59: {  	v3 =	vadd.s32 v1, v3;
	_ =	sdelay $0x2  }
0x5a: {  	[tilespmem:s20], [sflag:$0x1] =	stream.indirect_vreg.gather [hbm4b:s1+s2], $0x80, v4, vm0, $0xb8;
	[tilespmem:$0x8080] =	vst v63  }
0x5b: {  	_ = 	snop  }
0x5c: {  	[tilespmem:s21], [sflag:$0x1] =	stream.indirect_vreg.gather [hbm4b:s1+s2], $0x80, v3, vm0, $0xb8;
	[tilespmem:$0x8080] =	vst v63  }
0x5d: {  	v3 =	vld [tilespmem:$0x70];
	_ =	sdelay $0x4  }
0x5e: {  	v63 =	vshll.u32 v3, $0x1  }
0x5f: {  	v3 =	vand.u32 $0x7, v3;
	v4 =	vand.u32 $0xFFFFFFF0, v63  }
0x60: {  	v3 =	vor.u32 v3, v4  }
0x61: {  	v4 =	vperm.xlane v3, v0;
	_ =	sdelay $0x1  }
0x62: {  	v3 =	vperm.xlane v3, v2;
	v4 =	vadd.s32 v1, v4;
	_ =	sdelay $0x1  }
0x63: {  	v3 =	vadd.s32 v1, v3;
	_ =	sdelay $0x2  }
0x64: {  	[tilespmem:s22], [sflag:$0x1] =	stream.indirect_vreg.gather [hbm4b:s1+s2], $0x80, v4, vm0, $0xb8;
	[tilespmem:$0x8080] =	vst v63  }
0x65: {  	_ = 	snop  }
0x66: {  	[tilespmem:s23], [sflag:$0x1] =	stream.indirect_vreg.gather [hbm4b:s1+s2], $0x80, v3, vm0, $0xb8;
	[tilespmem:$0x8080] =	vst v63  }
0x67: {  	_ =	swait.ge [sflag:s8], $0x8000  }
0x68: {  	p1 =	por p0, p0;
	s25 =	sshll.u32 s25, $0x5;
	[sflag:s8] =	ssyncset.done $0x0  }
.Ltmp0:
0x69: {  	s25 =	sadd.s32 s5, s25;
	[sflag:s8] =	ssyncadd.s32 $0xFFFF8000;
	(pc) =	sbr.rel @p1 .LBB2_2-.Ltmp0, $4  }
0x6a: {  	[hbm4b:s25+s2] =	stream.linear.scatter [tilespmem:s26], [sflag:$0x1], $0x8000, $0x38;
	[tilespmem:$0x8080] =	vst v63  }
0x6b: {  	_ =	swait.ge [sflag:s8], $0x8000  }
0x6c: {  	[sflag:s8] =	ssyncset.done $0x0  }
0x6d: {  	p0 =	por $0x0, $0x0;
	[sflag:s8] =	ssyncadd.s32 $0xFFFF8000  }
0x6e: {  	s24 =	sadd.s32 $0x1, s24  }
0x6f: {  	p0 =	sne.s32 s24, s7  }
.Ltmp1:
0x70: {  	_ = 	snop;
	(pc) =	sbr.rel @p0 .LBB2_1-.Ltmp1, $1  }
0x71: {  	_ =	sdelay $0x3  }
0x72: {  	_ =	sfence.sel $0x180000  }
0x73: {  	[bflag:$0x0] =	sbarrier.arrive $0xFFFF  }
0x74: {  	p0 =	sne.s32 s3, $0x0;
	_ =	strace $0x90000050  }
0x75: {  	s0 =	sadd.s32 @!p0 $0x100000, s0;
	[bflag:$0x2] =	sbarrier.arrive $0xFFFF  }
0x76: {  	[sflag:s0] =	ssyncadd.tile.s32 @!p0 $0x1;
	_ =	shalt  }
.Lfunc_end2:
_tile_overlayer_lowered:
.L_overlay_start_2:
0x77: {  	(tag) =	ssettag $0x2  }
0x78: {  	s0 =	rddreg [dreg:$0x0];
	s2 =	stileid.u32  }
0x79: {  	s1 =	rddreg [dreg:$0x1];
	p0 =	sne.s32 s2, $0x0  }
0x7a: {  	s3 =	rddreg [dreg:$0x2];
	[bflag:$0x3] =	sbarrier.arrive $0xFFFF;
	s2 =	simm.s32 @!p0 $0x1C01  }
0x7b: {  	[timem:s3], [sflag:s2] =	dma.local @!p0 [hbm:s0], s1  }
0x7c: {  	s0 =	simm.s32 @!p0 $0x1  }
0x7d: {  	_ =	swait.ge @!p0 [sflag:s0], s1  }
0x7e: {  	s1 =	ssub.s32 @!p0 $0x0, s1;
	[sflag:s0] =	ssyncset.done @!p0 $0x0  }
0x7f: {  	[sflag:s0] =	ssyncadd.s32 @!p0 s1  }
0x80: {  	[bflag:$0x3] =	sbarrier.arrive $0xFFFF  }
0x81: {  	_ =	shalt  }

</sc_bundles>
